<compile_context>
chip_gen: v7x
topology: tpu7x:2x2x1
jax: 0.10.2.dev20260603
libtpu: 0.0.44.dev20260713+nightly
codegen_flags: <defaults>
</compile_context>

<pallas_src>
import functools

import jax
import jax.numpy as jnp
from jax import lax
from jax.experimental import pallas as pl
from jax.experimental.pallas import tpu as pltpu
from jax.experimental.pallas import tpu_sc as plsc

NC = 2
NS = 16
LN = 16
CH = 128

N_NODES = 50000
ROWS_PER_TILE = 3200
NPAD = ROWS_PER_TILE * NS
E_EDGES = 800000
EDGES_PER_TILE = 50688
EPAD = EDGES_PER_TILE * NS
N_RCHUNKS = ROWS_PER_TILE // CH
CROWS_PER_TILE = EDGES_PER_TILE // CH
KD = 22
NGD = 18

@functools.cache
def _get_mesh():
  return plsc.VectorSubcoreMesh(core_axis_name="c", subcore_axis_name="s")


def _zero_chunk(buf, w):
  z = jnp.zeros((LN,), jnp.float32)
  def body(r, _):
    for h in range(w // LN):
      buf[r, pl.ds(h * LN, LN)] = z
    return 0
  lax.fori_loop(0, CH, body, 0)


def _load_idx(hbm, off, dst_row):
  pltpu.sync_copy(hbm.at[pl.ds(off, CH)], dst_row.at[0])


def _deg_body(idx_hbm, out_hbm, acc, idxb, ones, pbuf, seml, sems, s):
  def zb(k, _):
    pltpu.sync_copy(ones.at[pl.ds(CH, CH)],
                    acc.at[pl.ds(s * ROWS_PER_TILE + k * CH, CH)])
    return 0
  lax.fori_loop(0, N_RCHUNKS, zb, 0)
  plsc.subcore_barrier()

  base = s * CROWS_PER_TILE
  def eb(g, _):
    row0 = base + g * KD
    pltpu.sync_copy(idx_hbm.at[pl.ds(row0, KD), :], idxb)
    sh = [pltpu.async_copy(ones.at[pl.ds(0, CH)], acc.at[idxb.at[k]],
                           sems, add=True) for k in range(KD)]
    for h in sh:
      h.wait()
    return 0
  lax.fori_loop(0, NGD, eb, 0)
  plsc.subcore_barrier()

  def post(k, _):
    r0 = s * ROWS_PER_TILE + k * CH
    pltpu.sync_copy(acc.at[pl.ds(r0, CH)], pbuf)
    for h in range(CH // LN):
      v = pbuf[pl.ds(h * LN, LN)]
      pbuf[pl.ds(h * LN, LN)] = jnp.where(v > 0.0, 1.0 / v, 0.0)
    pltpu.sync_copy(pbuf, out_hbm.at[pl.ds(r0, CH)])
    return 0
  lax.fori_loop(0, N_RCHUNKS, post, 0)


def _deg_kernel(ni_hbm, ei_hbm, dinv_hbm, binv_hbm, acc, idxb, ones, pbuf,
                seml, sems):
  c = lax.axis_index("c")
  s = lax.axis_index("s")
  one = jnp.ones((LN,), jnp.float32)
  zero = jnp.zeros((LN,), jnp.float32)
  for h in range(CH // LN):
    ones[pl.ds(h * LN, LN)] = one
    ones[pl.ds(CH + h * LN, LN)] = zero

  @pl.when(c == 0)
  def _():
    _deg_body(ni_hbm, dinv_hbm, acc, idxb, ones, pbuf, seml, sems, s)

  @pl.when(c == 1)
  def _():
    _deg_body(ei_hbm, binv_hbm, acc, idxb, ones, pbuf, seml, sems, s)


@jax.jit
def _degrees(ni_p, ei_p):
  f = pl.kernel(
      _deg_kernel,
      out_type=[jax.ShapeDtypeStruct((NPAD,), jnp.float32),
                jax.ShapeDtypeStruct((NPAD,), jnp.float32)],
      mesh=_get_mesh(),
      compiler_params=pltpu.CompilerParams(use_tc_tiling_on_sc=False),
      scratch_types=[
          pltpu.VMEM_SHARED((NPAD,), jnp.float32),
          pltpu.VMEM((KD, CH), jnp.int32),
          pltpu.VMEM((2 * CH,), jnp.float32),
          pltpu.VMEM((CH,), jnp.float32),
          pltpu.SemaphoreType.DMA,
          pltpu.SemaphoreType.DMA,
      ],
  )
  return f(ni_p, ei_p)


def _spmm_kernel(w, relu, ks, table_hbm, src_hbm, dst_hbm, inv_hbm, out_hbm,
                 acc, sidx, didx, shft, rows, ibuf, seml, semg, sems):
  c = lax.axis_index("c")
  s = lax.axis_index("s")
  shift = c * NPAD
  ngs = CROWS_PER_TILE // ks
  pbuf = rows.at[0]

  _zero_chunk(pbuf, w)
  zh = [pltpu.async_copy(pbuf, acc.at[pl.ds(s * ROWS_PER_TILE + k * CH, CH), :],
                         semg) for k in range(N_RCHUNKS)]
  for h in zh:
    h.wait()
  plsc.subcore_barrier()

  base = s * CROWS_PER_TILE
  def eb(g, _):
    row0 = base + g * ks
    pltpu.sync_copy(src_hbm.at[pl.ds(row0, ks), :], sidx)
    lh = pltpu.async_copy(dst_hbm.at[pl.ds(row0, ks), :], didx, seml)
    for k in range(ks):
      for h in range(CH // LN):
        shft[k, pl.ds(h * LN, LN)] = sidx[k, pl.ds(h * LN, LN)] + shift
    gh = [pltpu.async_copy(table_hbm.at[shft.at[k]], rows.at[k], semg)
          for k in range(ks)]
    lh.wait()
    for h in gh:
      h.wait()
    sh = [pltpu.async_copy(rows.at[k], acc.at[didx.at[k]], sems, add=True)
          for k in range(ks)]
    for h in sh:
      h.wait()
    return 0
  lax.fori_loop(0, ngs, eb, 0)
  plsc.subcore_barrier()

  def post(k, _):
    r0 = s * ROWS_PER_TILE + k * CH
    pltpu.sync_copy(acc.at[pl.ds(r0, CH), :], pbuf)
    pltpu.sync_copy(inv_hbm.at[pl.ds(r0, CH)], ibuf.at[pl.ds(0, CH)])
    for rb in range(CH // LN):
      iv = ibuf[pl.ds(rb * LN, LN)]
      for t in range(LN):
        sv = iv[t]
        r = rb * LN + t
        for h in range(w // LN):
          v = pbuf[r, pl.ds(h * LN, LN)] * sv
          if relu:
            v = jnp.maximum(v, 0.0)
          pbuf[r, pl.ds(h * LN, LN)] = v
    pltpu.sync_copy(pbuf, out_hbm.at[pl.ds(shift + r0, CH), :])
    return 0
  lax.fori_loop(0, N_RCHUNKS, post, 0)


@functools.partial(jax.jit, static_argnums=(4, 5))
def _spmm(table, src, dst, inv, w, relu):
  ks = 6 if w == 32 else 22
  f = pl.kernel(
      functools.partial(_spmm_kernel, w, relu, ks),
      out_type=jax.ShapeDtypeStruct((2 * NPAD, w), jnp.float32),
      mesh=_get_mesh(),
      compiler_params=pltpu.CompilerParams(use_tc_tiling_on_sc=False),
      scratch_types=[
          pltpu.VMEM_SHARED((NPAD, w), jnp.float32),
          pltpu.VMEM((ks, CH), jnp.int32),
          pltpu.VMEM((ks, CH), jnp.int32),
          pltpu.VMEM((ks, CH), jnp.int32),
          pltpu.VMEM((ks, CH, w), jnp.float32),
          pltpu.VMEM((CH + LN,), jnp.float32),
          pltpu.SemaphoreType.DMA,
          pltpu.SemaphoreType.DMA,
          pltpu.SemaphoreType.DMA,
      ],
  )
  return f(table, src, dst, inv)


def _head_kernel(nt0, nt1, nt2, nt3, et0, et1, et2, et3,
                 marks_hbm, emarks_hbm, h_hbm,
                 mb, eb, shft, g32, g16a, g16b, hbuf):
  c = lax.axis_index("c")
  s = lax.axis_index("s")
  wid = c * NS + s
  r0 = wid * CH
  nts = [nt0, nt1, nt2, nt3]
  ets = [et0, et1, et2, et3]

  _load_idx(marks_hbm, r0, mb)
  _load_idx(emarks_hbm, r0, eb)

  for l in range(4):
    for half in range(2):
      shift = half * NPAD
      for h in range(CH // LN):
        shft[0, pl.ds(h * LN, LN)] = mb[0, pl.ds(h * LN, LN)] + shift
      pltpu.sync_copy(nts[l].at[shft.at[0]], g32)
      col0 = 256 + l * 64 + half * 32
      def cpy(r, _, col0=col0):
        for h2 in range(2):
          hbuf[r, pl.ds(col0 + h2 * LN, LN)] = g32[r, pl.ds(h2 * LN, LN)]
        return 0
      lax.fori_loop(0, CH, cpy, 0)

  for l in range(4):
    for half in range(2):
      shift = half * NPAD
      for h in range(CH // LN):
        shft[0, pl.ds(h * LN, LN)] = eb[0, pl.ds(h * LN, LN)] + shift
      pltpu.sync_copy(ets[l].at[shft.at[0]], g16a)
      for h in range(CH // LN):
        shft[0, pl.ds(h * LN, LN)] = eb[0, pl.ds(h * LN, LN)] + (shift + 1)
      pltpu.sync_copy(ets[l].at[shft.at[0]], g16b)
      cmin = l * 32 + half * 16
      def mm(r, _, cmin=cmin):
        v1 = g16a[r, pl.ds(0, LN)]
        v2 = g16b[r, pl.ds(0, LN)]
        hbuf[r, pl.ds(cmin, LN)] = jnp.minimum(v1, v2)
        hbuf[r, pl.ds(128 + cmin, LN)] = jnp.maximum(v1, v2)
        return 0
      lax.fori_loop(0, CH, mm, 0)

  pltpu.sync_copy(hbuf, h_hbm.at[pl.ds(r0, CH), :])


@jax.jit
def _head_gather(nts, ets, marks, emarks):
  f = pl.kernel(
      _head_kernel,
      out_type=jax.ShapeDtypeStruct((4096, 512), jnp.float32),
      mesh=_get_mesh(),
      compiler_params=pltpu.CompilerParams(use_tc_tiling_on_sc=False),
      scratch_types=[
          pltpu.VMEM((1, CH), jnp.int32),
          pltpu.VMEM((1, CH), jnp.int32),
          pltpu.VMEM((1, CH), jnp.int32),
          pltpu.VMEM((CH, 32), jnp.float32),
          pltpu.VMEM((CH, 16), jnp.float32),
          pltpu.VMEM((CH, 16), jnp.float32),
          pltpu.VMEM((CH, 512), jnp.float32),
      ],
  )
  return f(*nts, *ets, marks, emarks)


BL = 512


def _mm_body(nparts, widths, *refs):
  parts = refs[:nparts]
  w_ref = refs[nparts]
  b_ref = refs[nparts + 1]
  o_ref = refs[nparts + 2]
  acc = jnp.zeros(o_ref.shape[1:], jnp.float32)
  off = 0
  for p, wp in zip(parts, widths):
    acc = acc + jnp.dot(p[...], w_ref[0, off:off + wp, :],
                        preferred_element_type=jnp.float32)
    off += wp
  o_ref[...] = (acc + b_ref[0])[None]


@functools.partial(jax.jit, static_argnums=(3,))
def _tc_mm(parts, W, b, half):
  nparts = len(parts)
  widths = tuple(p.shape[1] for p in parts)
  din = sum(widths)
  W2 = W.reshape(din, 2, half).transpose(1, 0, 2)
  b2 = b.reshape(2, 1, half)
  in_specs = [pl.BlockSpec((BL, wp), lambda i, c: (i, 0)) for wp in widths]
  in_specs.append(pl.BlockSpec((1, din, half), lambda i, c: (c, 0, 0)))
  in_specs.append(pl.BlockSpec((1, 1, half), lambda i, c: (c, 0, 0)))
  out = pl.pallas_call(
      functools.partial(_mm_body, nparts, widths),
      grid=(NPAD // BL, 2),
      in_specs=in_specs,
      out_specs=pl.BlockSpec((1, BL, half), lambda i, c: (c, i, 0)),
      out_shape=jax.ShapeDtypeStruct((2, NPAD, half), jnp.float32),
  )(*parts, W2, b2)
  return out.reshape(2 * NPAD, half)


def _mlp_body(h_ref, w1_ref, b1_ref, w2_ref, b2_ref, o_ref):
  h1 = jnp.maximum(
      jnp.dot(h_ref[...], w1_ref[...], preferred_element_type=jnp.float32)
      + b1_ref[...], 0.0)
  z = jnp.dot(h1, w2_ref[...], preferred_element_type=jnp.float32) + b2_ref[...]
  m = jnp.max(z, axis=1, keepdims=True)
  lse = m + jnp.log(jnp.sum(jnp.exp(z - m), axis=1, keepdims=True))
  o_ref[...] = z - lse


@jax.jit
def _tc_head(h, W1, b1, W2, b2):
  HB = 512
  return pl.pallas_call(
      _mlp_body,
      grid=(4096 // HB,),
      in_specs=[
          pl.BlockSpec((HB, 512), lambda i: (i, 0)),
          pl.BlockSpec((512, 128), lambda i: (0, 0)),
          pl.BlockSpec((1, 128), lambda i: (0, 0)),
          pl.BlockSpec((128, 2), lambda i: (0, 0)),
          pl.BlockSpec((1, 2), lambda i: (0, 0)),
      ],
      out_specs=pl.BlockSpec((HB, 2), lambda i: (i, 0)),
      out_shape=jax.ShapeDtypeStruct((4096, 2), jnp.float32),
  )(h, W1, b1.reshape(1, -1), W2, b2.reshape(1, -1))


def kernel(x, edge_index, marks, edge_x, edge_marks,
           Wn0, bn0, We0, be0, Wn1, bn1, We1, be1,
           Wn2, bn2, We2, be2, Wn3, bn3, We3, be3,
           W1, b1, W2, b2):
  pad_idx = jnp.full((EPAD - E_EDGES,), NPAD - 1, jnp.int32)
  ni_p = jnp.concatenate([edge_index[0], pad_idx]).reshape(-1, CH)
  ei_p = jnp.concatenate([edge_index[1], pad_idx]).reshape(-1, CH)

  dinv, binv = _degrees(ni_p, ei_p)

  x_p = jnp.zeros((NPAD, x.shape[1]), jnp.float32).at[:N_NODES].set(x)
  ex_p = jnp.zeros((NPAD, edge_x.shape[1]), jnp.float32).at[:N_NODES].set(edge_x)

  cur_parts = [x_p]
  cure_parts = [ex_p]
  node_outs, edge_outs = [], []
  Wns = [(Wn0, bn0), (Wn1, bn1), (Wn2, bn2), (Wn3, bn3)]
  Wes = [(We0, be0), (We1, be1), (We2, be2), (We3, be3)]
  for (Wn, bn), (We, be) in zip(Wns, Wes):
    xw = _tc_mm(cur_parts, Wn, bn, 32)
    ew = _tc_mm(cure_parts, We, be, 16)
    t = _spmm(xw, ni_p, ei_p, binv, 32, False)
    nout = _spmm(t, ei_p, ni_p, dinv, 32, True)
    t2 = _spmm(ew, ei_p, ni_p, dinv, 16, False)
    eout = _spmm(t2, ni_p, ei_p, binv, 16, True)
    node_outs.append(nout)
    edge_outs.append(eout)
    n3 = nout.reshape(2, NPAD, 32)
    e3 = eout.reshape(2, NPAD, 16)
    cur_parts = [n3[0], n3[1]]
    cure_parts = [e3[0], e3[1]]

  h = _head_gather(node_outs, edge_outs, marks, edge_marks)
  return _tc_head(h, W1, b1, W2, b2)

# --- scband reference (transcript-rebuilt; emitter-appended) ---
"""Pipeline reference for scband-hglp-25451976196825 (READ-ONLY COPY).

The authoritative reference and input builder live on the scoring server;
editing this copy changes nothing except your own understanding.
"""

import jax, jax.numpy as jnp
import numpy as np


def _hconv(x, ni, ei, W, b, n_nodes, n_hedges):
    # PyG-style HypergraphConv (Bai et al.), no attention, hyperedge_weight = 1:
    # out = D^{-1} H B^{-1} H^T (x @ W + b)
    xw = x @ W + b
    ones = jnp.ones(ni.shape[0], dtype=x.dtype)
    D = jax.ops.segment_sum(ones, ni, num_segments=n_nodes)
    B = jax.ops.segment_sum(ones, ei, num_segments=n_hedges)
    Dinv = jnp.where(D > 0, 1.0 / D, 0.0)
    Binv = jnp.where(B > 0, 1.0 / B, 0.0)
    e_msg = jax.ops.segment_sum(xw[ni], ei, num_segments=n_hedges) * Binv[:, None]
    out = jax.ops.segment_sum(e_msg[ei], ni, num_segments=n_nodes) * Dinv[:, None]
    return out


def setup_inputs(seed: int = 0):
    key = jax.random.key(seed)
    ks = jax.random.split(key, 40)
    N, E, He = 50000, 800000, 50000
    input_dim, hidden_size = 64, 128
    latent = [32, 32, 32, 32]
    inp = {}
    inp["x"] = jax.random.normal(ks[0], (N, input_dim * 2), dtype=jnp.float32)
    inp["edge_index"] = jax.random.randint(ks[1], (2, E), 0, He, dtype=jnp.int32)
    inp["marks"] = jax.random.randint(ks[2], (4096,), 0, N, dtype=jnp.int32)
    inp["edge_x"] = jax.random.normal(ks[3], (He, input_dim), dtype=jnp.float32)
    inp["edge_marks"] = jax.random.randint(ks[4], (4096,), 0, He - 1, dtype=jnp.int32)
    n_in = [input_dim * 2] + [l * 2 for l in latent[:-1]]
    e_in = [input_dim] + latent[:-1]
    k = 5
    for i in range(4):
        inp[f"Wn{i}"] = jax.random.normal(ks[k], (n_in[i], latent[i] * 2), dtype=jnp.float32) * 0.05; k += 1
        inp[f"bn{i}"] = jnp.zeros((latent[i] * 2,), dtype=jnp.float32)
        inp[f"We{i}"] = jax.random.normal(ks[k], (e_in[i], latent[i]), dtype=jnp.float32) * 0.05; k += 1
        inp[f"be{i}"] = jnp.zeros((latent[i],), dtype=jnp.float32)
    total = sum(latent) * 4
    inp["W1"] = jax.random.normal(ks[k], (total, hidden_size), dtype=jnp.float32) * 0.05; k += 1
    inp["b1"] = jnp.zeros((hidden_size,), dtype=jnp.float32)
    inp["W2"] = jax.random.normal(ks[k], (hidden_size, 2), dtype=jnp.float32) * 0.05
    inp["b2"] = jnp.zeros((2,), dtype=jnp.float32)
    return inp


def reference(x, edge_index, marks, edge_x, edge_marks,
              Wn0, bn0, We0, be0, Wn1, bn1, We1, be1,
              Wn2, bn2, We2, be2, Wn3, bn3, We3, be3,
              W1, b1, W2, b2):
    N = x.shape[0]
    He = edge_x.shape[0]
    ni = edge_index[0]
    ei = edge_index[1]
    Wns = [(Wn0, bn0), (Wn1, bn1), (Wn2, bn2), (Wn3, bn3)]
    Wes = [(We0, be0), (We1, be1), (We2, be2), (We3, be3)]
    all_x, all_e = [], []
    cur, cure = x, edge_x
    for (Wn, bn), (We, be) in zip(Wns, Wes):
        cur = jax.nn.relu(_hconv(cur, ni, ei, Wn, bn, N, He))
        all_x.append(cur)
        # conv_for_edge uses edge_index[[1, 0]]: hyperedges act as nodes of the dual hypergraph
        cure = jax.nn.relu(_hconv(cure, ei, ni, We, be, He, N))
        all_e.append(cure)
    xc = jnp.concatenate(all_x, axis=1)[marks]
    ec = jnp.concatenate(all_e, axis=1)
    e1 = ec[edge_marks]
    e2 = ec[edge_marks + 1]
    ex = jnp.concatenate([jnp.minimum(e1, e2), jnp.maximum(e1, e2)], axis=1)
    h = jnp.concatenate([ex, xc], axis=1)
    h = jax.nn.relu(h @ W1 + b1)
    logits = h @ W2 + b2
    return jax.nn.log_softmax(logits, axis=1)

if __name__ == "__main__":
    import jax
    _d = setup_inputs()
    print(jax.jit(kernel)(*tuple(_d.values())))

</pallas_src>

<mosaic_0001>
#map = affine_map<(d0, d1) -> (0, 0)>
#map1 = affine_map<(d0, d1) -> (0)>
module attributes {stable_mosaic.version = 14 : i64} {
  func.func @_deg_kernel(%arg0: i32, %arg1: i32, %arg2: memref<6336x128xi32, #tpu.memory_space<hbm>>, %arg3: memref<6336x128xi32, #tpu.memory_space<hbm>>, %arg4: memref<51200xf32, #tpu.memory_space<hbm>>, %arg5: memref<51200xf32, #tpu.memory_space<hbm>>, %arg6: memref<51200xf32, #tpu.memory_space<vmem_shared>>, %arg7: memref<22x128xi32, #tpu.memory_space<vmem>>, %arg8: memref<256xf32, #tpu.memory_space<vmem>>, %arg9: memref<128xf32, #tpu.memory_space<vmem>>, %arg10: memref<!tpu.dma_semaphore, #tpu.memory_space<semaphore_mem>>, %arg11: memref<!tpu.dma_semaphore, #tpu.memory_space<semaphore_mem>>) attributes {dimension_semantics = [#tpu.dimension_semantics<core_parallel>, #tpu.dimension_semantics<subcore_parallel>], iteration_bounds = array<i64: 2, 16>, scalar_prefetch = 0 : i64, scratch_operands = 6 : i64, tpu.core_type = #tpu.core_type<sc_vector_subcore>, window_params = [{transform_indices = #map}, {transform_indices = #map}, {transform_indices = #map1}, {transform_indices = #map1}]} {
    %broadcast_in_dim3A = arith.constant 1.000000e+00 : f32
    %broadcast_in_dim3A_0 = vector.broadcast %broadcast_in_dim3A : f32 to vector<16xf32>
    %broadcast_in_dim3A_1 = arith.constant 0.000000e+00 : f32
    %broadcast_in_dim3A_2 = vector.broadcast %broadcast_in_dim3A_1 : f32 to vector<16xf32>
    %swap3A = arith.constant 0 : index
    %swap3A_3 = tpu.vector_load %arg8[%swap3A] {strides = array<i32>} : memref<256xf32, #tpu.memory_space<vmem>>, vector<16xf32>,
    %swap3A_4 = vector.shape_cast %swap3A_3 : vector<16xf32> to vector<16xf32>
    %swap3A_5 = vector.shape_cast %broadcast_in_dim3A_0 : vector<16xf32> to vector<16xf32>
    tpu.vector_store %arg8[%swap3A], %swap3A_5 {strides = array<i32>} : memref<256xf32, #tpu.memory_space<vmem>>, vector<16xf32>,
    %swap3A_6 = arith.constant 128 : index
    %swap3A_7 = tpu.vector_load %arg8[%swap3A_6] {strides = array<i32>} : memref<256xf32, #tpu.memory_space<vmem>>, vector<16xf32>,
    %swap3A_8 = vector.shape_cast %swap3A_7 : vector<16xf32> to vector<16xf32>
    %swap3A_9 = vector.shape_cast %broadcast_in_dim3A_2 : vector<16xf32> to vector<16xf32>
    tpu.vector_store %arg8[%swap3A_6], %swap3A_9 {strides = array<i32>} : memref<256xf32, #tpu.memory_space<vmem>>, vector<16xf32>,
    %swap3A_10 = arith.constant 16 : index
    %swap3A_11 = tpu.vector_load %arg8[%swap3A_10] {strides = array<i32>} : memref<256xf32, #tpu.memory_space<vmem>>, vector<16xf32>,
    %swap3A_12 = vector.shape_cast %swap3A_11 : vector<16xf32> to vector<16xf32>
    %swap3A_13 = vector.shape_cast %broadcast_in_dim3A_0 : vector<16xf32> to vector<16xf32>
    tpu.vector_store %arg8[%swap3A_10], %swap3A_13 {strides = array<i32>} : memref<256xf32, #tpu.memory_space<vmem>>, vector<16xf32>,
    %swap3A_14 = arith.constant 144 : index
    %swap3A_15 = tpu.vector_load %arg8[%swap3A_14] {strides = array<i32>} : memref<256xf32, #tpu.memory_space<vmem>>, vector<16xf32>,
    %swap3A_16 = vector.shape_cast %swap3A_15 : vector<16xf32> to vector<16xf32>
    %swap3A_17 = vector.shape_cast %broadcast_in_dim3A_2 : vector<16xf32> to vector<16xf32>
    tpu.vector_store %arg8[%swap3A_14], %swap3A_17 {strides = array<i32>} : memref<256xf32, #tpu.memory_space<vmem>>, vector<16xf32>,
    %swap3A_18 = arith.constant 32 : index
    %swap3A_19 = tpu.vector_load %arg8[%swap3A_18] {strides = array<i32>} : memref<256xf32, #tpu.memory_space<vmem>>, vector<16xf32>,
    %swap3A_20 = vector.shape_cast %swap3A_19 : vector<16xf32> to vector<16xf32>
    %swap3A_21 = vector.shape_cast %broadcast_in_dim3A_0 : vector<16xf32> to vector<16xf32>
    tpu.vector_store %arg8[%swap3A_18], %swap3A_21 {strides = array<i32>} : memref<256xf32, #tpu.memory_space<vmem>>, vector<16xf32>,
    %swap3A_22 = arith.constant 160 : index
    %swap3A_23 = tpu.vector_load %arg8[%swap3A_22] {strides = array<i32>} : memref<256xf32, #tpu.memory_space<vmem>>, vector<16xf32>,
    %swap3A_24 = vector.shape_cast %swap3A_23 : vector<16xf32> to vector<16xf32>
    %swap3A_25 = vector.shape_cast %broadcast_in_dim3A_2 : vector<16xf32> to vector<16xf32>
    tpu.vector_store %arg8[%swap3A_22], %swap3A_25 {strides = array<i32>} : memref<256xf32, #tpu.memory_space<vmem>>, vector<16xf32>,
    %swap3A_26 = arith.constant 48 : index
    %swap3A_27 = tpu.vector_load %arg8[%swap3A_26] {strides = array<i32>} : memref<256xf32, #tpu.memory_space<vmem>>, vector<16xf32>,
    %swap3A_28 = vector.shape_cast %swap3A_27 : vector<16xf32> to vector<16xf32>
    %swap3A_29 = vector.shape_cast %broadcast_in_dim3A_0 : vector<16xf32> to vector<16xf32>
    tpu.vector_store %arg8[%swap3A_26], %swap3A_29 {strides = array<i32>} : memref<256xf32, #tpu.memory_space<vmem>>, vector<16xf32>,
    %swap3A_30 = arith.constant 176 : index
    %swap3A_31 = tpu.vector_load %arg8[%swap3A_30] {strides = array<i32>} : memref<256xf32, #tpu.memory_space<vmem>>, vector<16xf32>,
    %swap3A_32 = vector.shape_cast %swap3A_31 : vector<16xf32> to vector<16xf32>
    %swap3A_33 = vector.shape_cast %broadcast_in_dim3A_2 : vector<16xf32> to vector<16xf32>
    tpu.vector_store %arg8[%swap3A_30], %swap3A_33 {strides = array<i32>} : memref<256xf32, #tpu.memory_space<vmem>>, vector<16xf32>,
    %swap3A_34 = arith.constant 64 : index
    %swap3A_35 = tpu.vector_load %arg8[%swap3A_34] {strides = array<i32>} : memref<256xf32, #tpu.memory_space<vmem>>, vector<16xf32>,
    %swap3A_36 = vector.shape_cast %swap3A_35 : vector<16xf32> to vector<16xf32>
    %swap3A_37 = vector.shape_cast %broadcast_in_dim3A_0 : vector<16xf32> to vector<16xf32>
    tpu.vector_store %arg8[%swap3A_34], %swap3A_37 {strides = array<i32>} : memref<256xf32, #tpu.memory_space<vmem>>, vector<16xf32>,
    %swap3A_38 = arith.constant 192 : index
    %swap3A_39 = tpu.vector_load %arg8[%swap3A_38] {strides = array<i32>} : memref<256xf32, #tpu.memory_space<vmem>>, vector<16xf32>,
    %swap3A_40 = vector.shape_cast %swap3A_39 : vector<16xf32> to vector<16xf32>
    %swap3A_41 = vector.shape_cast %broadcast_in_dim3A_2 : vector<16xf32> to vector<16xf32>
    tpu.vector_store %arg8[%swap3A_38], %swap3A_41 {strides = array<i32>} : memref<256xf32, #tpu.memory_space<vmem>>, vector<16xf32>,
    %swap3A_42 = arith.constant 80 : index
    %swap3A_43 = tpu.vector_load %arg8[%swap3A_42] {strides = array<i32>} : memref<256xf32, #tpu.memory_space<vmem>>, vector<16xf32>,
    %swap3A_44 = vector.shape_cast %swap3A_43 : vector<16xf32> to vector<16xf32>
    %swap3A_45 = vector.shape_cast %broadcast_in_dim3A_0 : vector<16xf32> to vector<16xf32>
    tpu.vector_store %arg8[%swap3A_42], %swap3A_45 {strides = array<i32>} : memref<256xf32, #tpu.memory_space<vmem>>, vector<16xf32>,
    %swap3A_46 = arith.constant 208 : index
    %swap3A_47 = tpu.vector_load %arg8[%swap3A_46] {strides = array<i32>} : memref<256xf32, #tpu.memory_space<vmem>>, vector<16xf32>,
    %swap3A_48 = vector.shape_cast %swap3A_47 : vector<16xf32> to vector<16xf32>
    %swap3A_49 = vector.shape_cast %broadcast_in_dim3A_2 : vector<16xf32> to vector<16xf32>
    tpu.vector_store %arg8[%swap3A_46], %swap3A_49 {strides = array<i32>} : memref<256xf32, #tpu.memory_space<vmem>>, vector<16xf32>,
    %swap3A_50 = arith.constant 96 : index
    %swap3A_51 = tpu.vector_load %arg8[%swap3A_50] {strides = array<i32>} : memref<256xf32, #tpu.memory_space<vmem>>, vector<16xf32>,
    %swap3A_52 = vector.shape_cast %swap3A_51 : vector<16xf32> to vector<16xf32>
    %swap3A_53 = vector.shape_cast %broadcast_in_dim3A_0 : vector<16xf32> to vector<16xf32>
    tpu.vector_store %arg8[%swap3A_50], %swap3A_53 {strides = array<i32>} : memref<256xf32, #tpu.memory_space<vmem>>, vector<16xf32>,
    %swap3A_54 = arith.constant 224 : index
    %swap3A_55 = tpu.vector_load %arg8[%swap3A_54] {strides = array<i32>} : memref<256xf32, #tpu.memory_space<vmem>>, vector<16xf32>,
    %swap3A_56 = vector.shape_cast %swap3A_55 : vector<16xf32> to vector<16xf32>
    %swap3A_57 = vector.shape_cast %broadcast_in_dim3A_2 : vector<16xf32> to vector<16xf32>
    tpu.vector_store %arg8[%swap3A_54], %swap3A_57 {strides = array<i32>} : memref<256xf32, #tpu.memory_space<vmem>>, vector<16xf32>,
    %swap3A_58 = arith.constant 112 : index
    %swap3A_59 = tpu.vector_load %arg8[%swap3A_58] {strides = array<i32>} : memref<256xf32, #tpu.memory_space<vmem>>, vector<16xf32>,
    %swap3A_60 = vector.shape_cast %swap3A_59 : vector<16xf32> to vector<16xf32>
    %swap3A_61 = vector.shape_cast %broadcast_in_dim3A_0 : vector<16xf32> to vector<16xf32>
    tpu.vector_store %arg8[%swap3A_58], %swap3A_61 {strides = array<i32>} : memref<256xf32, #tpu.memory_space<vmem>>, vector<16xf32>,
    %swap3A_62 = arith.constant 240 : index
    %swap3A_63 = tpu.vector_load %arg8[%swap3A_62] {strides = array<i32>} : memref<256xf32, #tpu.memory_space<vmem>>, vector<16xf32>,
    %swap3A_64 = vector.shape_cast %swap3A_63 : vector<16xf32> to vector<16xf32>
    %swap3A_65 = vector.shape_cast %broadcast_in_dim3A_2 : vector<16xf32> to vector<16xf32>
    tpu.vector_store %arg8[%swap3A_62], %swap3A_65 {strides = array<i32>} : memref<256xf32, #tpu.memory_space<vmem>>, vector<16xf32>,
    %eq3A = arith.constant 0 : i32
    %eq3A_66 = arith.cmpi eq, %arg0, %eq3A : i32
    %convert_element_type3A = arith.extui %eq3A_66 : i1 to i32
    %cond3A = arith.constant 0 : i32
    %cond3A_67 = arith.cmpi ne, %convert_element_type3A, %cond3A : i32
    scf.if %cond3A_67 {
      %scan3A = arith.constant 0 : i32
      %scan3A_73 = arith.constant 0 : i32
      %scan3A_74 = arith.constant 25 : i32
      %scan3A_75 = arith.addi %scan3A_73, %scan3A_74 : i32
      %scan3A_76 = arith.constant 1 : i32
      %scan3A_77 = scf.for %scan3A_95 = %scan3A_73 to %scan3A_75 step %scan3A_76 iter_args(%scan3A_96 = %scan3A) -> (i32)  : i32 {
        %mul3A_97 = arith.constant 3200 : i32
        %mul3A_98 = arith.muli %arg1, %mul3A_97 : i32
        %mul3A_99 = arith.constant 128 : i32
        %mul3A_100 = arith.muli %scan3A_95, %mul3A_99 : i32
        %add3A = arith.addi %mul3A_98, %mul3A_100 : i32
        "tpu.region"() ({
          %run_scoped3A = tpu.sem_alloc : memref<!tpu.dma_semaphore, #tpu.memory_space<semaphore_mem>>
          %dma_start3A = arith.constant 128 : i32
          %dma_start3A_102 = tpu.memref_slice %arg8[%dma_start3A] : memref<256xf32, #tpu.memory_space<vmem>> -> memref<128xf32, #tpu.memory_space<vmem>>
          %dma_start3A_103 = tpu.memref_slice %arg6[%add3A] : memref<51200xf32, #tpu.memory_space<vmem_shared>> -> memref<128xf32, #tpu.memory_space<vmem_shared>>
          %dma_start3A_104 = tpu.memref_slice %arg6[%add3A] : memref<51200xf32, #tpu.memory_space<vmem_shared>> -> memref<128xf32, #tpu.memory_space<vmem_shared>>
          %dma_start3A_105 = arith.constant 128 : i32
          %dma_start3A_106 = tpu.memref_slice %arg8[%dma_start3A_105] : memref<256xf32, #tpu.memory_space<vmem>> -> memref<128xf32, #tpu.memory_space<vmem>>
          tpu.enqueue_dma source(%dma_start3A_106 : memref<128xf32, #tpu.memory_space<vmem>>) target(%dma_start3A_104 : memref<128xf32, #tpu.memory_space<vmem_shared>>) target_semaphore(%run_scoped3A : memref<!tpu.dma_semaphore, #tpu.memory_space<semaphore_mem>>)
          %dma_wait3A = arith.constant 128 : i32
          %dma_wait3A_107 = tpu.memref_slice %arg8[%dma_wait3A] : memref<256xf32, #tpu.memory_space<vmem>> -> memref<128xf32, #tpu.memory_space<vmem>>
          %dma_wait3A_108 = tpu.memref_slice %arg6[%add3A] : memref<51200xf32, #tpu.memory_space<vmem_shared>> -> memref<128xf32, #tpu.memory_space<vmem_shared>>
          %dma_wait3A_109 = tpu.memref_slice %arg6[%add3A] : memref<51200xf32, #tpu.memory_space<vmem_shared>> -> memref<128xf32, #tpu.memory_space<vmem_shared>>
          %dma_wait3A_110 = arith.constant 128 : i32
          %dma_wait3A_111 = tpu.memref_slice %arg8[%dma_wait3A_110] : memref<256xf32, #tpu.memory_space<vmem>> -> memref<128xf32, #tpu.memory_space<vmem>>
          tpu.wait_dma2 semaphore(%run_scoped3A : memref<!tpu.dma_semaphore, #tpu.memory_space<semaphore_mem>>) src(%dma_wait3A_111 : memref<128xf32, #tpu.memory_space<vmem>>) dst(%dma_wait3A_109 : memref<128xf32, #tpu.memory_space<vmem_shared>>)
          tpu.yield
        }) : () -> ()
        %scan3A_101 = arith.constant 0 : i32
        scf.yield %scan3A_101 : i32
      }
      %scan3A_78 = arith.constant 25 : i32
      %barrier3A = arith.constant 0 : index
      tpu.barrier barrier_id(%barrier3A)
      %mul3A = arith.constant 396 : i32
      %mul3A_79 = arith.muli %arg1, %mul3A : i32
      %scan3A_80 = arith.constant 0 : i32
      %scan3A_81 = arith.constant 0 : i32
      %scan3A_82 = arith.constant 18 : i32
      %scan3A_83 = arith.addi %scan3A_81, %scan3A_82 : i32
      %scan3A_84 = arith.constant 1 : i32
      %scan3A_85 = scf.for %scan3A_95 = %scan3A_81 to %scan3A_83 step %scan3A_84 iter_args(%scan3A_96 = %scan3A_80) -> (i32)  : i32 {
        %mul3A_97 = arith.constant 22 : i32
        %mul3A_98 = arith.muli %scan3A_95, %mul3A_97 : i32
        %add3A = arith.addi %mul3A_79, %mul3A_98 : i32
        "tpu.region"() ({
          %run_scoped3A = tpu.sem_alloc : memref<!tpu.dma_semaphore, #tpu.memory_space<semaphore_mem>>
          %dma_start3A_450 = arith.constant 0 : i32
          %dma_start3A_451 = tpu.memref_slice %arg2[%add3A, %dma_start3A_450] : memref<6336x128xi32, #tpu.memory_space<hbm>> -> memref<22x128xi32, #tpu.memory_space<hbm>>
          %dma_start3A_452 = arith.constant 0 : i32
          %dma_start3A_453 = tpu.memref_slice %arg2[%add3A, %dma_start3A_452] : memref<6336x128xi32, #tpu.memory_space<hbm>> -> memref<22x128xi32, #tpu.memory_space<hbm>>
          tpu.enqueue_dma source(%dma_start3A_453 : memref<22x128xi32, #tpu.memory_space<hbm>>) target(%arg7 : memref<22x128xi32, #tpu.memory_space<vmem>>) target_semaphore(%run_scoped3A : memref<!tpu.dma_semaphore, #tpu.memory_space<semaphore_mem>>)
          %dma_wait3A_454 = arith.constant 0 : i32
          %dma_wait3A_455 = tpu.memref_slice %arg2[%add3A, %dma_wait3A_454] : memref<6336x128xi32, #tpu.memory_space<hbm>> -> memref<22x128xi32, #tpu.memory_space<hbm>>
          %dma_wait3A_456 = arith.constant 0 : i32
          %dma_wait3A_457 = tpu.memref_slice %arg2[%add3A, %dma_wait3A_456] : memref<6336x128xi32, #tpu.memory_space<hbm>> -> memref<22x128xi32, #tpu.memory_space<hbm>>
          tpu.wait_dma2 semaphore(%run_scoped3A : memref<!tpu.dma_semaphore, #tpu.memory_space<semaphore_mem>>) src(%dma_wait3A_457 : memref<22x128xi32, #tpu.memory_space<hbm>>) dst(%arg7 : memref<22x128xi32, #tpu.memory_space<vmem>>)
          tpu.yield
        }) : () -> ()
        %dma_start3A = arith.constant 0 : i32
        %dma_start3A_99 = arith.constant 0 : i32
        %dma_start3A_100 = tpu.memref_slice %arg8[%dma_start3A_99] : memref<256xf32, #tpu.memory_space<vmem>> -> memref<128xf32, #tpu.memory_space<vmem>>
        %dma_start3A_101 = arith.constant 0 : i32
        %dma_start3A_102 = tpu.memref_slice %arg7[%dma_start3A, %dma_start3A_101] : memref<22x128xi32, #tpu.memory_space<vmem>> -> memref<1x128xi32, #tpu.memory_space<vmem>>
        %dma_start3A_103 = tpu.memref_squeeze %dma_start3A_102 : memref<1x128xi32, #tpu.memory_space<vmem>> -> memref<128xi32, #tpu.memory_space<vmem>>
        %dma_start3A_104 = arith.constant 0 : i32
        %dma_start3A_105 = tpu.memref_slice %arg6[%dma_start3A_104] : memref<51200xf32, #tpu.memory_space<vmem_shared>> -> memref<51200xf32, #tpu.memory_space<vmem_shared>>
        tpu.enqueue_indirect_dma source(%dma_start3A_100 : memref<128xf32, #tpu.memory_space<vmem>>) target(%dma_start3A_105 : memref<51200xf32, #tpu.memory_space<vmem_shared>>) offsets(%dma_start3A_103 : memref<128xi32, #tpu.memory_space<vmem>>) semaphore(%arg11 : memref<!tpu.dma_semaphore, #tpu.memory_space<semaphore_mem>>) {add = true}
        %dma_start3A_106 = arith.constant 1 : i32
        %dma_start3A_107 = arith.constant 0 : i32
        %dma_start3A_108 = tpu.memref_slice %arg8[%dma_start3A_107] : memref<256xf32, #tpu.memory_space<vmem>> -> memref<128xf32, #tpu.memory_space<vmem>>
        %dma_start3A_109 = arith.constant 0 : i32
        %dma_start3A_110 = tpu.memref_slice %arg7[%dma_start3A_106, %dma_start3A_109] : memref<22x128xi32, #tpu.memory_space<vmem>> -> memref<1x128xi32, #tpu.memory_space<vmem>>
        %dma_start3A_111 = tpu.memref_squeeze %dma_start3A_110 : memref<1x128xi32, #tpu.memory_space<vmem>> -> memref<128xi32, #tpu.memory_space<vmem>>
        %dma_start3A_112 = arith.constant 0 : i32
        %dma_start3A_113 = tpu.memref_slice %arg6[%dma_start3A_112] : memref<51200xf32, #tpu.memory_space<vmem_shared>> -> memref<51200xf32, #tpu.memory_space<vmem_shared>>
        tpu.enqueue_indirect_dma source(%dma_start3A_108 : memref<128xf32, #tpu.memory_space<vmem>>) target(%dma_start3A_113 : memref<51200xf32, #tpu.memory_space<vmem_shared>>) offsets(%dma_start3A_111 : memref<128xi32, #tpu.memory_space<vmem>>) semaphore(%arg11 : memref<!tpu.dma_semaphore, #tpu.memory_space<semaphore_mem>>) {add = true}
        %dma_start3A_114 = arith.constant 2 : i32
        %dma_start3A_115 = arith.constant 0 : i32
        %dma_start3A_116 = tpu.memref_slice %arg8[%dma_start3A_115] : memref<256xf32, #tpu.memory_space<vmem>> -> memref<128xf32, #tpu.memory_space<vmem>>
        %dma_start3A_117 = arith.constant 0 : i32
        %dma_start3A_118 = tpu.memref_slice %arg7[%dma_start3A_114, %dma_start3A_117] : memref<22x128xi32, #tpu.memory_space<vmem>> -> memref<1x128xi32, #tpu.memory_space<vmem>>
        %dma_start3A_119 = tpu.memref_squeeze %dma_start3A_118 : memref<1x128xi32, #tpu.memory_space<vmem>> -> memref<128xi32, #tpu.memory_space<vmem>>
        %dma_start3A_120 = arith.constant 0 : i32
        %dma_start3A_121 = tpu.memref_slice %arg6[%dma_start3A_120] : memref<51200xf32, #tpu.memory_space<vmem_shared>> -> memref<51200xf32, #tpu.memory_space<vmem_shared>>
        tpu.enqueue_indirect_dma source(%dma_start3A_116 : memref<128xf32, #tpu.memory_space<vmem>>) target(%dma_start3A_121 : memref<51200xf32, #tpu.memory_space<vmem_shared>>) offsets(%dma_start3A_119 : memref<128xi32, #tpu.memory_space<vmem>>) semaphore(%arg11 : memref<!tpu.dma_semaphore, #tpu.memory_space<semaphore_mem>>) {add = true}
        %dma_start3A_122 = arith.constant 3 : i32
        %dma_start3A_123 = arith.constant 0 : i32
        %dma_start3A_124 = tpu.memref_slice %arg8[%dma_start3A_123] : memref<256xf32, #tpu.memory_space<vmem>> -> memref<128xf32, #tpu.memory_space<vmem>>
        %dma_start3A_125 = arith.constant 0 : i32
        %dma_start3A_126 = tpu.memref_slice %arg7[%dma_start3A_122, %dma_start3A_125] : memref<22x128xi32, #tpu.memory_space<vmem>> -> memref<1x128xi32, #tpu.memory_space<vmem>>
        %dma_start3A_127 = tpu.memref_squeeze %dma_start3A_126 : memref<1x128xi32, #tpu.memory_space<vmem>> -> memref<128xi32, #tpu.memory_space<vmem>>
        %dma_start3A_128 = arith.constant 0 : i32
        %dma_start3A_129 = tpu.memref_slice %arg6[%dma_start3A_128] : memref<51200xf32, #tpu.memory_space<vmem_shared>> -> memref<51200xf32, #tpu.memory_space<vmem_shared>>
        tpu.enqueue_indirect_dma source(%dma_start3A_124 : memref<128xf32, #tpu.memory_space<vmem>>) target(%dma_start3A_129 : memref<51200xf32, #tpu.memory_space<vmem_shared>>) offsets(%dma_start3A_127 : memref<128xi32, #tpu.memory_space<vmem>>) semaphore(%arg11 : memref<!tpu.dma_semaphore, #tpu.memory_space<semaphore_mem>>) {add = true}
        %dma_start3A_130 = arith.constant 4 : i32
        %dma_start3A_131 = arith.constant 0 : i32
        %dma_start3A_132 = tpu.memref_slice %arg8[%dma_start3A_131] : memref<256xf32, #tpu.memory_space<vmem>> -> memref<128xf32, #tpu.memory_space<vmem>>
        %dma_start3A_133 = arith.constant 0 : i32
        %dma_start3A_134 = tpu.memref_slice %arg7[%dma_start3A_130, %dma_start3A_133] : memref<22x128xi32, #tpu.memory_space<vmem>> -> memref<1x128xi32, #tpu.memory_space<vmem>>
        %dma_start3A_135 = tpu.memref_squeeze %dma_start3A_134 : memref<1x128xi32, #tpu.memory_space<vmem>> -> memref<128xi32, #tpu.memory_space<vmem>>
        %dma_start3A_136 = arith.constant 0 : i32
        %dma_start3A_137 = tpu.memref_slice %arg6[%dma_start3A_136] : memref<51200xf32, #tpu.memory_space<vmem_shared>> -> memref<51200xf32, #tpu.memory_space<vmem_shared>>
        tpu.enqueue_indirect_dma source(%dma_start3A_132 : memref<128xf32, #tpu.memory_space<vmem>>) target(%dma_start3A_137 : memref<51200xf32, #tpu.memory_space<vmem_shared>>) offsets(%dma_start3A_135 : memref<128xi32, #tpu.memory_space<vmem>>) semaphore(%arg11 : memref<!tpu.dma_semaphore, #tpu.memory_space<semaphore_mem>>) {add = true}
        %dma_start3A_138 = arith.constant 5 : i32
        %dma_start3A_139 = arith.constant 0 : i32
        %dma_start3A_140 = tpu.memref_slice %arg8[%dma_start3A_139] : memref<256xf32, #tpu.memory_space<vmem>> -> memref<128xf32, #tpu.memory_space<vmem>>
        %dma_start3A_141 = arith.constant 0 : i32
        %dma_start3A_142 = tpu.memref_slice %arg7[%dma_start3A_138, %dma_start3A_141] : memref<22x128xi32, #tpu.memory_space<vmem>> -> memref<1x128xi32, #tpu.memory_space<vmem>>
        %dma_start3A_143 = tpu.memref_squeeze %dma_start3A_142 : memref<1x128xi32, #tpu.memory_space<vmem>> -> memref<128xi32, #tpu.memory_space<vmem>>
        %dma_start3A_144 = arith.constant 0 : i32
        %dma_start3A_145 = tpu.memref_slice %arg6[%dma_start3A_144] : memref<51200xf32, #tpu.memory_space<vmem_shared>> -> memref<51200xf32, #tpu.memory_space<vmem_shared>>
        tpu.enqueue_indirect_dma source(%dma_start3A_140 : memref<128xf32, #tpu.memory_space<vmem>>) target(%dma_start3A_145 : memref<51200xf32, #tpu.memory_space<vmem_shared>>) offsets(%dma_start3A_143 : memref<128xi32, #tpu.memory_space<vmem>>) semaphore(%arg11 : memref<!tpu.dma_semaphore, #tpu.memory_space<semaphore_mem>>) {add = true}
        %dma_start3A_146 = arith.constant 6 : i32
        %dma_start3A_147 = arith.constant 0 : i32
        %dma_start3A_148 = tpu.memref_slice %arg8[%dma_start3A_147] : memref<256xf32, #tpu.memory_space<vmem>> -> memref<128xf32, #tpu.memory_space<vmem>>
        %dma_start3A_149 = arith.constant 0 : i32
        %dma_start3A_150 = tpu.memref_slice %arg7[%dma_start3A_146, %dma_start3A_149] : memref<22x128xi32, #tpu.memory_space<vmem>> -> memref<1x128xi32, #tpu.memory_space<vmem>>
        %dma_start3A_151 = tpu.memref_squeeze %dma_start3A_150 : memref<1x128xi32, #tpu.memory_space<vmem>> -> memref<128xi32, #tpu.memory_space<vmem>>
        %dma_start3A_152 = arith.constant 0 : i32
        %dma_start3A_153 = tpu.memref_slice %arg6[%dma_start3A_152] : memref<51200xf32, #tpu.memory_space<vmem_shared>> -> memref<51200xf32, #tpu.memory_space<vmem_shared>>
        tpu.enqueue_indirect_dma source(%dma_start3A_148 : memref<128xf32, #tpu.memory_space<vmem>>) target(%dma_start3A_153 : memref<51200xf32, #tpu.memory_space<vmem_shared>>) offsets(%dma_start3A_151 : memref<128xi32, #tpu.memory_space<vmem>>) semaphore(%arg11 : memref<!tpu.dma_semaphore, #tpu.memory_space<semaphore_mem>>) {add = true}
        %dma_start3A_154 = arith.constant 7 : i32
        %dma_start3A_155 = arith.constant 0 : i32
        %dma_start3A_156 = tpu.memref_slice %arg8[%dma_start3A_155] : memref<256xf32, #tpu.memory_space<vmem>> -> memref<128xf32, #tpu.memory_space<vmem>>
        %dma_start3A_157 = arith.constant 0 : i32
        %dma_start3A_158 = tpu.memref_slice %arg7[%dma_start3A_154, %dma_start3A_157] : memref<22x128xi32, #tpu.memory_space<vmem>> -> memref<1x128xi32, #tpu.memory_space<vmem>>
        %dma_start3A_159 = tpu.memref_squeeze %dma_start3A_158 : memref<1x128xi32, #tpu.memory_space<vmem>> -> memref<128xi32, #tpu.memory_space<vmem>>
        %dma_start3A_160 = arith.constant 0 : i32
        %dma_start3A_161 = tpu.memref_slice %arg6[%dma_start3A_160] : memref<51200xf32, #tpu.memory_space<vmem_shared>> -> memref<51200xf32, #tpu.memory_space<vmem_shared>>
        tpu.enqueue_indirect_dma source(%dma_start3A_156 : memref<128xf32, #tpu.memory_space<vmem>>) target(%dma_start3A_161 : memref<51200xf32, #tpu.memory_space<vmem_shared>>) offsets(%dma_start3A_159 : memref<128xi32, #tpu.memory_space<vmem>>) semaphore(%arg11 : memref<!tpu.dma_semaphore, #tpu.memory_space<semaphore_mem>>) {add = true}
        %dma_start3A_162 = arith.constant 8 : i32
        %dma_start3A_163 = arith.constant 0 : i32
        %dma_start3A_164 = tpu.memref_slice %arg8[%dma_start3A_163] : memref<256xf32, #tpu.memory_space<vmem>> -> memref<128xf32, #tpu.memory_space<vmem>>
        %dma_start3A_165 = arith.constant 0 : i32
        %dma_start3A_166 = tpu.memref_slice %arg7[%dma_start3A_162, %dma_start3A_165] : memref<22x128xi32, #tpu.memory_space<vmem>> -> memref<1x128xi32, #tpu.memory_space<vmem>>
        %dma_start3A_167 = tpu.memref_squeeze %dma_start3A_166 : memref<1x128xi32, #tpu.memory_space<vmem>> -> memref<128xi32, #tpu.memory_space<vmem>>
        %dma_start3A_168 = arith.constant 0 : i32
        %dma_start3A_169 = tpu.memref_slice %arg6[%dma_start3A_168] : memref<51200xf32, #tpu.memory_space<vmem_shared>> -> memref<51200xf32, #tpu.memory_space<vmem_shared>>
        tpu.enqueue_indirect_dma source(%dma_start3A_164 : memref<128xf32, #tpu.memory_space<vmem>>) target(%dma_start3A_169 : memref<51200xf32, #tpu.memory_space<vmem_shared>>) offsets(%dma_start3A_167 : memref<128xi32, #tpu.memory_space<vmem>>) semaphore(%arg11 : memref<!tpu.dma_semaphore, #tpu.memory_space<semaphore_mem>>) {add = true}
        %dma_start3A_170 = arith.constant 9 : i32
        %dma_start3A_171 = arith.constant 0 : i32
        %dma_start3A_172 = tpu.memref_slice %arg8[%dma_start3A_171] : memref<256xf32, #tpu.memory_space<vmem>> -> memref<128xf32, #tpu.memory_space<vmem>>
        %dma_start3A_173 = arith.constant 0 : i32
        %dma_start3A_174 = tpu.memref_slice %arg7[%dma_start3A_170, %dma_start3A_173] : memref<22x128xi32, #tpu.memory_space<vmem>> -> memref<1x128xi32, #tpu.memory_space<vmem>>
        %dma_start3A_175 = tpu.memref_squeeze %dma_start3A_174 : memref<1x128xi32, #tpu.memory_space<vmem>> -> memref<128xi32, #tpu.memory_space<vmem>>
        %dma_start3A_176 = arith.constant 0 : i32
        %dma_start3A_177 = tpu.memref_slice %arg6[%dma_start3A_176] : memref<51200xf32, #tpu.memory_space<vmem_shared>> -> memref<51200xf32, #tpu.memory_space<vmem_shared>>
        tpu.enqueue_indirect_dma source(%dma_start3A_172 : memref<128xf32, #tpu.memory_space<vmem>>) target(%dma_start3A_177 : memref<51200xf32, #tpu.memory_space<vmem_shared>>) offsets(%dma_start3A_175 : memref<128xi32, #tpu.memory_space<vmem>>) semaphore(%arg11 : memref<!tpu.dma_semaphore, #tpu.memory_space<semaphore_mem>>) {add = true}
        %dma_start3A_178 = arith.constant 10 : i32
        %dma_start3A_179 = arith.constant 0 : i32
        %dma_start3A_180 = tpu.memref_slice %arg8[%dma_start3A_179] : memref<256xf32, #tpu.memory_space<vmem>> -> memref<128xf32, #tpu.memory_space<vmem>>
        %dma_start3A_181 = arith.constant 0 : i32
        %dma_start3A_182 = tpu.memref_slice %arg7[%dma_start3A_178, %dma_start3A_181] : memref<22x128xi32, #tpu.memory_space<vmem>> -> memref<1x128xi32, #tpu.memory_space<vmem>>
        %dma_start3A_183 = tpu.memref_squeeze %dma_start3A_182 : memref<1x128xi32, #tpu.memory_space<vmem>> -> memref<128xi32, #tpu.memory_space<vmem>>
        %dma_start3A_184 = arith.constant 0 : i32
        %dma_start3A_185 = tpu.memref_slice %arg6[%dma_start3A_184] : memref<51200xf32, #tpu.memory_space<vmem_shared>> -> memref<51200xf32, #tpu.memory_space<vmem_shared>>
        tpu.enqueue_indirect_dma source(%dma_start3A_180 : memref<128xf32, #tpu.memory_space<vmem>>) target(%dma_start3A_185 : memref<51200xf32, #tpu.memory_space<vmem_shared>>) offsets(%dma_start3A_183 : memref<128xi32, #tpu.memory_space<vmem>>) semaphore(%arg11 : memref<!tpu.dma_semaphore, #tpu.memory_space<semaphore_mem>>) {add = true}
        %dma_start3A_186 = arith.constant 11 : i32
        %dma_start3A_187 = arith.constant 0 : i32
        %dma_start3A_188 = tpu.memref_slice %arg8[%dma_start3A_187] : memref<256xf32, #tpu.memory_space<vmem>> -> memref<128xf32, #tpu.memory_space<vmem>>
        %dma_start3A_189 = arith.constant 0 : i32
        %dma_start3A_190 = tpu.memref_slice %arg7[%dma_start3A_186, %dma_start3A_189] : memref<22x128xi32, #tpu.memory_space<vmem>> -> memref<1x128xi32, #tpu.memory_space<vmem>>
        %dma_start3A_191 = tpu.memref_squeeze %dma_start3A_190 : memref<1x128xi32, #tpu.memory_space<vmem>> -> memref<128xi32, #tpu.memory_space<vmem>>
        %dma_start3A_192 = arith.constant 0 : i32
        %dma_start3A_193 = tpu.memref_slice %arg6[%dma_start3A_192] : memref<51200xf32, #tpu.memory_space<vmem_shared>> -> memref<51200xf32, #tpu.memory_space<vmem_shared>>
        tpu.enqueue_indirect_dma source(%dma_start3A_188 : memref<128xf32, #tpu.memory_space<vmem>>) target(%dma_start3A_193 : memref<51200xf32, #tpu.memory_space<vmem_shared>>) offsets(%dma_start3A_191 : memref<128xi32, #tpu.memory_space<vmem>>) semaphore(%arg11 : memref<!tpu.dma_semaphore, #tpu.memory_space<semaphore_mem>>) {add = true}
        %dma_start3A_194 = arith.constant 12 : i32
        %dma_start3A_195 = arith.constant 0 : i32
        %dma_start3A_196 = tpu.memref_slice %arg8[%dma_start3A_195] : memref<256xf32, #tpu.memory_space<vmem>> -> memref<128xf32, #tpu.memory_space<vmem>>
        %dma_start3A_197 = arith.constant 0 : i32
        %dma_start3A_198 = tpu.memref_slice %arg7[%dma_start3A_194, %dma_start3A_197] : memref<22x128xi32, #tpu.memory_space<vmem>> -> memref<1x128xi32, #tpu.memory_space<vmem>>
        %dma_start3A_199 = tpu.memref_squeeze %dma_start3A_198 : memref<1x128xi32, #tpu.memory_space<vmem>> -> memref<128xi32, #tpu.memory_space<vmem>>
        %dma_start3A_200 = arith.constant 0 : i32
        %dma_start3A_201 = tpu.memref_slice %arg6[%dma_start3A_200] : memref<51200xf32, #tpu.memory_space<vmem_shared>> -> memref<51200xf32, #tpu.memory_space<vmem_shared>>
        tpu.enqueue_indirect_dma source(%dma_start3A_196 : memref<128xf32, #tpu.memory_space<vmem>>) target(%dma_start3A_201 : memref<51200xf32, #tpu.memory_space<vmem_shared>>) offsets(%dma_start3A_199 : memref<128xi32, #tpu.memory_space<vmem>>) semaphore(%arg11 : memref<!tpu.dma_semaphore, #tpu.memory_space<semaphore_mem>>) {add = true}
        %dma_start3A_202 = arith.constant 13 : i32
        %dma_start3A_203 = arith.constant 0 : i32
        %dma_start3A_204 = tpu.memref_slice %arg8[%dma_start3A_203] : memref<256xf32, #tpu.memory_space<vmem>> -> memref<128xf32, #tpu.memory_space<vmem>>
        %dma_start3A_205 = arith.constant 0 : i32
        %dma_start3A_206 = tpu.memref_slice %arg7[%dma_start3A_202, %dma_start3A_205] : memref<22x128xi32, #tpu.memory_space<vmem>> -> memref<1x128xi32, #tpu.memory_space<vmem>>
        %dma_start3A_207 = tpu.memref_squeeze %dma_start3A_206 : memref<1x128xi32, #tpu.memory_space<vmem>> -> memref<128xi32, #tpu.memory_space<vmem>>
        %dma_start3A_208 = arith.constant 0 : i32
        %dma_start3A_209 = tpu.memref_slice %arg6[%dma_start3A_208] : memref<51200xf32, #tpu.memory_space<vmem_shared>> -> memref<51200xf32, #tpu.memory_space<vmem_shared>>
        tpu.enqueue_indirect_dma source(%dma_start3A_204 : memref<128xf32, #tpu.memory_space<vmem>>) target(%dma_start3A_209 : memref<51200xf32, #tpu.memory_space<vmem_shared>>) offsets(%dma_start3A_207 : memref<128xi32, #tpu.memory_space<vmem>>) semaphore(%arg11 : memref<!tpu.dma_semaphore, #tpu.memory_space<semaphore_mem>>) {add = true}
        %dma_start3A_210 = arith.constant 14 : i32
        %dma_start3A_211 = arith.constant 0 : i32
        %dma_start3A_212 = tpu.memref_slice %arg8[%dma_start3A_211] : memref<256xf32, #tpu.memory_space<vmem>> -> memref<128xf32, #tpu.memory_space<vmem>>
        %dma_start3A_213 = arith.constant 0 : i32
        %dma_start3A_214 = tpu.memref_slice %arg7[%dma_start3A_210, %dma_start3A_213] : memref<22x128xi32, #tpu.memory_space<vmem>> -> memref<1x128xi32, #tpu.memory_space<vmem>>
        %dma_start3A_215 = tpu.memref_squeeze %dma_start3A_214 : memref<1x128xi32, #tpu.memory_space<vmem>> -> memref<128xi32, #tpu.memory_space<vmem>>
        %dma_start3A_216 = arith.constant 0 : i32
        %dma_start3A_217 = tpu.memref_slice %arg6[%dma_start3A_216] : memref<51200xf32, #tpu.memory_space<vmem_shared>> -> memref<51200xf32, #tpu.memory_space<vmem_shared>>
        tpu.enqueue_indirect_dma source(%dma_start3A_212 : memref<128xf32, #tpu.memory_space<vmem>>) target(%dma_start3A_217 : memref<51200xf32, #tpu.memory_space<vmem_shared>>) offsets(%dma_start3A_215 : memref<128xi32, #tpu.memory_space<vmem>>) semaphore(%arg11 : memref<!tpu.dma_semaphore, #tpu.memory_space<semaphore_mem>>) {add = true}
        %dma_start3A_218 = arith.constant 15 : i32
        %dma_start3A_219 = arith.constant 0 : i32
        %dma_start3A_220 = tpu.memref_slice %arg8[%dma_start3A_219] : memref<256xf32, #tpu.memory_space<vmem>> -> memref<128xf32, #tpu.memory_space<vmem>>
        %dma_start3A_221 = arith.constant 0 : i32
        %dma_start3A_222 = tpu.memref_slice %arg7[%dma_start3A_218, %dma_start3A_221] : memref<22x128xi32, #tpu.memory_space<vmem>> -> memref<1x128xi32, #tpu.memory_space<vmem>>
        %dma_start3A_223 = tpu.memref_squeeze %dma_start3A_222 : memref<1x128xi32, #tpu.memory_space<vmem>> -> memref<128xi32, #tpu.memory_space<vmem>>
        %dma_start3A_224 = arith.constant 0 : i32
        %dma_start3A_225 = tpu.memref_slice %arg6[%dma_start3A_224] : memref<51200xf32, #tpu.memory_space<vmem_shared>> -> memref<51200xf32, #tpu.memory_space<vmem_shared>>
        tpu.enqueue_indirect_dma source(%dma_start3A_220 : memref<128xf32, #tpu.memory_space<vmem>>) target(%dma_start3A_225 : memref<51200xf32, #tpu.memory_space<vmem_shared>>) offsets(%dma_start3A_223 : memref<128xi32, #tpu.memory_space<vmem>>) semaphore(%arg11 : memref<!tpu.dma_semaphore, #tpu.memory_space<semaphore_mem>>) {add = true}
        %dma_start3A_226 = arith.constant 16 : i32
        %dma_start3A_227 = arith.constant 0 : i32
        %dma_start3A_228 = tpu.memref_slice %arg8[%dma_start3A_227] : memref<256xf32, #tpu.memory_space<vmem>> -> memref<128xf32, #tpu.memory_space<vmem>>
        %dma_start3A_229 = arith.constant 0 : i32
        %dma_start3A_230 = tpu.memref_slice %arg7[%dma_start3A_226, %dma_start3A_229] : memref<22x128xi32, #tpu.memory_space<vmem>> -> memref<1x128xi32, #tpu.memory_space<vmem>>
        %dma_start3A_231 = tpu.memref_squeeze %dma_start3A_230 : memref<1x128xi32, #tpu.memory_space<vmem>> -> memref<128xi32, #tpu.memory_space<vmem>>
        %dma_start3A_232 = arith.constant 0 : i32
        %dma_start3A_233 = tpu.memref_slice %arg6[%dma_start3A_232] : memref<51200xf32, #tpu.memory_space<vmem_shared>> -> memref<51200xf32, #tpu.memory_space<vmem_shared>>
        tpu.enqueue_indirect_dma source(%dma_start3A_228 : memref<128xf32, #tpu.memory_space<vmem>>) target(%dma_start3A_233 : memref<51200xf32, #tpu.memory_space<vmem_shared>>) offsets(%dma_start3A_231 : memref<128xi32, #tpu.memory_space<vmem>>) semaphore(%arg11 : memref<!tpu.dma_semaphore, #tpu.memory_space<semaphore_mem>>) {add = true}
        %dma_start3A_234 = arith.constant 17 : i32
        %dma_start3A_235 = arith.constant 0 : i32
        %dma_start3A_236 = tpu.memref_slice %arg8[%dma_start3A_235] : memref<256xf32, #tpu.memory_space<vmem>> -> memref<128xf32, #tpu.memory_space<vmem>>
        %dma_start3A_237 = arith.constant 0 : i32
        %dma_start3A_238 = tpu.memref_slice %arg7[%dma_start3A_234, %dma_start3A_237] : memref<22x128xi32, #tpu.memory_space<vmem>> -> memref<1x128xi32, #tpu.memory_space<vmem>>
        %dma_start3A_239 = tpu.memref_squeeze %dma_start3A_238 : memref<1x128xi32, #tpu.memory_space<vmem>> -> memref<128xi32, #tpu.memory_space<vmem>>
        %dma_start3A_240 = arith.constant 0 : i32
        %dma_start3A_241 = tpu.memref_slice %arg6[%dma_start3A_240] : memref<51200xf32, #tpu.memory_space<vmem_shared>> -> memref<51200xf32, #tpu.memory_space<vmem_shared>>
        tpu.enqueue_indirect_dma source(%dma_start3A_236 : memref<128xf32, #tpu.memory_space<vmem>>) target(%dma_start3A_241 : memref<51200xf32, #tpu.memory_space<vmem_shared>>) offsets(%dma_start3A_239 : memref<128xi32, #tpu.memory_space<vmem>>) semaphore(%arg11 : memref<!tpu.dma_semaphore, #tpu.memory_space<semaphore_mem>>) {add = true}
        %dma_start3A_242 = arith.constant 18 : i32
        %dma_start3A_243 = arith.constant 0 : i32
        %dma_start3A_244 = tpu.memref_slice %arg8[%dma_start3A_243] : memref<256xf32, #tpu.memory_space<vmem>> -> memref<128xf32, #tpu.memory_space<vmem>>
        %dma_start3A_245 = arith.constant 0 : i32
        %dma_start3A_246 = tpu.memref_slice %arg7[%dma_start3A_242, %dma_start3A_245] : memref<22x128xi32, #tpu.memory_space<vmem>> -> memref<1x128xi32, #tpu.memory_space<vmem>>
        %dma_start3A_247 = tpu.memref_squeeze %dma_start3A_246 : memref<1x128xi32, #tpu.memory_space<vmem>> -> memref<128xi32, #tpu.memory_space<vmem>>
        %dma_start3A_248 = arith.constant 0 : i32
        %dma_start3A_249 = tpu.memref_slice %arg6[%dma_start3A_248] : memref<51200xf32, #tpu.memory_space<vmem_shared>> -> memref<51200xf32, #tpu.memory_space<vmem_shared>>
        tpu.enqueue_indirect_dma source(%dma_start3A_244 : memref<128xf32, #tpu.memory_space<vmem>>) target(%dma_start3A_249 : memref<51200xf32, #tpu.memory_space<vmem_shared>>) offsets(%dma_start3A_247 : memref<128xi32, #tpu.memory_space<vmem>>) semaphore(%arg11 : memref<!tpu.dma_semaphore, #tpu.memory_space<semaphore_mem>>) {add = true}
        %dma_start3A_250 = arith.constant 19 : i32
        %dma_start3A_251 = arith.constant 0 : i32
        %dma_start3A_252 = tpu.memref_slice %arg8[%dma_start3A_251] : memref<256xf32, #tpu.memory_space<vmem>> -> memref<128xf32, #tpu.memory_space<vmem>>
        %dma_start3A_253 = arith.constant 0 : i32
        %dma_start3A_254 = tpu.memref_slice %arg7[%dma_start3A_250, %dma_start3A_253] : memref<22x128xi32, #tpu.memory_space<vmem>> -> memref<1x128xi32, #tpu.memory_space<vmem>>
        %dma_start3A_255 = tpu.memref_squeeze %dma_start3A_254 : memref<1x128xi32, #tpu.memory_space<vmem>> -> memref<128xi32, #tpu.memory_space<vmem>>
        %dma_start3A_256 = arith.constant 0 : i32
        %dma_start3A_257 = tpu.memref_slice %arg6[%dma_start3A_256] : memref<51200xf32, #tpu.memory_space<vmem_shared>> -> memref<51200xf32, #tpu.memory_space<vmem_shared>>
        tpu.enqueue_indirect_dma source(%dma_start3A_252 : memref<128xf32, #tpu.memory_space<vmem>>) target(%dma_start3A_257 : memref<51200xf32, #tpu.memory_space<vmem_shared>>) offsets(%dma_start3A_255 : memref<128xi32, #tpu.memory_space<vmem>>) semaphore(%arg11 : memref<!tpu.dma_semaphore, #tpu.memory_space<semaphore_mem>>) {add = true}
        %dma_start3A_258 = arith.constant 20 : i32
        %dma_start3A_259 = arith.constant 0 : i32
        %dma_start3A_260 = tpu.memref_slice %arg8[%dma_start3A_259] : memref<256xf32, #tpu.memory_space<vmem>> -> memref<128xf32, #tpu.memory_space<vmem>>
        %dma_start3A_261 = arith.constant 0 : i32
        %dma_start3A_262 = tpu.memref_slice %arg7[%dma_start3A_258, %dma_start3A_261] : memref<22x128xi32, #tpu.memory_space<vmem>> -> memref<1x128xi32, #tpu.memory_space<vmem>>
        %dma_start3A_263 = tpu.memref_squeeze %dma_start3A_262 : memref<1x128xi32, #tpu.memory_space<vmem>> -> memref<128xi32, #tpu.memory_space<vmem>>
        %dma_start3A_264 = arith.constant 0 : i32
        %dma_start3A_265 = tpu.memref_slice %arg6[%dma_start3A_264] : memref<51200xf32, #tpu.memory_space<vmem_shared>> -> memref<51200xf32, #tpu.memory_space<vmem_shared>>
        tpu.enqueue_indirect_dma source(%dma_start3A_260 : memref<128xf32, #tpu.memory_space<vmem>>) target(%dma_start3A_265 : memref<51200xf32, #tpu.memory_space<vmem_shared>>) offsets(%dma_start3A_263 : memref<128xi32, #tpu.memory_space<vmem>>) semaphore(%arg11 : memref<!tpu.dma_semaphore, #tpu.memory_space<semaphore_mem>>) {add = true}
        %dma_start3A_266 = arith.constant 21 : i32
        %dma_start3A_267 = arith.constant 0 : i32
        %dma_start3A_268 = tpu.memref_slice %arg8[%dma_start3A_267] : memref<256xf32, #tpu.memory_space<vmem>> -> memref<128xf32, #tpu.memory_space<vmem>>
        %dma_start3A_269 = arith.constant 0 : i32
        %dma_start3A_270 = tpu.memref_slice %arg7[%dma_start3A_266, %dma_start3A_269] : memref<22x128xi32, #tpu.memory_space<vmem>> -> memref<1x128xi32, #tpu.memory_space<vmem>>
        %dma_start3A_271 = tpu.memref_squeeze %dma_start3A_270 : memref<1x128xi32, #tpu.memory_space<vmem>> -> memref<128xi32, #tpu.memory_space<vmem>>
        %dma_start3A_272 = arith.constant 0 : i32
        %dma_start3A_273 = tpu.memref_slice %arg6[%dma_start3A_272] : memref<51200xf32, #tpu.memory_space<vmem_shared>> -> memref<51200xf32, #tpu.memory_space<vmem_shared>>
        tpu.enqueue_indirect_dma source(%dma_start3A_268 : memref<128xf32, #tpu.memory_space<vmem>>) target(%dma_start3A_273 : memref<51200xf32, #tpu.memory_space<vmem_shared>>) offsets(%dma_start3A_271 : memref<128xi32, #tpu.memory_space<vmem>>) semaphore(%arg11 : memref<!tpu.dma_semaphore, #tpu.memory_space<semaphore_mem>>) {add = true}
        %dma_wait3A = arith.constant 0 : i32
        %dma_wait3A_274 = arith.constant 0 : i32
        %dma_wait3A_275 = tpu.memref_slice %arg8[%dma_wait3A_274] : memref<256xf32, #tpu.memory_space<vmem>> -> memref<128xf32, #tpu.memory_space<vmem>>
        %dma_wait3A_276 = arith.constant 0 : i32
        %dma_wait3A_277 = tpu.memref_slice %arg7[%dma_wait3A, %dma_wait3A_276] : memref<22x128xi32, #tpu.memory_space<vmem>> -> memref<1x128xi32, #tpu.memory_space<vmem>>
        %dma_wait3A_278 = tpu.memref_squeeze %dma_wait3A_277 : memref<1x128xi32, #tpu.memory_space<vmem>> -> memref<128xi32, #tpu.memory_space<vmem>>
        %dma_wait3A_279 = arith.constant 0 : i32
        %dma_wait3A_280 = tpu.memref_slice %arg6[%dma_wait3A_279] : memref<51200xf32, #tpu.memory_space<vmem_shared>> -> memref<51200xf32, #tpu.memory_space<vmem_shared>>
        tpu.wait_indirect_dma semaphore(%arg11 : memref<!tpu.dma_semaphore, #tpu.memory_space<semaphore_mem>>) src(%dma_wait3A_275 : memref<128xf32, #tpu.memory_space<vmem>>) dst(%dma_wait3A_280 : memref<51200xf32, #tpu.memory_space<vmem_shared>>)
        %dma_wait3A_281 = arith.constant 1 : i32
        %dma_wait3A_282 = arith.constant 0 : i32
        %dma_wait3A_283 = tpu.memref_slice %arg8[%dma_wait3A_282] : memref<256xf32, #tpu.memory_space<vmem>> -> memref<128xf32, #tpu.memory_space<vmem>>
        %dma_wait3A_284 = arith.constant 0 : i32
        %dma_wait3A_285 = tpu.memref_slice %arg7[%dma_wait3A_281, %dma_wait3A_284] : memref<22x128xi32, #tpu.memory_space<vmem>> -> memref<1x128xi32, #tpu.memory_space<vmem>>
        %dma_wait3A_286 = tpu.memref_squeeze %dma_wait3A_285 : memref<1x128xi32, #tpu.memory_space<vmem>> -> memref<128xi32, #tpu.memory_space<vmem>>
        %dma_wait3A_287 = arith.constant 0 : i32
        %dma_wait3A_288 = tpu.memref_slice %arg6[%dma_wait3A_287] : memref<51200xf32, #tpu.memory_space<vmem_shared>> -> memref<51200xf32, #tpu.memory_space<vmem_shared>>
        tpu.wait_indirect_dma semaphore(%arg11 : memref<!tpu.dma_semaphore, #tpu.memory_space<semaphore_mem>>) src(%dma_wait3A_283 : memref<128xf32, #tpu.memory_space<vmem>>) dst(%dma_wait3A_288 : memref<51200xf32, #tpu.memory_space<vmem_shared>>)
        %dma_wait3A_289 = arith.constant 2 : i32
        %dma_wait3A_290 = arith.constant 0 : i32
        %dma_wait3A_291 = tpu.memref_slice %arg8[%dma_wait3A_290] : memref<256xf32, #tpu.memory_space<vmem>> -> memref<128xf32, #tpu.memory_space<vmem>>
        %dma_wait3A_292 = arith.constant 0 : i32
        %dma_wait3A_293 = tpu.memref_slice %arg7[%dma_wait3A_289, %dma_wait3A_292] : memref<22x128xi32, #tpu.memory_space<vmem>> -> memref<1x128xi32, #tpu.memory_space<vmem>>
        %dma_wait3A_294 = tpu.memref_squeeze %dma_wait3A_293 : memref<1x128xi32, #tpu.memory_space<vmem>> -> memref<128xi32, #tpu.memory_space<vmem>>
        %dma_wait3A_295 = arith.constant 0 : i32
        %dma_wait3A_296 = tpu.memref_slice %arg6[%dma_wait3A_295] : memref<51200xf32, #tpu.memory_space<vmem_shared>> -> memref<51200xf32, #tpu.memory_space<vmem_shared>>
        tpu.wait_indirect_dma semaphore(%arg11 : memref<!tpu.dma_semaphore, #tpu.memory_space<semaphore_mem>>) src(%dma_wait3A_291 : memref<128xf32, #tpu.memory_space<vmem>>) dst(%dma_wait3A_296 : memref<51200xf32, #tpu.memory_space<vmem_shared>>)
        %dma_wait3A_297 = arith.constant 3 : i32
        %dma_wait3A_298 = arith.constant 0 : i32
        %dma_wait3A_299 = tpu.memref_slice %arg8[%dma_wait3A_298] : memref<256xf32, #tpu.memory_space<vmem>> -> memref<128xf32, #tpu.memory_space<vmem>>
        %dma_wait3A_300 = arith.constant 0 : i32
        %dma_wait3A_301 = tpu.memref_slice %arg7[%dma_wait3A_297, %dma_wait3A_300] : memref<22x128xi32, #tpu.memory_space<vmem>> -> memref<1x128xi32, #tpu.memory_space<vmem>>
        %dma_wait3A_302 = tpu.memref_squeeze %dma_wait3A_301 : memref<1x128xi32, #tpu.memory_space<vmem>> -> memref<128xi32, #tpu.memory_space<vmem>>
        %dma_wait3A_303 = arith.constant 0 : i32
        %dma_wait3A_304 = tpu.memref_slice %arg6[%dma_wait3A_303] : memref<51200xf32, #tpu.memory_space<vmem_shared>> -> memref<51200xf32, #tpu.memory_space<vmem_shared>>
        tpu.wait_indirect_dma semaphore(%arg11 : memref<!tpu.dma_semaphore, #tpu.memory_space<semaphore_mem>>) src(%dma_wait3A_299 : memref<128xf32, #tpu.memory_space<vmem>>) dst(%dma_wait3A_304 : memref<51200xf32, #tpu.memory_space<vmem_shared>>)
        %dma_wait3A_305 = arith.constant 4 : i32
        %dma_wait3A_306 = arith.constant 0 : i32
        %dma_wait3A_307 = tpu.memref_slice %arg8[%dma_wait3A_306] : memref<256xf32, #tpu.memory_space<vmem>> -> memref<128xf32, #tpu.memory_space<vmem>>
        %dma_wait3A_308 = arith.constant 0 : i32
        %dma_wait3A_309 = tpu.memref_slice %arg7[%dma_wait3A_305, %dma_wait3A_308] : memref<22x128xi32, #tpu.memory_space<vmem>> -> memref<1x128xi32, #tpu.memory_space<vmem>>
        %dma_wait3A_310 = tpu.memref_squeeze %dma_wait3A_309 : memref<1x128xi32, #tpu.memory_space<vmem>> -> memref<128xi32, #tpu.memory_space<vmem>>
        %dma_wait3A_311 = arith.constant 0 : i32
        %dma_wait3A_312 = tpu.memref_slice %arg6[%dma_wait3A_311] : memref<51200xf32, #tpu.memory_space<vmem_shared>> -> memref<51200xf32, #tpu.memory_space<vmem_shared>>
        tpu.wait_indirect_dma semaphore(%arg11 : memref<!tpu.dma_semaphore, #tpu.memory_space<semaphore_mem>>) src(%dma_wait3A_307 : memref<128xf32, #tpu.memory_space<vmem>>) dst(%dma_wait3A_312 : memref<51200xf32, #tpu.memory_space<vmem_shared>>)
        %dma_wait3A_313 = arith.constant 5 : i32
        %dma_wait3A_314 = arith.constant 0 : i32
        %dma_wait3A_315 = tpu.memref_slice %arg8[%dma_wait3A_314] : memref<256xf32, #tpu.memory_space<vmem>> -> memref<128xf32, #tpu.memory_space<vmem>>
        %dma_wait3A_316 = arith.constant 0 : i32
        %dma_wait3A_317 = tpu.memref_slice %arg7[%dma_wait3A_313, %dma_wait3A_316] : memref<22x128xi32, #tpu.memory_space<vmem>> -> memref<1x128xi32, #tpu.memory_space<vmem>>
        %dma_wait3A_318 = tpu.memref_squeeze %dma_wait3A_317 : memref<1x128xi32, #tpu.memory_space<vmem>> -> memref<128xi32, #tpu.memory_space<vmem>>
        %dma_wait3A_319 = arith.constant 0 : i32
        %dma_wait3A_320 = tpu.memref_slice %arg6[%dma_wait3A_319] : memref<51200xf32, #tpu.memory_space<vmem_shared>> -> memref<51200xf32, #tpu.memory_space<vmem_shared>>
        tpu.wait_indirect_dma semaphore(%arg11 : memref<!tpu.dma_semaphore, #tpu.memory_space<semaphore_mem>>) src(%dma_wait3A_315 : memref<128xf32, #tpu.memory_space<vmem>>) dst(%dma_wait3A_320 : memref<51200xf32, #tpu.memory_space<vmem_shared>>)
        %dma_wait3A_321 = arith.constant 6 : i32
        %dma_wait3A_322 = arith.constant 0 : i32
        %dma_wait3A_323 = tpu.memref_slice %arg8[%dma_wait3A_322] : memref<256xf32, #tpu.memory_space<vmem>> -> memref<128xf32, #tpu.memory_space<vmem>>
        %dma_wait3A_324 = arith.constant 0 : i32
        %dma_wait3A_325 = tpu.memref_slice %arg7[%dma_wait3A_321, %dma_wait3A_324] : memref<22x128xi32, #tpu.memory_space<vmem>> -> memref<1x128xi32, #tpu.memory_space<vmem>>
        %dma_wait3A_326 = tpu.memref_squeeze %dma_wait3A_325 : memref<1x128xi32, #tpu.memory_space<vmem>> -> memref<128xi32, #tpu.memory_space<vmem>>
        %dma_wait3A_327 = arith.constant 0 : i32
        %dma_wait3A_328 = tpu.memref_slice %arg6[%dma_wait3A_327] : memref<51200xf32, #tpu.memory_space<vmem_shared>> -> memref<51200xf32, #tpu.memory_space<vmem_shared>>
        tpu.wait_indirect_dma semaphore(%arg11 : memref<!tpu.dma_semaphore, #tpu.memory_space<semaphore_mem>>) src(%dma_wait3A_323 : memref<128xf32, #tpu.memory_space<vmem>>) dst(%dma_wait3A_328 : memref<51200xf32, #tpu.memory_space<vmem_shared>>)
        %dma_wait3A_329 = arith.constant 7 : i32
        %dma_wait3A_330 = arith.constant 0 : i32
        %dma_wait3A_331 = tpu.memref_slice %arg8[%dma_wait3A_330] : memref<256xf32, #tpu.memory_space<vmem>> -> memref<128xf32, #tpu.memory_space<vmem>>
        %dma_wait3A_332 = arith.constant 0 : i32
        %dma_wait3A_333 = tpu.memref_slice %arg7[%dma_wait3A_329, %dma_wait3A_332] : memref<22x128xi32, #tpu.memory_space<vmem>> -> memref<1x128xi32, #tpu.memory_space<vmem>>
        %dma_wait3A_334 = tpu.memref_squeeze %dma_wait3A_333 : memref<1x128xi32, #tpu.memory_space<vmem>> -> memref<128xi32, #tpu.memory_space<vmem>>
        %dma_wait3A_335 = arith.constant 0 : i32
        %dma_wait3A_336 = tpu.memref_slice %arg6[%dma_wait3A_335] : memref<51200xf32, #tpu.memory_space<vmem_shared>> -> memref<51200xf32, #tpu.memory_space<vmem_shared>>
        tpu.wait_indirect_dma semaphore(%arg11 : memref<!tpu.dma_semaphore, #tpu.memory_space<semaphore_mem>>) src(%dma_wait3A_331 : memref<128xf32, #tpu.memory_space<vmem>>) dst(%dma_wait3A_336 : memref<51200xf32, #tpu.memory_space<vmem_shared>>)
        %dma_wait3A_337 = arith.constant 8 : i32
        %dma_wait3A_338 = arith.constant 0 : i32
        %dma_wait3A_339 = tpu.memref_slice %arg8[%dma_wait3A_338] : memref<256xf32, #tpu.memory_space<vmem>> -> memref<128xf32, #tpu.memory_space<vmem>>
        %dma_wait3A_340 = arith.constant 0 : i32
        %dma_wait3A_341 = tpu.memref_slice %arg7[%dma_wait3A_337, %dma_wait3A_340] : memref<22x128xi32, #tpu.memory_space<vmem>> -> memref<1x128xi32, #tpu.memory_space<vmem>>
        %dma_wait3A_342 = tpu.memref_squeeze %dma_wait3A_341 : memref<1x128xi32, #tpu.memory_space<vmem>> -> memref<128xi32, #tpu.memory_space<vmem>>
        %dma_wait3A_343 = arith.constant 0 : i32
        %dma_wait3A_344 = tpu.memref_slice %arg6[%dma_wait3A_343] : memref<51200xf32, #tpu.memory_space<vmem_shared>> -> memref<51200xf32, #tpu.memory_space<vmem_shared>>
        tpu.wait_indirect_dma semaphore(%arg11 : memref<!tpu.dma_semaphore, #tpu.memory_space<semaphore_mem>>) src(%dma_wait3A_339 : memref<128xf32, #tpu.memory_space<vmem>>) dst(%dma_wait3A_344 : memref<51200xf32, #tpu.memory_space<vmem_shared>>)
        %dma_wait3A_345 = arith.constant 9 : i32
        %dma_wait3A_346 = arith.constant 0 : i32
        %dma_wait3A_347 = tpu.memref_slice %arg8[%dma_wait3A_346] : memref<256xf32, #tpu.memory_space<vmem>> -> memref<128xf32, #tpu.memory_space<vmem>>
        %dma_wait3A_348 = arith.constant 0 : i32
        %dma_wait3A_349 = tpu.memref_slice %arg7[%dma_wait3A_345, %dma_wait3A_348] : memref<22x128xi32, #tpu.memory_space<vmem>> -> memref<1x128xi32, #tpu.memory_space<vmem>>
        %dma_wait3A_350 = tpu.memref_squeeze %dma_wait3A_349 : memref<1x128xi32, #tpu.memory_space<vmem>> -> memref<128xi32, #tpu.memory_space<vmem>>
        %dma_wait3A_351 = arith.constant 0 : i32
        %dma_wait3A_352 = tpu.memref_slice %arg6[%dma_wait3A_351] : memref<51200xf32, #tpu.memory_space<vmem_shared>> -> memref<51200xf32, #tpu.memory_space<vmem_shared>>
        tpu.wait_indirect_dma semaphore(%arg11 : memref<!tpu.dma_semaphore, #tpu.memory_space<semaphore_mem>>) src(%dma_wait3A_347 : memref<128xf32, #tpu.memory_space<vmem>>) dst(%dma_wait3A_352 : memref<51200xf32, #tpu.memory_space<vmem_shared>>)
        %dma_wait3A_353 = arith.constant 10 : i32
        %dma_wait3A_354 = arith.constant 0 : i32
        %dma_wait3A_355 = tpu.memref_slice %arg8[%dma_wait3A_354] : memref<256xf32, #tpu.memory_space<vmem>> -> memref<128xf32, #tpu.memory_space<vmem>>
        %dma_wait3A_356 = arith.constant 0 : i32
        %dma_wait3A_357 = tpu.memref_slice %arg7[%dma_wait3A_353, %dma_wait3A_356] : memref<22x128xi32, #tpu.memory_space<vmem>> -> memref<1x128xi32, #tpu.memory_space<vmem>>
        %dma_wait3A_358 = tpu.memref_squeeze %dma_wait3A_357 : memref<1x128xi32, #tpu.memory_space<vmem>> -> memref<128xi32, #tpu.memory_space<vmem>>
        %dma_wait3A_359 = arith.constant 0 : i32
        %dma_wait3A_360 = tpu.memref_slice %arg6[%dma_wait3A_359] : memref<51200xf32, #tpu.memory_space<vmem_shared>> -> memref<51200xf32, #tpu.memory_space<vmem_shared>>
        tpu.wait_indirect_dma semaphore(%arg11 : memref<!tpu.dma_semaphore, #tpu.memory_space<semaphore_mem>>) src(%dma_wait3A_355 : memref<128xf32, #tpu.memory_space<vmem>>) dst(%dma_wait3A_360 : memref<51200xf32, #tpu.memory_space<vmem_shared>>)
        %dma_wait3A_361 = arith.constant 11 : i32
        %dma_wait3A_362 = arith.constant 0 : i32
        %dma_wait3A_363 = tpu.memref_slice %arg8[%dma_wait3A_362] : memref<256xf32, #tpu.memory_space<vmem>> -> memref<128xf32, #tpu.memory_space<vmem>>
        %dma_wait3A_364 = arith.constant 0 : i32
        %dma_wait3A_365 = tpu.memref_slice %arg7[%dma_wait3A_361, %dma_wait3A_364] : memref<22x128xi32, #tpu.memory_space<vmem>> -> memref<1x128xi32, #tpu.memory_space<vmem>>
        %dma_wait3A_366 = tpu.memref_squeeze %dma_wait3A_365 : memref<1x128xi32, #tpu.memory_space<vmem>> -> memref<128xi32, #tpu.memory_space<vmem>>
        %dma_wait3A_367 = arith.constant 0 : i32
        %dma_wait3A_368 = tpu.memref_slice %arg6[%dma_wait3A_367] : memref<51200xf32, #tpu.memory_space<vmem_shared>> -> memref<51200xf32, #tpu.memory_space<vmem_shared>>
        tpu.wait_indirect_dma semaphore(%arg11 : memref<!tpu.dma_semaphore, #tpu.memory_space<semaphore_mem>>) src(%dma_wait3A_363 : memref<128xf32, #tpu.memory_space<vmem>>) dst(%dma_wait3A_368 : memref<51200xf32, #tpu.memory_space<vmem_shared>>)
        %dma_wait3A_369 = arith.constant 12 : i32
        %dma_wait3A_370 = arith.constant 0 : i32
        %dma_wait3A_371 = tpu.memref_slice %arg8[%dma_wait3A_370] : memref<256xf32, #tpu.memory_space<vmem>> -> memref<128xf32, #tpu.memory_space<vmem>>
        %dma_wait3A_372 = arith.constant 0 : i32
        %dma_wait3A_373 = tpu.memref_slice %arg7[%dma_wait3A_369, %dma_wait3A_372] : memref<22x128xi32, #tpu.memory_space<vmem>> -> memref<1x128xi32, #tpu.memory_space<vmem>>
        %dma_wait3A_374 = tpu.memref_squeeze %dma_wait3A_373 : memref<1x128xi32, #tpu.memory_space<vmem>> -> memref<128xi32, #tpu.memory_space<vmem>>
        %dma_wait3A_375 = arith.constant 0 : i32
        %dma_wait3A_376 = tpu.memref_slice %arg6[%dma_wait3A_375] : memref<51200xf32, #tpu.memory_space<vmem_shared>> -> memref<51200xf32, #tpu.memory_space<vmem_shared>>
        tpu.wait_indirect_dma semaphore(%arg11 : memref<!tpu.dma_semaphore, #tpu.memory_space<semaphore_mem>>) src(%dma_wait3A_371 : memref<128xf32, #tpu.memory_space<vmem>>) dst(%dma_wait3A_376 : memref<51200xf32, #tpu.memory_space<vmem_shared>>)
        %dma_wait3A_377 = arith.constant 13 : i32
        %dma_wait3A_378 = arith.constant 0 : i32
        %dma_wait3A_379 = tpu.memref_slice %arg8[%dma_wait3A_378] : memref<256xf32, #tpu.memory_space<vmem>> -> memref<128xf32, #tpu.memory_space<vmem>>
        %dma_wait3A_380 = arith.constant 0 : i32
        %dma_wait3A_381 = tpu.memref_slice %arg7[%dma_wait3A_377, %dma_wait3A_380] : memref<22x128xi32, #tpu.memory_space<vmem>> -> memref<1x128xi32, #tpu.memory_space<vmem>>
        %dma_wait3A_382 = tpu.memref_squeeze %dma_wait3A_381 : memref<1x128xi32, #tpu.memory_space<vmem>> -> memref<128xi32, #tpu.memory_space<vmem>>
        %dma_wait3A_383 = arith.constant 0 : i32
        %dma_wait3A_384 = tpu.memref_slice %arg6[%dma_wait3A_383] : memref<51200xf32, #tpu.memory_space<vmem_shared>> -> memref<51200xf32, #tpu.memory_space<vmem_shared>>
        tpu.wait_indirect_dma semaphore(%arg11 : memref<!tpu.dma_semaphore, #tpu.memory_space<semaphore_mem>>) src(%dma_wait3A_379 : memref<128xf32, #tpu.memory_space<vmem>>) dst(%dma_wait3A_384 : memref<51200xf32, #tpu.memory_space<vmem_shared>>)
        %dma_wait3A_385 = arith.constant 14 : i32
        %dma_wait3A_386 = arith.constant 0 : i32
        %dma_wait3A_387 = tpu.memref_slice %arg8[%dma_wait3A_386] : memref<256xf32, #tpu.memory_space<vmem>> -> memref<128xf32, #tpu.memory_space<vmem>>
        %dma_wait3A_388 = arith.constant 0 : i32
        %dma_wait3A_389 = tpu.memref_slice %arg7[%dma_wait3A_385, %dma_wait3A_388] : memref<22x128xi32, #tpu.memory_space<vmem>> -> memref<1x128xi32, #tpu.memory_space<vmem>>
        %dma_wait3A_390 = tpu.memref_squeeze %dma_wait3A_389 : memref<1x128xi32, #tpu.memory_space<vmem>> -> memref<128xi32, #tpu.memory_space<vmem>>
        %dma_wait3A_391 = arith.constant 0 : i32
        %dma_wait3A_392 = tpu.memref_slice %arg6[%dma_wait3A_391] : memref<51200xf32, #tpu.memory_space<vmem_shared>> -> memref<51200xf32, #tpu.memory_space<vmem_shared>>
        tpu.wait_indirect_dma semaphore(%arg11 : memref<!tpu.dma_semaphore, #tpu.memory_space<semaphore_mem>>) src(%dma_wait3A_387 : memref<128xf32, #tpu.memory_space<vmem>>) dst(%dma_wait3A_392 : memref<51200xf32, #tpu.memory_space<vmem_shared>>)
        %dma_wait3A_393 = arith.constant 15 : i32
        %dma_wait3A_394 = arith.constant 0 : i32
        %dma_wait3A_395 = tpu.memref_slice %arg8[%dma_wait3A_394] : memref<256xf32, #tpu.memory_space<vmem>> -> memref<128xf32, #tpu.memory_space<vmem>>
        %dma_wait3A_396 = arith.constant 0 : i32
        %dma_wait3A_397 = tpu.memref_slice %arg7[%dma_wait3A_393, %dma_wait3A_396] : memref<22x128xi32, #tpu.memory_space<vmem>> -> memref<1x128xi32, #tpu.memory_space<vmem>>
        %dma_wait3A_398 = tpu.memref_squeeze %dma_wait3A_397 : memref<1x128xi32, #tpu.memory_space<vmem>> -> memref<128xi32, #tpu.memory_space<vmem>>
        %dma_wait3A_399 = arith.constant 0 : i32
        %dma_wait3A_400 = tpu.memref_slice %arg6[%dma_wait3A_399] : memref<51200xf32, #tpu.memory_space<vmem_shared>> -> memref<51200xf32, #tpu.memory_space<vmem_shared>>
        tpu.wait_indirect_dma semaphore(%arg11 : memref<!tpu.dma_semaphore, #tpu.memory_space<semaphore_mem>>) src(%dma_wait3A_395 : memref<128xf32, #tpu.memory_space<vmem>>) dst(%dma_wait3A_400 : memref<51200xf32, #tpu.memory_space<vmem_shared>>)
        %dma_wait3A_401 = arith.constant 16 : i32
        %dma_wait3A_402 = arith.constant 0 : i32
        %dma_wait3A_403 = tpu.memref_slice %arg8[%dma_wait3A_402] : memref<256xf32, #tpu.memory_space<vmem>> -> memref<128xf32, #tpu.memory_space<vmem>>
        %dma_wait3A_404 = arith.constant 0 : i32
        %dma_wait3A_405 = tpu.memref_slice %arg7[%dma_wait3A_401, %dma_wait3A_404] : memref<22x128xi32, #tpu.memory_space<vmem>> -> memref<1x128xi32, #tpu.memory_space<vmem>>
        %dma_wait3A_406 = tpu.memref_squeeze %dma_wait3A_405 : memref<1x128xi32, #tpu.memory_space<vmem>> -> memref<128xi32, #tpu.memory_space<vmem>>
        %dma_wait3A_407 = arith.constant 0 : i32
        %dma_wait3A_408 = tpu.memref_slice %arg6[%dma_wait3A_407] : memref<51200xf32, #tpu.memory_space<vmem_shared>> -> memref<51200xf32, #tpu.memory_space<vmem_shared>>
        tpu.wait_indirect_dma semaphore(%arg11 : memref<!tpu.dma_semaphore, #tpu.memory_space<semaphore_mem>>) src(%dma_wait3A_403 : memref<128xf32, #tpu.memory_space<vmem>>) dst(%dma_wait3A_408 : memref<51200xf32, #tpu.memory_space<vmem_shared>>)
        %dma_wait3A_409 = arith.constant 17 : i32
        %dma_wait3A_410 = arith.constant 0 : i32
        %dma_wait3A_411 = tpu.memref_slice %arg8[%dma_wait3A_410] : memref<256xf32, #tpu.memory_space<vmem>> -> memref<128xf32, #tpu.memory_space<vmem>>
        %dma_wait3A_412 = arith.constant 0 : i32
        %dma_wait3A_413 = tpu.memref_slice %arg7[%dma_wait3A_409, %dma_wait3A_412] : memref<22x128xi32, #tpu.memory_space<vmem>> -> memref<1x128xi32, #tpu.memory_space<vmem>>
        %dma_wait3A_414 = tpu.memref_squeeze %dma_wait3A_413 : memref<1x128xi32, #tpu.memory_space<vmem>> -> memref<128xi32, #tpu.memory_space<vmem>>
        %dma_wait3A_415 = arith.constant 0 : i32
        %dma_wait3A_416 = tpu.memref_slice %arg6[%dma_wait3A_415] : memref<51200xf32, #tpu.memory_space<vmem_shared>> -> memref<51200xf32, #tpu.memory_space<vmem_shared>>
        tpu.wait_indirect_dma semaphore(%arg11 : memref<!tpu.dma_semaphore, #tpu.memory_space<semaphore_mem>>) src(%dma_wait3A_411 : memref<128xf32, #tpu.memory_space<vmem>>) dst(%dma_wait3A_416 : memref<51200xf32, #tpu.memory_space<vmem_shared>>)
        %dma_wait3A_417 = arith.constant 18 : i32
        %dma_wait3A_418 = arith.constant 0 : i32
        %dma_wait3A_419 = tpu.memref_slice %arg8[%dma_wait3A_418] : memref<256xf32, #tpu.memory_space<vmem>> -> memref<128xf32, #tpu.memory_space<vmem>>
        %dma_wait3A_420 = arith.constant 0 : i32
        %dma_wait3A_421 = tpu.memref_slice %arg7[%dma_wait3A_417, %dma_wait3A_420] : memref<22x128xi32, #tpu.memory_space<vmem>> -> memref<1x128xi32, #tpu.memory_space<vmem>>
        %dma_wait3A_422 = tpu.memref_squeeze %dma_wait3A_421 : memref<1x128xi32, #tpu.memory_space<vmem>> -> memref<128xi32, #tpu.memory_space<vmem>>
        %dma_wait3A_423 = arith.constant 0 : i32
        %dma_wait3A_424 = tpu.memref_slice %arg6[%dma_wait3A_423] : memref<51200xf32, #tpu.memory_space<vmem_shared>> -> memref<51200xf32, #tpu.memory_space<vmem_shared>>
        tpu.wait_indirect_dma semaphore(%arg11 : memref<!tpu.dma_semaphore, #tpu.memory_space<semaphore_mem>>) src(%dma_wait3A_419 : memref<128xf32, #tpu.memory_space<vmem>>) dst(%dma_wait3A_424 : memref<51200xf32, #tpu.memory_space<vmem_shared>>)
        %dma_wait3A_425 = arith.constant 19 : i32
        %dma_wait3A_426 = arith.constant 0 : i32
        %dma_wait3A_427 = tpu.memref_slice %arg8[%dma_wait3A_426] : memref<256xf32, #tpu.memory_space<vmem>> -> memref<128xf32, #tpu.memory_space<vmem>>
        %dma_wait3A_428 = arith.constant 0 : i32
        %dma_wait3A_429 = tpu.memref_slice %arg7[%dma_wait3A_425, %dma_wait3A_428] : memref<22x128xi32, #tpu.memory_space<vmem>> -> memref<1x128xi32, #tpu.memory_space<vmem>>
        %dma_wait3A_430 = tpu.memref_squeeze %dma_wait3A_429 : memref<1x128xi32, #tpu.memory_space<vmem>> -> memref<128xi32, #tpu.memory_space<vmem>>
        %dma_wait3A_431 = arith.constant 0 : i32
        %dma_wait3A_432 = tpu.memref_slice %arg6[%dma_wait3A_431] : memref<51200xf32, #tpu.memory_space<vmem_shared>> -> memref<51200xf32, #tpu.memory_space<vmem_shared>>
        tpu.wait_indirect_dma semaphore(%arg11 : memref<!tpu.dma_semaphore, #tpu.memory_space<semaphore_mem>>) src(%dma_wait3A_427 : memref<128xf32, #tpu.memory_space<vmem>>) dst(%dma_wait3A_432 : memref<51200xf32, #tpu.memory_space<vmem_shared>>)
        %dma_wait3A_433 = arith.constant 20 : i32
        %dma_wait3A_434 = arith.constant 0 : i32
        %dma_wait3A_435 = tpu.memref_slice %arg8[%dma_wait3A_434] : memref<256xf32, #tpu.memory_space<vmem>> -> memref<128xf32, #tpu.memory_space<vmem>>
        %dma_wait3A_436 = arith.constant 0 : i32
        %dma_wait3A_437 = tpu.memref_slice %arg7[%dma_wait3A_433, %dma_wait3A_436] : memref<22x128xi32, #tpu.memory_space<vmem>> -> memref<1x128xi32, #tpu.memory_space<vmem>>
        %dma_wait3A_438 = tpu.memref_squeeze %dma_wait3A_437 : memref<1x128xi32, #tpu.memory_space<vmem>> -> memref<128xi32, #tpu.memory_space<vmem>>
        %dma_wait3A_439 = arith.constant 0 : i32
        %dma_wait3A_440 = tpu.memref_slice %arg6[%dma_wait3A_439] : memref<51200xf32, #tpu.memory_space<vmem_shared>> -> memref<51200xf32, #tpu.memory_space<vmem_shared>>
        tpu.wait_indirect_dma semaphore(%arg11 : memref<!tpu.dma_semaphore, #tpu.memory_space<semaphore_mem>>) src(%dma_wait3A_435 : memref<128xf32, #tpu.memory_space<vmem>>) dst(%dma_wait3A_440 : memref<51200xf32, #tpu.memory_space<vmem_shared>>)
        %dma_wait3A_441 = arith.constant 21 : i32
        %dma_wait3A_442 = arith.constant 0 : i32
        %dma_wait3A_443 = tpu.memref_slice %arg8[%dma_wait3A_442] : memref<256xf32, #tpu.memory_space<vmem>> -> memref<128xf32, #tpu.memory_space<vmem>>
        %dma_wait3A_444 = arith.constant 0 : i32
        %dma_wait3A_445 = tpu.memref_slice %arg7[%dma_wait3A_441, %dma_wait3A_444] : memref<22x128xi32, #tpu.memory_space<vmem>> -> memref<1x128xi32, #tpu.memory_space<vmem>>
        %dma_wait3A_446 = tpu.memref_squeeze %dma_wait3A_445 : memref<1x128xi32, #tpu.memory_space<vmem>> -> memref<128xi32, #tpu.memory_space<vmem>>
        %dma_wait3A_447 = arith.constant 0 : i32
        %dma_wait3A_448 = tpu.memref_slice %arg6[%dma_wait3A_447] : memref<51200xf32, #tpu.memory_space<vmem_shared>> -> memref<51200xf32, #tpu.memory_space<vmem_shared>>
        tpu.wait_indirect_dma semaphore(%arg11 : memref<!tpu.dma_semaphore, #tpu.memory_space<semaphore_mem>>) src(%dma_wait3A_443 : memref<128xf32, #tpu.memory_space<vmem>>) dst(%dma_wait3A_448 : memref<51200xf32, #tpu.memory_space<vmem_shared>>)
        %scan3A_449 = arith.constant 0 : i32
        scf.yield %scan3A_449 : i32
      }
      %scan3A_86 = arith.constant 18 : i32
      %barrier3A_87 = arith.constant 0 : index
      tpu.barrier barrier_id(%barrier3A_87)
      %scan3A_88 = arith.constant 0 : i32
      %scan3A_89 = arith.constant 0 : i32
      %scan3A_90 = arith.constant 25 : i32
      %scan3A_91 = arith.addi %scan3A_89, %scan3A_90 : i32
      %scan3A_92 = arith.constant 1 : i32
      %scan3A_93 = scf.for %scan3A_95 = %scan3A_89 to %scan3A_91 step %scan3A_92 iter_args(%scan3A_96 = %scan3A_88) -> (i32)  : i32 {
        %mul3A_97 = arith.constant 3200 : i32
        %mul3A_98 = arith.muli %arg1, %mul3A_97 : i32
        %mul3A_99 = arith.constant 128 : i32
        %mul3A_100 = arith.muli %scan3A_95, %mul3A_99 : i32
        %add3A = arith.addi %mul3A_98, %mul3A_100 : i32
        "tpu.region"() ({
          %run_scoped3A = tpu.sem_alloc : memref<!tpu.dma_semaphore, #tpu.memory_space<semaphore_mem>>
          %dma_start3A = tpu.memref_slice %arg6[%add3A] : memref<51200xf32, #tpu.memory_space<vmem_shared>> -> memref<128xf32, #tpu.memory_space<vmem_shared>>
          %dma_start3A_225 = tpu.memref_slice %arg6[%add3A] : memref<51200xf32, #tpu.memory_space<vmem_shared>> -> memref<128xf32, #tpu.memory_space<vmem_shared>>
          tpu.enqueue_dma source(%dma_start3A_225 : memref<128xf32, #tpu.memory_space<vmem_shared>>) target(%arg9 : memref<128xf32, #tpu.memory_space<vmem>>) target_semaphore(%run_scoped3A : memref<!tpu.dma_semaphore, #tpu.memory_space<semaphore_mem>>)
          %dma_wait3A = tpu.memref_slice %arg6[%add3A] : memref<51200xf32, #tpu.memory_space<vmem_shared>> -> memref<128xf32, #tpu.memory_space<vmem_shared>>
          %dma_wait3A_226 = tpu.memref_slice %arg6[%add3A] : memref<51200xf32, #tpu.memory_space<vmem_shared>> -> memref<128xf32, #tpu.memory_space<vmem_shared>>
          tpu.wait_dma2 semaphore(%run_scoped3A : memref<!tpu.dma_semaphore, #tpu.memory_space<semaphore_mem>>) src(%dma_wait3A_226 : memref<128xf32, #tpu.memory_space<vmem_shared>>) dst(%arg9 : memref<128xf32, #tpu.memory_space<vmem>>)
          tpu.yield
        }) : () -> ()
        %get3A = arith.constant 0 : index
        %get3A_101 = tpu.vector_load %arg9[%get3A] {strides = array<i32>} : memref<128xf32, #tpu.memory_space<vmem>>, vector<16xf32>,
        %get3A_102 = vector.shape_cast %get3A_101 : vector<16xf32> to vector<16xf32>
        %gt3A = arith.constant 0.000000e+00 : f32
        %gt3A_103 = vector.broadcast %gt3A : f32 to vector<16xf32>
        %gt3A_104 = arith.cmpf ogt, %get3A_102, %gt3A_103 : vector<16xf32>
        %div3A = arith.constant 1.000000e+00 : f32
        %div3A_105 = vector.broadcast %div3A : f32 to vector<16xf32>
        %div3A_106 = arith.divf %div3A_105, %get3A_102 : vector<16xf32>
        %jit3A = arith.constant 0.000000e+00 : f32
        %broadcast_in_dim3A_107 = vector.broadcast %jit3A : f32 to vector<16xf32>
        %select_n3A = arith.select %gt3A_104, %div3A_106, %broadcast_in_dim3A_107 : vector<16xi1>, vector<16xf32>
        %swap3A_108 = arith.constant 0 : index
        %swap3A_109 = tpu.vector_load %arg9[%swap3A_108] {strides = array<i32>} : memref<128xf32, #tpu.memory_space<vmem>>, vector<16xf32>,
        %swap3A_110 = vector.shape_cast %swap3A_109 : vector<16xf32> to vector<16xf32>
        %swap3A_111 = vector.shape_cast %select_n3A : vector<16xf32> to vector<16xf32>
        tpu.vector_store %arg9[%swap3A_108], %swap3A_111 {strides = array<i32>} : memref<128xf32, #tpu.memory_space<vmem>>, vector<16xf32>,
        %get3A_112 = arith.constant 16 : index
        %get3A_113 = tpu.vector_load %arg9[%get3A_112] {strides = array<i32>} : memref<128xf32, #tpu.memory_space<vmem>>, vector<16xf32>,
        %get3A_114 = vector.shape_cast %get3A_113 : vector<16xf32> to vector<16xf32>
        %gt3A_115 = arith.constant 0.000000e+00 : f32
        %gt3A_116 = vector.broadcast %gt3A_115 : f32 to vector<16xf32>
        %gt3A_117 = arith.cmpf ogt, %get3A_114, %gt3A_116 : vector<16xf32>
        %div3A_118 = arith.constant 1.000000e+00 : f32
        %div3A_119 = vector.broadcast %div3A_118 : f32 to vector<16xf32>
        %div3A_120 = arith.divf %div3A_119, %get3A_114 : vector<16xf32>
        %jit3A_121 = arith.constant 0.000000e+00 : f32
        %broadcast_in_dim3A_122 = vector.broadcast %jit3A_121 : f32 to vector<16xf32>
        %select_n3A_123 = arith.select %gt3A_117, %div3A_120, %broadcast_in_dim3A_122 : vector<16xi1>, vector<16xf32>
        %swap3A_124 = arith.constant 16 : index
        %swap3A_125 = tpu.vector_load %arg9[%swap3A_124] {strides = array<i32>} : memref<128xf32, #tpu.memory_space<vmem>>, vector<16xf32>,
        %swap3A_126 = vector.shape_cast %swap3A_125 : vector<16xf32> to vector<16xf32>
        %swap3A_127 = vector.shape_cast %select_n3A_123 : vector<16xf32> to vector<16xf32>
        tpu.vector_store %arg9[%swap3A_124], %swap3A_127 {strides = array<i32>} : memref<128xf32, #tpu.memory_space<vmem>>, vector<16xf32>,
        %get3A_128 = arith.constant 32 : index
        %get3A_129 = tpu.vector_load %arg9[%get3A_128] {strides = array<i32>} : memref<128xf32, #tpu.memory_space<vmem>>, vector<16xf32>,
        %get3A_130 = vector.shape_cast %get3A_129 : vector<16xf32> to vector<16xf32>
        %gt3A_131 = arith.constant 0.000000e+00 : f32
        %gt3A_132 = vector.broadcast %gt3A_131 : f32 to vector<16xf32>
        %gt3A_133 = arith.cmpf ogt, %get3A_130, %gt3A_132 : vector<16xf32>
        %div3A_134 = arith.constant 1.000000e+00 : f32
        %div3A_135 = vector.broadcast %div3A_134 : f32 to vector<16xf32>
        %div3A_136 = arith.divf %div3A_135, %get3A_130 : vector<16xf32>
        %jit3A_137 = arith.constant 0.000000e+00 : f32
        %broadcast_in_dim3A_138 = vector.broadcast %jit3A_137 : f32 to vector<16xf32>
        %select_n3A_139 = arith.select %gt3A_133, %div3A_136, %broadcast_in_dim3A_138 : vector<16xi1>, vector<16xf32>
        %swap3A_140 = arith.constant 32 : index
        %swap3A_141 = tpu.vector_load %arg9[%swap3A_140] {strides = array<i32>} : memref<128xf32, #tpu.memory_space<vmem>>, vector<16xf32>,
        %swap3A_142 = vector.shape_cast %swap3A_141 : vector<16xf32> to vector<16xf32>
        %swap3A_143 = vector.shape_cast %select_n3A_139 : vector<16xf32> to vector<16xf32>
        tpu.vector_store %arg9[%swap3A_140], %swap3A_143 {strides = array<i32>} : memref<128xf32, #tpu.memory_space<vmem>>, vector<16xf32>,
        %get3A_144 = arith.constant 48 : index
        %get3A_145 = tpu.vector_load %arg9[%get3A_144] {strides = array<i32>} : memref<128xf32, #tpu.memory_space<vmem>>, vector<16xf32>,
        %get3A_146 = vector.shape_cast %get3A_145 : vector<16xf32> to vector<16xf32>
        %gt3A_147 = arith.constant 0.000000e+00 : f32
        %gt3A_148 = vector.broadcast %gt3A_147 : f32 to vector<16xf32>
        %gt3A_149 = arith.cmpf ogt, %get3A_146, %gt3A_148 : vector<16xf32>
        %div3A_150 = arith.constant 1.000000e+00 : f32
        %div3A_151 = vector.broadcast %div3A_150 : f32 to vector<16xf32>
        %div3A_152 = arith.divf %div3A_151, %get3A_146 : vector<16xf32>
        %jit3A_153 = arith.constant 0.000000e+00 : f32
        %broadcast_in_dim3A_154 = vector.broadcast %jit3A_153 : f32 to vector<16xf32>
        %select_n3A_155 = arith.select %gt3A_149, %div3A_152, %broadcast_in_dim3A_154 : vector<16xi1>, vector<16xf32>
        %swap3A_156 = arith.constant 48 : index
        %swap3A_157 = tpu.vector_load %arg9[%swap3A_156] {strides = array<i32>} : memref<128xf32, #tpu.memory_space<vmem>>, vector<16xf32>,
        %swap3A_158 = vector.shape_cast %swap3A_157 : vector<16xf32> to vector<16xf32>
        %swap3A_159 = vector.shape_cast %select_n3A_155 : vector<16xf32> to vector<16xf32>
        tpu.vector_store %arg9[%swap3A_156], %swap3A_159 {strides = array<i32>} : memref<128xf32, #tpu.memory_space<vmem>>, vector<16xf32>,
        %get3A_160 = arith.constant 64 : index
        %get3A_161 = tpu.vector_load %arg9[%get3A_160] {strides = array<i32>} : memref<128xf32, #tpu.memory_space<vmem>>, vector<16xf32>,
        %get3A_162 = vector.shape_cast %get3A_161 : vector<16xf32> to vector<16xf32>
        %gt3A_163 = arith.constant 0.000000e+00 : f32
        %gt3A_164 = vector.broadcast %gt3A_163 : f32 to vector<16xf32>
        %gt3A_165 = arith.cmpf ogt, %get3A_162, %gt3A_164 : vector<16xf32>
        %div3A_166 = arith.constant 1.000000e+00 : f32
        %div3A_167 = vector.broadcast %div3A_166 : f32 to vector<16xf32>
        %div3A_168 = arith.divf %div3A_167, %get3A_162 : vector<16xf32>
        %jit3A_169 = arith.constant 0.000000e+00 : f32
        %broadcast_in_dim3A_170 = vector.broadcast %jit3A_169 : f32 to vector<16xf32>
        %select_n3A_171 = arith.select %gt3A_165, %div3A_168, %broadcast_in_dim3A_170 : vector<16xi1>, vector<16xf32>
        %swap3A_172 = arith.constant 64 : index
        %swap3A_173 = tpu.vector_load %arg9[%swap3A_172] {strides = array<i32>} : memref<128xf32, #tpu.memory_space<vmem>>, vector<16xf32>,
        %swap3A_174 = vector.shape_cast %swap3A_173 : vector<16xf32> to vector<16xf32>
        %swap3A_175 = vector.shape_cast %select_n3A_171 : vector<16xf32> to vector<16xf32>
        tpu.vector_store %arg9[%swap3A_172], %swap3A_175 {strides = array<i32>} : memref<128xf32, #tpu.memory_space<vmem>>, vector<16xf32>,
        %get3A_176 = arith.constant 80 : index
        %get3A_177 = tpu.vector_load %arg9[%get3A_176] {strides = array<i32>} : memref<128xf32, #tpu.memory_space<vmem>>, vector<16xf32>,
        %get3A_178 = vector.shape_cast %get3A_177 : vector<16xf32> to vector<16xf32>
        %gt3A_179 = arith.constant 0.000000e+00 : f32
        %gt3A_180 = vector.broadcast %gt3A_179 : f32 to vector<16xf32>
        %gt3A_181 = arith.cmpf ogt, %get3A_178, %gt3A_180 : vector<16xf32>
        %div3A_182 = arith.constant 1.000000e+00 : f32
        %div3A_183 = vector.broadcast %div3A_182 : f32 to vector<16xf32>
        %div3A_184 = arith.divf %div3A_183, %get3A_178 : vector<16xf32>
        %jit3A_185 = arith.constant 0.000000e+00 : f32
        %broadcast_in_dim3A_186 = vector.broadcast %jit3A_185 : f32 to vector<16xf32>
        %select_n3A_187 = arith.select %gt3A_181, %div3A_184, %broadcast_in_dim3A_186 : vector<16xi1>, vector<16xf32>
        %swap3A_188 = arith.constant 80 : index
        %swap3A_189 = tpu.vector_load %arg9[%swap3A_188] {strides = array<i32>} : memref<128xf32, #tpu.memory_space<vmem>>, vector<16xf32>,
        %swap3A_190 = vector.shape_cast %swap3A_189 : vector<16xf32> to vector<16xf32>
        %swap3A_191 = vector.shape_cast %select_n3A_187 : vector<16xf32> to vector<16xf32>
        tpu.vector_store %arg9[%swap3A_188], %swap3A_191 {strides = array<i32>} : memref<128xf32, #tpu.memory_space<vmem>>, vector<16xf32>,
        %get3A_192 = arith.constant 96 : index
        %get3A_193 = tpu.vector_load %arg9[%get3A_192] {strides = array<i32>} : memref<128xf32, #tpu.memory_space<vmem>>, vector<16xf32>,
        %get3A_194 = vector.shape_cast %get3A_193 : vector<16xf32> to vector<16xf32>
        %gt3A_195 = arith.constant 0.000000e+00 : f32
        %gt3A_196 = vector.broadcast %gt3A_195 : f32 to vector<16xf32>
        %gt3A_197 = arith.cmpf ogt, %get3A_194, %gt3A_196 : vector<16xf32>
        %div3A_198 = arith.constant 1.000000e+00 : f32
        %div3A_199 = vector.broadcast %div3A_198 : f32 to vector<16xf32>
        %div3A_200 = arith.divf %div3A_199, %get3A_194 : vector<16xf32>
        %jit3A_201 = arith.constant 0.000000e+00 : f32
        %broadcast_in_dim3A_202 = vector.broadcast %jit3A_201 : f32 to vector<16xf32>
        %select_n3A_203 = arith.select %gt3A_197, %div3A_200, %broadcast_in_dim3A_202 : vector<16xi1>, vector<16xf32>
        %swap3A_204 = arith.constant 96 : index
        %swap3A_205 = tpu.vector_load %arg9[%swap3A_204] {strides = array<i32>} : memref<128xf32, #tpu.memory_space<vmem>>, vector<16xf32>,
        %swap3A_206 = vector.shape_cast %swap3A_205 : vector<16xf32> to vector<16xf32>
        %swap3A_207 = vector.shape_cast %select_n3A_203 : vector<16xf32> to vector<16xf32>
        tpu.vector_store %arg9[%swap3A_204], %swap3A_207 {strides = array<i32>} : memref<128xf32, #tpu.memory_space<vmem>>, vector<16xf32>,
        %get3A_208 = arith.constant 112 : index
        %get3A_209 = tpu.vector_load %arg9[%get3A_208] {strides = array<i32>} : memref<128xf32, #tpu.memory_space<vmem>>, vector<16xf32>,
        %get3A_210 = vector.shape_cast %get3A_209 : vector<16xf32> to vector<16xf32>
        %gt3A_211 = arith.constant 0.000000e+00 : f32
        %gt3A_212 = vector.broadcast %gt3A_211 : f32 to vector<16xf32>
        %gt3A_213 = arith.cmpf ogt, %get3A_210, %gt3A_212 : vector<16xf32>
        %div3A_214 = arith.constant 1.000000e+00 : f32
        %div3A_215 = vector.broadcast %div3A_214 : f32 to vector<16xf32>
        %div3A_216 = arith.divf %div3A_215, %get3A_210 : vector<16xf32>
        %jit3A_217 = arith.constant 0.000000e+00 : f32
        %broadcast_in_dim3A_218 = vector.broadcast %jit3A_217 : f32 to vector<16xf32>
        %select_n3A_219 = arith.select %gt3A_213, %div3A_216, %broadcast_in_dim3A_218 : vector<16xi1>, vector<16xf32>
        %swap3A_220 = arith.constant 112 : index
        %swap3A_221 = tpu.vector_load %arg9[%swap3A_220] {strides = array<i32>} : memref<128xf32, #tpu.memory_space<vmem>>, vector<16xf32>,
        %swap3A_222 = vector.shape_cast %swap3A_221 : vector<16xf32> to vector<16xf32>
        %swap3A_223 = vector.shape_cast %select_n3A_219 : vector<16xf32> to vector<16xf32>
        tpu.vector_store %arg9[%swap3A_220], %swap3A_223 {strides = array<i32>} : memref<128xf32, #tpu.memory_space<vmem>>, vector<16xf32>,
        "tpu.region"() ({
          %run_scoped3A = tpu.sem_alloc : memref<!tpu.dma_semaphore, #tpu.memory_space<semaphore_mem>>
          %dma_start3A = tpu.memref_slice %arg4[%add3A] : memref<51200xf32, #tpu.memory_space<hbm>> -> memref<128xf32, #tpu.memory_space<hbm>>
          %dma_start3A_225 = tpu.memref_slice %arg4[%add3A] : memref<51200xf32, #tpu.memory_space<hbm>> -> memref<128xf32, #tpu.memory_space<hbm>>
          tpu.enqueue_dma source(%arg9 : memref<128xf32, #tpu.memory_space<vmem>>) target(%dma_start3A_225 : memref<128xf32, #tpu.memory_space<hbm>>) target_semaphore(%run_scoped3A : memref<!tpu.dma_semaphore, #tpu.memory_space<semaphore_mem>>)
          %dma_wait3A = tpu.memref_slice %arg4[%add3A] : memref<51200xf32, #tpu.memory_space<hbm>> -> memref<128xf32, #tpu.memory_space<hbm>>
          %dma_wait3A_226 = tpu.memref_slice %arg4[%add3A] : memref<51200xf32, #tpu.memory_space<hbm>> -> memref<128xf32, #tpu.memory_space<hbm>>
          tpu.wait_dma2 semaphore(%run_scoped3A : memref<!tpu.dma_semaphore, #tpu.memory_space<semaphore_mem>>) src(%arg9 : memref<128xf32, #tpu.memory_space<vmem>>) dst(%dma_wait3A_226 : memref<128xf32, #tpu.memory_space<hbm>>)
          tpu.yield
        }) : () -> ()
        %scan3A_224 = arith.constant 0 : i32
        scf.yield %scan3A_224 : i32
      }
      %scan3A_94 = arith.constant 25 : i32
    } else {
    }
    %eq3A_68 = arith.constant 1 : i32
    %eq3A_69 = arith.cmpi eq, %arg0, %eq3A_68 : i32
    %convert_element_type3A_70 = arith.extui %eq3A_69 : i1 to i32
    %cond3A_71 = arith.constant 0 : i32
    %cond3A_72 = arith.cmpi ne, %convert_element_type3A_70, %cond3A_71 : i32
    scf.if %cond3A_72 {
      %scan3A = arith.constant 0 : i32
      %scan3A_73 = arith.constant 0 : i32
      %scan3A_74 = arith.constant 25 : i32
      %scan3A_75 = arith.addi %scan3A_73, %scan3A_74 : i32
      %scan3A_76 = arith.constant 1 : i32
      %scan3A_77 = scf.for %scan3A_95 = %scan3A_73 to %scan3A_75 step %scan3A_76 iter_args(%scan3A_96 = %scan3A) -> (i32)  : i32 {
        %mul3A_97 = arith.constant 3200 : i32
        %mul3A_98 = arith.muli %arg1, %mul3A_97 : i32
        %mul3A_99 = arith.constant 128 : i32
        %mul3A_100 = arith.muli %scan3A_95, %mul3A_99 : i32
        %add3A = arith.addi %mul3A_98, %mul3A_100 : i32
        "tpu.region"() ({
          %run_scoped3A = tpu.sem_alloc : memref<!tpu.dma_semaphore, #tpu.memory_space<semaphore_mem>>
          %dma_start3A = arith.constant 128 : i32
          %dma_start3A_102 = tpu.memref_slice %arg8[%dma_start3A] : memref<256xf32, #tpu.memory_space<vmem>> -> memref<128xf32, #tpu.memory_space<vmem>>
          %dma_start3A_103 = tpu.memref_slice %arg6[%add3A] : memref<51200xf32, #tpu.memory_space<vmem_shared>> -> memref<128xf32, #tpu.memory_space<vmem_shared>>
          %dma_start3A_104 = tpu.memref_slice %arg6[%add3A] : memref<51200xf32, #tpu.memory_space<vmem_shared>> -> memref<128xf32, #tpu.memory_space<vmem_shared>>
          %dma_start3A_105 = arith.constant 128 : i32
          %dma_start3A_106 = tpu.memref_slice %arg8[%dma_start3A_105] : memref<256xf32, #tpu.memory_space<vmem>> -> memref<128xf32, #tpu.memory_space<vmem>>
          tpu.enqueue_dma source(%dma_start3A_106 : memref<128xf32, #tpu.memory_space<vmem>>) target(%dma_start3A_104 : memref<128xf32, #tpu.memory_space<vmem_shared>>) target_semaphore(%run_scoped3A : memref<!tpu.dma_semaphore, #tpu.memory_space<semaphore_mem>>)
          %dma_wait3A = arith.constant 128 : i32
          %dma_wait3A_107 = tpu.memref_slice %arg8[%dma_wait3A] : memref<256xf32, #tpu.memory_space<vmem>> -> memref<128xf32, #tpu.memory_space<vmem>>
          %dma_wait3A_108 = tpu.memref_slice %arg6[%add3A] : memref<51200xf32, #tpu.memory_space<vmem_shared>> -> memref<128xf32, #tpu.memory_space<vmem_shared>>
          %dma_wait3A_109 = tpu.memref_slice %arg6[%add3A] : memref<51200xf32, #tpu.memory_space<vmem_shared>> -> memref<128xf32, #tpu.memory_space<vmem_shared>>
          %dma_wait3A_110 = arith.constant 128 : i32
          %dma_wait3A_111 = tpu.memref_slice %arg8[%dma_wait3A_110] : memref<256xf32, #tpu.memory_space<vmem>> -> memref<128xf32, #tpu.memory_space<vmem>>
          tpu.wait_dma2 semaphore(%run_scoped3A : memref<!tpu.dma_semaphore, #tpu.memory_space<semaphore_mem>>) src(%dma_wait3A_111 : memref<128xf32, #tpu.memory_space<vmem>>) dst(%dma_wait3A_109 : memref<128xf32, #tpu.memory_space<vmem_shared>>)
          tpu.yield
        }) : () -> ()
        %scan3A_101 = arith.constant 0 : i32
        scf.yield %scan3A_101 : i32
      }
      %scan3A_78 = arith.constant 25 : i32
      %barrier3A = arith.constant 0 : index
      tpu.barrier barrier_id(%barrier3A)
      %mul3A = arith.constant 396 : i32
      %mul3A_79 = arith.muli %arg1, %mul3A : i32
      %scan3A_80 = arith.constant 0 : i32
      %scan3A_81 = arith.constant 0 : i32
      %scan3A_82 = arith.constant 18 : i32
      %scan3A_83 = arith.addi %scan3A_81, %scan3A_82 : i32
      %scan3A_84 = arith.constant 1 : i32
      %scan3A_85 = scf.for %scan3A_95 = %scan3A_81 to %scan3A_83 step %scan3A_84 iter_args(%scan3A_96 = %scan3A_80) -> (i32)  : i32 {
        %mul3A_97 = arith.constant 22 : i32
        %mul3A_98 = arith.muli %scan3A_95, %mul3A_97 : i32
        %add3A = arith.addi %mul3A_79, %mul3A_98 : i32
        "tpu.region"() ({
          %run_scoped3A = tpu.sem_alloc : memref<!tpu.dma_semaphore, #tpu.memory_space<semaphore_mem>>
          %dma_start3A_450 = arith.constant 0 : i32
          %dma_start3A_451 = tpu.memref_slice %arg3[%add3A, %dma_start3A_450] : memref<6336x128xi32, #tpu.memory_space<hbm>> -> memref<22x128xi32, #tpu.memory_space<hbm>>
          %dma_start3A_452 = arith.constant 0 : i32
          %dma_start3A_453 = tpu.memref_slice %arg3[%add3A, %dma_start3A_452] : memref<6336x128xi32, #tpu.memory_space<hbm>> -> memref<22x128xi32, #tpu.memory_space<hbm>>
          tpu.enqueue_dma source(%dma_start3A_453 : memref<22x128xi32, #tpu.memory_space<hbm>>) target(%arg7 : memref<22x128xi32, #tpu.memory_space<vmem>>) target_semaphore(%run_scoped3A : memref<!tpu.dma_semaphore, #tpu.memory_space<semaphore_mem>>)
          %dma_wait3A_454 = arith.constant 0 : i32
          %dma_wait3A_455 = tpu.memref_slice %arg3[%add3A, %dma_wait3A_454] : memref<6336x128xi32, #tpu.memory_space<hbm>> -> memref<22x128xi32, #tpu.memory_space<hbm>>
          %dma_wait3A_456 = arith.constant 0 : i32
          %dma_wait3A_457 = tpu.memref_slice %arg3[%add3A, %dma_wait3A_456] : memref<6336x128xi32, #tpu.memory_space<hbm>> -> memref<22x128xi32, #tpu.memory_space<hbm>>
          tpu.wait_dma2 semaphore(%run_scoped3A : memref<!tpu.dma_semaphore, #tpu.memory_space<semaphore_mem>>) src(%dma_wait3A_457 : memref<22x128xi32, #tpu.memory_space<hbm>>) dst(%arg7 : memref<22x128xi32, #tpu.memory_space<vmem>>)
          tpu.yield
        }) : () -> ()
        %dma_start3A = arith.constant 0 : i32
        %dma_start3A_99 = arith.constant 0 : i32
        %dma_start3A_100 = tpu.memref_slice %arg8[%dma_start3A_99] : memref<256xf32, #tpu.memory_space<vmem>> -> memref<128xf32, #tpu.memory_space<vmem>>
        %dma_start3A_101 = arith.constant 0 : i32
        %dma_start3A_102 = tpu.memref_slice %arg7[%dma_start3A, %dma_start3A_101] : memref<22x128xi32, #tpu.memory_space<vmem>> -> memref<1x128xi32, #tpu.memory_space<vmem>>
        %dma_start3A_103 = tpu.memref_squeeze %dma_start3A_102 : memref<1x128xi32, #tpu.memory_space<vmem>> -> memref<128xi32, #tpu.memory_space<vmem>>
        %dma_start3A_104 = arith.constant 0 : i32
        %dma_start3A_105 = tpu.memref_slice %arg6[%dma_start3A_104] : memref<51200xf32, #tpu.memory_space<vmem_shared>> -> memref<51200xf32, #tpu.memory_space<vmem_shared>>
        tpu.enqueue_indirect_dma source(%dma_start3A_100 : memref<128xf32, #tpu.memory_space<vmem>>) target(%dma_start3A_105 : memref<51200xf32, #tpu.memory_space<vmem_shared>>) offsets(%dma_start3A_103 : memref<128xi32, #tpu.memory_space<vmem>>) semaphore(%arg11 : memref<!tpu.dma_semaphore, #tpu.memory_space<semaphore_mem>>) {add = true}
        %dma_start3A_106 = arith.constant 1 : i32
        %dma_start3A_107 = arith.constant 0 : i32
        %dma_start3A_108 = tpu.memref_slice %arg8[%dma_start3A_107] : memref<256xf32, #tpu.memory_space<vmem>> -> memref<128xf32, #tpu.memory_space<vmem>>
        %dma_start3A_109 = arith.constant 0 : i32
        %dma_start3A_110 = tpu.memref_slice %arg7[%dma_start3A_106, %dma_start3A_109] : memref<22x128xi32, #tpu.memory_space<vmem>> -> memref<1x128xi32, #tpu.memory_space<vmem>>
        %dma_start3A_111 = tpu.memref_squeeze %dma_start3A_110 : memref<1x128xi32, #tpu.memory_space<vmem>> -> memref<128xi32, #tpu.memory_space<vmem>>
        %dma_start3A_112 = arith.constant 0 : i32
        %dma_start3A_113 = tpu.memref_slice %arg6[%dma_start3A_112] : memref<51200xf32, #tpu.memory_space<vmem_shared>> -> memref<51200xf32, #tpu.memory_space<vmem_shared>>
        tpu.enqueue_indirect_dma source(%dma_start3A_108 : memref<128xf32, #tpu.memory_space<vmem>>) target(%dma_start3A_113 : memref<51200xf32, #tpu.memory_space<vmem_shared>>) offsets(%dma_start3A_111 : memref<128xi32, #tpu.memory_space<vmem>>) semaphore(%arg11 : memref<!tpu.dma_semaphore, #tpu.memory_space<semaphore_mem>>) {add = true}
        %dma_start3A_114 = arith.constant 2 : i32
        %dma_start3A_115 = arith.constant 0 : i32
        %dma_start3A_116 = tpu.memref_slice %arg8[%dma_start3A_115] : memref<256xf32, #tpu.memory_space<vmem>> -> memref<128xf32, #tpu.memory_space<vmem>>
        %dma_start3A_117 = arith.constant 0 : i32
        %dma_start3A_118 = tpu.memref_slice %arg7[%dma_start3A_114, %dma_start3A_117] : memref<22x128xi32, #tpu.memory_space<vmem>> -> memref<1x128xi32, #tpu.memory_space<vmem>>
        %dma_start3A_119 = tpu.memref_squeeze %dma_start3A_118 : memref<1x128xi32, #tpu.memory_space<vmem>> -> memref<128xi32, #tpu.memory_space<vmem>>
        %dma_start3A_120 = arith.constant 0 : i32
        %dma_start3A_121 = tpu.memref_slice %arg6[%dma_start3A_120] : memref<51200xf32, #tpu.memory_space<vmem_shared>> -> memref<51200xf32, #tpu.memory_space<vmem_shared>>
        tpu.enqueue_indirect_dma source(%dma_start3A_116 : memref<128xf32, #tpu.memory_space<vmem>>) target(%dma_start3A_121 : memref<51200xf32, #tpu.memory_space<vmem_shared>>) offsets(%dma_start3A_119 : memref<128xi32, #tpu.memory_space<vmem>>) semaphore(%arg11 : memref<!tpu.dma_semaphore, #tpu.memory_space<semaphore_mem>>) {add = true}
        %dma_start3A_122 = arith.constant 3 : i32
        %dma_start3A_123 = arith.constant 0 : i32
        %dma_start3A_124 = tpu.memref_slice %arg8[%dma_start3A_123] : memref<256xf32, #tpu.memory_space<vmem>> -> memref<128xf32, #tpu.memory_space<vmem>>
        %dma_start3A_125 = arith.constant 0 : i32
        %dma_start3A_126 = tpu.memref_slice %arg7[%dma_start3A_122, %dma_start3A_125] : memref<22x128xi32, #tpu.memory_space<vmem>> -> memref<1x128xi32, #tpu.memory_space<vmem>>
        %dma_start3A_127 = tpu.memref_squeeze %dma_start3A_126 : memref<1x128xi32, #tpu.memory_space<vmem>> -> memref<128xi32, #tpu.memory_space<vmem>>
        %dma_start3A_128 = arith.constant 0 : i32
        %dma_start3A_129 = tpu.memref_slice %arg6[%dma_start3A_128] : memref<51200xf32, #tpu.memory_space<vmem_shared>> -> memref<51200xf32, #tpu.memory_space<vmem_shared>>
        tpu.enqueue_indirect_dma source(%dma_start3A_124 : memref<128xf32, #tpu.memory_space<vmem>>) target(%dma_start3A_129 : memref<51200xf32, #tpu.memory_space<vmem_shared>>) offsets(%dma_start3A_127 : memref<128xi32, #tpu.memory_space<vmem>>) semaphore(%arg11 : memref<!tpu.dma_semaphore, #tpu.memory_space<semaphore_mem>>) {add = true}
        %dma_start3A_130 = arith.constant 4 : i32
        %dma_start3A_131 = arith.constant 0 : i32
        %dma_start3A_132 = tpu.memref_slice %arg8[%dma_start3A_131] : memref<256xf32, #tpu.memory_space<vmem>> -> memref<128xf32, #tpu.memory_space<vmem>>
        %dma_start3A_133 = arith.constant 0 : i32
        %dma_start3A_134 = tpu.memref_slice %arg7[%dma_start3A_130, %dma_start3A_133] : memref<22x128xi32, #tpu.memory_space<vmem>> -> memref<1x128xi32, #tpu.memory_space<vmem>>
        %dma_start3A_135 = tpu.memref_squeeze %dma_start3A_134 : memref<1x128xi32, #tpu.memory_space<vmem>> -> memref<128xi32, #tpu.memory_space<vmem>>
        %dma_start3A_136 = arith.constant 0 : i32
        %dma_start3A_137 = tpu.memref_slice %arg6[%dma_start3A_136] : memref<51200xf32, #tpu.memory_space<vmem_shared>> -> memref<51200xf32, #tpu.memory_space<vmem_shared>>
        tpu.enqueue_indirect_dma source(%dma_start3A_132 : memref<128xf32, #tpu.memory_space<vmem>>) target(%dma_start3A_137 : memref<51200xf32, #tpu.memory_space<vmem_shared>>) offsets(%dma_start3A_135 : memref<128xi32, #tpu.memory_space<vmem>>) semaphore(%arg11 : memref<!tpu.dma_semaphore, #tpu.memory_space<semaphore_mem>>) {add = true}
        %dma_start3A_138 = arith.constant 5 : i32
        %dma_start3A_139 = arith.constant 0 : i32
        %dma_start3A_140 = tpu.memref_slice %arg8[%dma_start3A_139] : memref<256xf32, #tpu.memory_space<vmem>> -> memref<128xf32, #tpu.memory_space<vmem>>
        %dma_start3A_141 = arith.constant 0 : i32
        %dma_start3A_142 = tpu.memref_slice %arg7[%dma_start3A_138, %dma_start3A_141] : memref<22x128xi32, #tpu.memory_space<vmem>> -> memref<1x128xi32, #tpu.memory_space<vmem>>
        %dma_start3A_143 = tpu.memref_squeeze %dma_start3A_142 : memref<1x128xi32, #tpu.memory_space<vmem>> -> memref<128xi32, #tpu.memory_space<vmem>>
        %dma_start3A_144 = arith.constant 0 : i32
        %dma_start3A_145 = tpu.memref_slice %arg6[%dma_start3A_144] : memref<51200xf32, #tpu.memory_space<vmem_shared>> -> memref<51200xf32, #tpu.memory_space<vmem_shared>>
        tpu.enqueue_indirect_dma source(%dma_start3A_140 : memref<128xf32, #tpu.memory_space<vmem>>) target(%dma_start3A_145 : memref<51200xf32, #tpu.memory_space<vmem_shared>>) offsets(%dma_start3A_143 : memref<128xi32, #tpu.memory_space<vmem>>) semaphore(%arg11 : memref<!tpu.dma_semaphore, #tpu.memory_space<semaphore_mem>>) {add = true}
        %dma_start3A_146 = arith.constant 6 : i32
        %dma_start3A_147 = arith.constant 0 : i32
        %dma_start3A_148 = tpu.memref_slice %arg8[%dma_start3A_147] : memref<256xf32, #tpu.memory_space<vmem>> -> memref<128xf32, #tpu.memory_space<vmem>>
        %dma_start3A_149 = arith.constant 0 : i32
        %dma_start3A_150 = tpu.memref_slice %arg7[%dma_start3A_146, %dma_start3A_149] : memref<22x128xi32, #tpu.memory_space<vmem>> -> memref<1x128xi32, #tpu.memory_space<vmem>>
        %dma_start3A_151 = tpu.memref_squeeze %dma_start3A_150 : memref<1x128xi32, #tpu.memory_space<vmem>> -> memref<128xi32, #tpu.memory_space<vmem>>
        %dma_start3A_152 = arith.constant 0 : i32
        %dma_start3A_153 = tpu.memref_slice %arg6[%dma_start3A_152] : memref<51200xf32, #tpu.memory_space<vmem_shared>> -> memref<51200xf32, #tpu.memory_space<vmem_shared>>
        tpu.enqueue_indirect_dma source(%dma_start3A_148 : memref<128xf32, #tpu.memory_space<vmem>>) target(%dma_start3A_153 : memref<51200xf32, #tpu.memory_space<vmem_shared>>) offsets(%dma_start3A_151 : memref<128xi32, #tpu.memory_space<vmem>>) semaphore(%arg11 : memref<!tpu.dma_semaphore, #tpu.memory_space<semaphore_mem>>) {add = true}
        %dma_start3A_154 = arith.constant 7 : i32
        %dma_start3A_155 = arith.constant 0 : i32
        %dma_start3A_156 = tpu.memref_slice %arg8[%dma_start3A_155] : memref<256xf32, #tpu.memory_space<vmem>> -> memref<128xf32, #tpu.memory_space<vmem>>
        %dma_start3A_157 = arith.constant 0 : i32
        %dma_start3A_158 = tpu.memref_slice %arg7[%dma_start3A_154, %dma_start3A_157] : memref<22x128xi32, #tpu.memory_space<vmem>> -> memref<1x128xi32, #tpu.memory_space<vmem>>
        %dma_start3A_159 = tpu.memref_squeeze %dma_start3A_158 : memref<1x128xi32, #tpu.memory_space<vmem>> -> memref<128xi32, #tpu.memory_space<vmem>>
        %dma_start3A_160 = arith.constant 0 : i32
        %dma_start3A_161 = tpu.memref_slice %arg6[%dma_start3A_160] : memref<51200xf32, #tpu.memory_space<vmem_shared>> -> memref<51200xf32, #tpu.memory_space<vmem_shared>>
        tpu.enqueue_indirect_dma source(%dma_start3A_156 : memref<128xf32, #tpu.memory_space<vmem>>) target(%dma_start3A_161 : memref<51200xf32, #tpu.memory_space<vmem_shared>>) offsets(%dma_start3A_159 : memref<128xi32, #tpu.memory_space<vmem>>) semaphore(%arg11 : memref<!tpu.dma_semaphore, #tpu.memory_space<semaphore_mem>>) {add = true}
        %dma_start3A_162 = arith.constant 8 : i32
        %dma_start3A_163 = arith.constant 0 : i32
        %dma_start3A_164 = tpu.memref_slice %arg8[%dma_start3A_163] : memref<256xf32, #tpu.memory_space<vmem>> -> memref<128xf32, #tpu.memory_space<vmem>>
        %dma_start3A_165 = arith.constant 0 : i32
        %dma_start3A_166 = tpu.memref_slice %arg7[%dma_start3A_162, %dma_start3A_165] : memref<22x128xi32, #tpu.memory_space<vmem>> -> memref<1x128xi32, #tpu.memory_space<vmem>>
        %dma_start3A_167 = tpu.memref_squeeze %dma_start3A_166 : memref<1x128xi32, #tpu.memory_space<vmem>> -> memref<128xi32, #tpu.memory_space<vmem>>
        %dma_start3A_168 = arith.constant 0 : i32
        %dma_start3A_169 = tpu.memref_slice %arg6[%dma_start3A_168] : memref<51200xf32, #tpu.memory_space<vmem_shared>> -> memref<51200xf32, #tpu.memory_space<vmem_shared>>
        tpu.enqueue_indirect_dma source(%dma_start3A_164 : memref<128xf32, #tpu.memory_space<vmem>>) target(%dma_start3A_169 : memref<51200xf32, #tpu.memory_space<vmem_shared>>) offsets(%dma_start3A_167 : memref<128xi32, #tpu.memory_space<vmem>>) semaphore(%arg11 : memref<!tpu.dma_semaphore, #tpu.memory_space<semaphore_mem>>) {add = true}
        %dma_start3A_170 = arith.constant 9 : i32
        %dma_start3A_171 = arith.constant 0 : i32
        %dma_start3A_172 = tpu.memref_slice %arg8[%dma_start3A_171] : memref<256xf32, #tpu.memory_space<vmem>> -> memref<128xf32, #tpu.memory_space<vmem>>
        %dma_start3A_173 = arith.constant 0 : i32
        %dma_start3A_174 = tpu.memref_slice %arg7[%dma_start3A_170, %dma_start3A_173] : memref<22x128xi32, #tpu.memory_space<vmem>> -> memref<1x128xi32, #tpu.memory_space<vmem>>
        %dma_start3A_175 = tpu.memref_squeeze %dma_start3A_174 : memref<1x128xi32, #tpu.memory_space<vmem>> -> memref<128xi32, #tpu.memory_space<vmem>>
        %dma_start3A_176 = arith.constant 0 : i32
        %dma_start3A_177 = tpu.memref_slice %arg6[%dma_start3A_176] : memref<51200xf32, #tpu.memory_space<vmem_shared>> -> memref<51200xf32, #tpu.memory_space<vmem_shared>>
        tpu.enqueue_indirect_dma source(%dma_start3A_172 : memref<128xf32, #tpu.memory_space<vmem>>) target(%dma_start3A_177 : memref<51200xf32, #tpu.memory_space<vmem_shared>>) offsets(%dma_start3A_175 : memref<128xi32, #tpu.memory_space<vmem>>) semaphore(%arg11 : memref<!tpu.dma_semaphore, #tpu.memory_space<semaphore_mem>>) {add = true}
        %dma_start3A_178 = arith.constant 10 : i32
        %dma_start3A_179 = arith.constant 0 : i32
        %dma_start3A_180 = tpu.memref_slice %arg8[%dma_start3A_179] : memref<256xf32, #tpu.memory_space<vmem>> -> memref<128xf32, #tpu.memory_space<vmem>>
        %dma_start3A_181 = arith.constant 0 : i32
        %dma_start3A_182 = tpu.memref_slice %arg7[%dma_start3A_178, %dma_start3A_181] : memref<22x128xi32, #tpu.memory_space<vmem>> -> memref<1x128xi32, #tpu.memory_space<vmem>>
        %dma_start3A_183 = tpu.memref_squeeze %dma_start3A_182 : memref<1x128xi32, #tpu.memory_space<vmem>> -> memref<128xi32, #tpu.memory_space<vmem>>
        %dma_start3A_184 = arith.constant 0 : i32
        %dma_start3A_185 = tpu.memref_slice %arg6[%dma_start3A_184] : memref<51200xf32, #tpu.memory_space<vmem_shared>> -> memref<51200xf32, #tpu.memory_space<vmem_shared>>
        tpu.enqueue_indirect_dma source(%dma_start3A_180 : memref<128xf32, #tpu.memory_space<vmem>>) target(%dma_start3A_185 : memref<51200xf32, #tpu.memory_space<vmem_shared>>) offsets(%dma_start3A_183 : memref<128xi32, #tpu.memory_space<vmem>>) semaphore(%arg11 : memref<!tpu.dma_semaphore, #tpu.memory_space<semaphore_mem>>) {add = true}
        %dma_start3A_186 = arith.constant 11 : i32
        %dma_start3A_187 = arith.constant 0 : i32
        %dma_start3A_188 = tpu.memref_slice %arg8[%dma_start3A_187] : memref<256xf32, #tpu.memory_space<vmem>> -> memref<128xf32, #tpu.memory_space<vmem>>
        %dma_start3A_189 = arith.constant 0 : i32
        %dma_start3A_190 = tpu.memref_slice %arg7[%dma_start3A_186, %dma_start3A_189] : memref<22x128xi32, #tpu.memory_space<vmem>> -> memref<1x128xi32, #tpu.memory_space<vmem>>
        %dma_start3A_191 = tpu.memref_squeeze %dma_start3A_190 : memref<1x128xi32, #tpu.memory_space<vmem>> -> memref<128xi32, #tpu.memory_space<vmem>>
        %dma_start3A_192 = arith.constant 0 : i32
        %dma_start3A_193 = tpu.memref_slice %arg6[%dma_start3A_192] : memref<51200xf32, #tpu.memory_space<vmem_shared>> -> memref<51200xf32, #tpu.memory_space<vmem_shared>>
        tpu.enqueue_indirect_dma source(%dma_start3A_188 : memref<128xf32, #tpu.memory_space<vmem>>) target(%dma_start3A_193 : memref<51200xf32, #tpu.memory_space<vmem_shared>>) offsets(%dma_start3A_191 : memref<128xi32, #tpu.memory_space<vmem>>) semaphore(%arg11 : memref<!tpu.dma_semaphore, #tpu.memory_space<semaphore_mem>>) {add = true}
        %dma_start3A_194 = arith.constant 12 : i32
        %dma_start3A_195 = arith.constant 0 : i32
        %dma_start3A_196 = tpu.memref_slice %arg8[%dma_start3A_195] : memref<256xf32, #tpu.memory_space<vmem>> -> memref<128xf32, #tpu.memory_space<vmem>>
        %dma_start3A_197 = arith.constant 0 : i32
        %dma_start3A_198 = tpu.memref_slice %arg7[%dma_start3A_194, %dma_start3A_197] : memref<22x128xi32, #tpu.memory_space<vmem>> -> memref<1x128xi32, #tpu.memory_space<vmem>>
        %dma_start3A_199 = tpu.memref_squeeze %dma_start3A_198 : memref<1x128xi32, #tpu.memory_space<vmem>> -> memref<128xi32, #tpu.memory_space<vmem>>
        %dma_start3A_200 = arith.constant 0 : i32
        %dma_start3A_201 = tpu.memref_slice %arg6[%dma_start3A_200] : memref<51200xf32, #tpu.memory_space<vmem_shared>> -> memref<51200xf32, #tpu.memory_space<vmem_shared>>
        tpu.enqueue_indirect_dma source(%dma_start3A_196 : memref<128xf32, #tpu.memory_space<vmem>>) target(%dma_start3A_201 : memref<51200xf32, #tpu.memory_space<vmem_shared>>) offsets(%dma_start3A_199 : memref<128xi32, #tpu.memory_space<vmem>>) semaphore(%arg11 : memref<!tpu.dma_semaphore, #tpu.memory_space<semaphore_mem>>) {add = true}
        %dma_start3A_202 = arith.constant 13 : i32
        %dma_start3A_203 = arith.constant 0 : i32
        %dma_start3A_204 = tpu.memref_slice %arg8[%dma_start3A_203] : memref<256xf32, #tpu.memory_space<vmem>> -> memref<128xf32, #tpu.memory_space<vmem>>
        %dma_start3A_205 = arith.constant 0 : i32
        %dma_start3A_206 = tpu.memref_slice %arg7[%dma_start3A_202, %dma_start3A_205] : memref<22x128xi32, #tpu.memory_space<vmem>> -> memref<1x128xi32, #tpu.memory_space<vmem>>
        %dma_start3A_207 = tpu.memref_squeeze %dma_start3A_206 : memref<1x128xi32, #tpu.memory_space<vmem>> -> memref<128xi32, #tpu.memory_space<vmem>>
        %dma_start3A_208 = arith.constant 0 : i32
        %dma_start3A_209 = tpu.memref_slice %arg6[%dma_start3A_208] : memref<51200xf32, #tpu.memory_space<vmem_shared>> -> memref<51200xf32, #tpu.memory_space<vmem_shared>>
        tpu.enqueue_indirect_dma source(%dma_start3A_204 : memref<128xf32, #tpu.memory_space<vmem>>) target(%dma_start3A_209 : memref<51200xf32, #tpu.memory_space<vmem_shared>>) offsets(%dma_start3A_207 : memref<128xi32, #tpu.memory_space<vmem>>) semaphore(%arg11 : memref<!tpu.dma_semaphore, #tpu.memory_space<semaphore_mem>>) {add = true}
        %dma_start3A_210 = arith.constant 14 : i32
        %dma_start3A_211 = arith.constant 0 : i32
        %dma_start3A_212 = tpu.memref_slice %arg8[%dma_start3A_211] : memref<256xf32, #tpu.memory_space<vmem>> -> memref<128xf32, #tpu.memory_space<vmem>>
        %dma_start3A_213 = arith.constant 0 : i32
        %dma_start3A_214 = tpu.memref_slice %arg7[%dma_start3A_210, %dma_start3A_213] : memref<22x128xi32, #tpu.memory_space<vmem>> -> memref<1x128xi32, #tpu.memory_space<vmem>>
        %dma_start3A_215 = tpu.memref_squeeze %dma_start3A_214 : memref<1x128xi32, #tpu.memory_space<vmem>> -> memref<128xi32, #tpu.memory_space<vmem>>
        %dma_start3A_216 = arith.constant 0 : i32
        %dma_start3A_217 = tpu.memref_slice %arg6[%dma_start3A_216] : memref<51200xf32, #tpu.memory_space<vmem_shared>> -> memref<51200xf32, #tpu.memory_space<vmem_shared>>
        tpu.enqueue_indirect_dma source(%dma_start3A_212 : memref<128xf32, #tpu.memory_space<vmem>>) target(%dma_start3A_217 : memref<51200xf32, #tpu.memory_space<vmem_shared>>) offsets(%dma_start3A_215 : memref<128xi32, #tpu.memory_space<vmem>>) semaphore(%arg11 : memref<!tpu.dma_semaphore, #tpu.memory_space<semaphore_mem>>) {add = true}
        %dma_start3A_218 = arith.constant 15 : i32
        %dma_start3A_219 = arith.constant 0 : i32
        %dma_start3A_220 = tpu.memref_slice %arg8[%dma_start3A_219] : memref<256xf32, #tpu.memory_space<vmem>> -> memref<128xf32, #tpu.memory_space<vmem>>
        %dma_start3A_221 = arith.constant 0 : i32
        %dma_start3A_222 = tpu.memref_slice %arg7[%dma_start3A_218, %dma_start3A_221] : memref<22x128xi32, #tpu.memory_space<vmem>> -> memref<1x128xi32, #tpu.memory_space<vmem>>
        %dma_start3A_223 = tpu.memref_squeeze %dma_start3A_222 : memref<1x128xi32, #tpu.memory_space<vmem>> -> memref<128xi32, #tpu.memory_space<vmem>>
        %dma_start3A_224 = arith.constant 0 : i32
        %dma_start3A_225 = tpu.memref_slice %arg6[%dma_start3A_224] : memref<51200xf32, #tpu.memory_space<vmem_shared>> -> memref<51200xf32, #tpu.memory_space<vmem_shared>>
        tpu.enqueue_indirect_dma source(%dma_start3A_220 : memref<128xf32, #tpu.memory_space<vmem>>) target(%dma_start3A_225 : memref<51200xf32, #tpu.memory_space<vmem_shared>>) offsets(%dma_start3A_223 : memref<128xi32, #tpu.memory_space<vmem>>) semaphore(%arg11 : memref<!tpu.dma_semaphore, #tpu.memory_space<semaphore_mem>>) {add = true}
        %dma_start3A_226 = arith.constant 16 : i32
        %dma_start3A_227 = arith.constant 0 : i32
        %dma_start3A_228 = tpu.memref_slice %arg8[%dma_start3A_227] : memref<256xf32, #tpu.memory_space<vmem>> -> memref<128xf32, #tpu.memory_space<vmem>>
        %dma_start3A_229 = arith.constant 0 : i32
        %dma_start3A_230 = tpu.memref_slice %arg7[%dma_start3A_226, %dma_start3A_229] : memref<22x128xi32, #tpu.memory_space<vmem>> -> memref<1x128xi32, #tpu.memory_space<vmem>>
        %dma_start3A_231 = tpu.memref_squeeze %dma_start3A_230 : memref<1x128xi32, #tpu.memory_space<vmem>> -> memref<128xi32, #tpu.memory_space<vmem>>
        %dma_start3A_232 = arith.constant 0 : i32
        %dma_start3A_233 = tpu.memref_slice %arg6[%dma_start3A_232] : memref<51200xf32, #tpu.memory_space<vmem_shared>> -> memref<51200xf32, #tpu.memory_space<vmem_shared>>
        tpu.enqueue_indirect_dma source(%dma_start3A_228 : memref<128xf32, #tpu.memory_space<vmem>>) target(%dma_start3A_233 : memref<51200xf32, #tpu.memory_space<vmem_shared>>) offsets(%dma_start3A_231 : memref<128xi32, #tpu.memory_space<vmem>>) semaphore(%arg11 : memref<!tpu.dma_semaphore, #tpu.memory_space<semaphore_mem>>) {add = true}
        %dma_start3A_234 = arith.constant 17 : i32
        %dma_start3A_235 = arith.constant 0 : i32
        %dma_start3A_236 = tpu.memref_slice %arg8[%dma_start3A_235] : memref<256xf32, #tpu.memory_space<vmem>> -> memref<128xf32, #tpu.memory_space<vmem>>
        %dma_start3A_237 = arith.constant 0 : i32
        %dma_start3A_238 = tpu.memref_slice %arg7[%dma_start3A_234, %dma_start3A_237] : memref<22x128xi32, #tpu.memory_space<vmem>> -> memref<1x128xi32, #tpu.memory_space<vmem>>
        %dma_start3A_239 = tpu.memref_squeeze %dma_start3A_238 : memref<1x128xi32, #tpu.memory_space<vmem>> -> memref<128xi32, #tpu.memory_space<vmem>>
        %dma_start3A_240 = arith.constant 0 : i32
        %dma_start3A_241 = tpu.memref_slice %arg6[%dma_start3A_240] : memref<51200xf32, #tpu.memory_space<vmem_shared>> -> memref<51200xf32, #tpu.memory_space<vmem_shared>>
        tpu.enqueue_indirect_dma source(%dma_start3A_236 : memref<128xf32, #tpu.memory_space<vmem>>) target(%dma_start3A_241 : memref<51200xf32, #tpu.memory_space<vmem_shared>>) offsets(%dma_start3A_239 : memref<128xi32, #tpu.memory_space<vmem>>) semaphore(%arg11 : memref<!tpu.dma_semaphore, #tpu.memory_space<semaphore_mem>>) {add = true}
        %dma_start3A_242 = arith.constant 18 : i32
        %dma_start3A_243 = arith.constant 0 : i32
        %dma_start3A_244 = tpu.memref_slice %arg8[%dma_start3A_243] : memref<256xf32, #tpu.memory_space<vmem>> -> memref<128xf32, #tpu.memory_space<vmem>>
        %dma_start3A_245 = arith.constant 0 : i32
        %dma_start3A_246 = tpu.memref_slice %arg7[%dma_start3A_242, %dma_start3A_245] : memref<22x128xi32, #tpu.memory_space<vmem>> -> memref<1x128xi32, #tpu.memory_space<vmem>>
        %dma_start3A_247 = tpu.memref_squeeze %dma_start3A_246 : memref<1x128xi32, #tpu.memory_space<vmem>> -> memref<128xi32, #tpu.memory_space<vmem>>
        %dma_start3A_248 = arith.constant 0 : i32
        %dma_start3A_249 = tpu.memref_slice %arg6[%dma_start3A_248] : memref<51200xf32, #tpu.memory_space<vmem_shared>> -> memref<51200xf32, #tpu.memory_space<vmem_shared>>
        tpu.enqueue_indirect_dma source(%dma_start3A_244 : memref<128xf32, #tpu.memory_space<vmem>>) target(%dma_start3A_249 : memref<51200xf32, #tpu.memory_space<vmem_shared>>) offsets(%dma_start3A_247 : memref<128xi32, #tpu.memory_space<vmem>>) semaphore(%arg11 : memref<!tpu.dma_semaphore, #tpu.memory_space<semaphore_mem>>) {add = true}
        %dma_start3A_250 = arith.constant 19 : i32
        %dma_start3A_251 = arith.constant 0 : i32
        %dma_start3A_252 = tpu.memref_slice %arg8[%dma_start3A_251] : memref<256xf32, #tpu.memory_space<vmem>> -> memref<128xf32, #tpu.memory_space<vmem>>
        %dma_start3A_253 = arith.constant 0 : i32
        %dma_start3A_254 = tpu.memref_slice %arg7[%dma_start3A_250, %dma_start3A_253] : memref<22x128xi32, #tpu.memory_space<vmem>> -> memref<1x128xi32, #tpu.memory_space<vmem>>
        %dma_start3A_255 = tpu.memref_squeeze %dma_start3A_254 : memref<1x128xi32, #tpu.memory_space<vmem>> -> memref<128xi32, #tpu.memory_space<vmem>>
        %dma_start3A_256 = arith.constant 0 : i32
        %dma_start3A_257 = tpu.memref_slice %arg6[%dma_start3A_256] : memref<51200xf32, #tpu.memory_space<vmem_shared>> -> memref<51200xf32, #tpu.memory_space<vmem_shared>>
        tpu.enqueue_indirect_dma source(%dma_start3A_252 : memref<128xf32, #tpu.memory_space<vmem>>) target(%dma_start3A_257 : memref<51200xf32, #tpu.memory_space<vmem_shared>>) offsets(%dma_start3A_255 : memref<128xi32, #tpu.memory_space<vmem>>) semaphore(%arg11 : memref<!tpu.dma_semaphore, #tpu.memory_space<semaphore_mem>>) {add = true}
        %dma_start3A_258 = arith.constant 20 : i32
        %dma_start3A_259 = arith.constant 0 : i32
        %dma_start3A_260 = tpu.memref_slice %arg8[%dma_start3A_259] : memref<256xf32, #tpu.memory_space<vmem>> -> memref<128xf32, #tpu.memory_space<vmem>>
        %dma_start3A_261 = arith.constant 0 : i32
        %dma_start3A_262 = tpu.memref_slice %arg7[%dma_start3A_258, %dma_start3A_261] : memref<22x128xi32, #tpu.memory_space<vmem>> -> memref<1x128xi32, #tpu.memory_space<vmem>>
        %dma_start3A_263 = tpu.memref_squeeze %dma_start3A_262 : memref<1x128xi32, #tpu.memory_space<vmem>> -> memref<128xi32, #tpu.memory_space<vmem>>
        %dma_start3A_264 = arith.constant 0 : i32
        %dma_start3A_265 = tpu.memref_slice %arg6[%dma_start3A_264] : memref<51200xf32, #tpu.memory_space<vmem_shared>> -> memref<51200xf32, #tpu.memory_space<vmem_shared>>
        tpu.enqueue_indirect_dma source(%dma_start3A_260 : memref<128xf32, #tpu.memory_space<vmem>>) target(%dma_start3A_265 : memref<51200xf32, #tpu.memory_space<vmem_shared>>) offsets(%dma_start3A_263 : memref<128xi32, #tpu.memory_space<vmem>>) semaphore(%arg11 : memref<!tpu.dma_semaphore, #tpu.memory_space<semaphore_mem>>) {add = true}
        %dma_start3A_266 = arith.constant 21 : i32
        %dma_start3A_267 = arith.constant 0 : i32
        %dma_start3A_268 = tpu.memref_slice %arg8[%dma_start3A_267] : memref<256xf32, #tpu.memory_space<vmem>> -> memref<128xf32, #tpu.memory_space<vmem>>
        %dma_start3A_269 = arith.constant 0 : i32
        %dma_start3A_270 = tpu.memref_slice %arg7[%dma_start3A_266, %dma_start3A_269] : memref<22x128xi32, #tpu.memory_space<vmem>> -> memref<1x128xi32, #tpu.memory_space<vmem>>
        %dma_start3A_271 = tpu.memref_squeeze %dma_start3A_270 : memref<1x128xi32, #tpu.memory_space<vmem>> -> memref<128xi32, #tpu.memory_space<vmem>>
        %dma_start3A_272 = arith.constant 0 : i32
        %dma_start3A_273 = tpu.memref_slice %arg6[%dma_start3A_272] : memref<51200xf32, #tpu.memory_space<vmem_shared>> -> memref<51200xf32, #tpu.memory_space<vmem_shared>>
        tpu.enqueue_indirect_dma source(%dma_start3A_268 : memref<128xf32, #tpu.memory_space<vmem>>) target(%dma_start3A_273 : memref<51200xf32, #tpu.memory_space<vmem_shared>>) offsets(%dma_start3A_271 : memref<128xi32, #tpu.memory_space<vmem>>) semaphore(%arg11 : memref<!tpu.dma_semaphore, #tpu.memory_space<semaphore_mem>>) {add = true}
        %dma_wait3A = arith.constant 0 : i32
        %dma_wait3A_274 = arith.constant 0 : i32
        %dma_wait3A_275 = tpu.memref_slice %arg8[%dma_wait3A_274] : memref<256xf32, #tpu.memory_space<vmem>> -> memref<128xf32, #tpu.memory_space<vmem>>
        %dma_wait3A_276 = arith.constant 0 : i32
        %dma_wait3A_277 = tpu.memref_slice %arg7[%dma_wait3A, %dma_wait3A_276] : memref<22x128xi32, #tpu.memory_space<vmem>> -> memref<1x128xi32, #tpu.memory_space<vmem>>
        %dma_wait3A_278 = tpu.memref_squeeze %dma_wait3A_277 : memref<1x128xi32, #tpu.memory_space<vmem>> -> memref<128xi32, #tpu.memory_space<vmem>>
        %dma_wait3A_279 = arith.constant 0 : i32
        %dma_wait3A_280 = tpu.memref_slice %arg6[%dma_wait3A_279] : memref<51200xf32, #tpu.memory_space<vmem_shared>> -> memref<51200xf32, #tpu.memory_space<vmem_shared>>
        tpu.wait_indirect_dma semaphore(%arg11 : memref<!tpu.dma_semaphore, #tpu.memory_space<semaphore_mem>>) src(%dma_wait3A_275 : memref<128xf32, #tpu.memory_space<vmem>>) dst(%dma_wait3A_280 : memref<51200xf32, #tpu.memory_space<vmem_shared>>)
        %dma_wait3A_281 = arith.constant 1 : i32
        %dma_wait3A_282 = arith.constant 0 : i32
        %dma_wait3A_283 = tpu.memref_slice %arg8[%dma_wait3A_282] : memref<256xf32, #tpu.memory_space<vmem>> -> memref<128xf32, #tpu.memory_space<vmem>>
        %dma_wait3A_284 = arith.constant 0 : i32
        %dma_wait3A_285 = tpu.memref_slice %arg7[%dma_wait3A_281, %dma_wait3A_284] : memref<22x128xi32, #tpu.memory_space<vmem>> -> memref<1x128xi32, #tpu.memory_space<vmem>>
        %dma_wait3A_286 = tpu.memref_squeeze %dma_wait3A_285 : memref<1x128xi32, #tpu.memory_space<vmem>> -> memref<128xi32, #tpu.memory_space<vmem>>
        %dma_wait3A_287 = arith.constant 0 : i32
        %dma_wait3A_288 = tpu.memref_slice %arg6[%dma_wait3A_287] : memref<51200xf32, #tpu.memory_space<vmem_shared>> -> memref<51200xf32, #tpu.memory_space<vmem_shared>>
        tpu.wait_indirect_dma semaphore(%arg11 : memref<!tpu.dma_semaphore, #tpu.memory_space<semaphore_mem>>) src(%dma_wait3A_283 : memref<128xf32, #tpu.memory_space<vmem>>) dst(%dma_wait3A_288 : memref<51200xf32, #tpu.memory_space<vmem_shared>>)
        %dma_wait3A_289 = arith.constant 2 : i32
        %dma_wait3A_290 = arith.constant 0 : i32
        %dma_wait3A_291 = tpu.memref_slice %arg8[%dma_wait3A_290] : memref<256xf32, #tpu.memory_space<vmem>> -> memref<128xf32, #tpu.memory_space<vmem>>
        %dma_wait3A_292 = arith.constant 0 : i32
        %dma_wait3A_293 = tpu.memref_slice %arg7[%dma_wait3A_289, %dma_wait3A_292] : memref<22x128xi32, #tpu.memory_space<vmem>> -> memref<1x128xi32, #tpu.memory_space<vmem>>
        %dma_wait3A_294 = tpu.memref_squeeze %dma_wait3A_293 : memref<1x128xi32, #tpu.memory_space<vmem>> -> memref<128xi32, #tpu.memory_space<vmem>>
        %dma_wait3A_295 = arith.constant 0 : i32
        %dma_wait3A_296 = tpu.memref_slice %arg6[%dma_wait3A_295] : memref<51200xf32, #tpu.memory_space<vmem_shared>> -> memref<51200xf32, #tpu.memory_space<vmem_shared>>
        tpu.wait_indirect_dma semaphore(%arg11 : memref<!tpu.dma_semaphore, #tpu.memory_space<semaphore_mem>>) src(%dma_wait3A_291 : memref<128xf32, #tpu.memory_space<vmem>>) dst(%dma_wait3A_296 : memref<51200xf32, #tpu.memory_space<vmem_shared>>)
        %dma_wait3A_297 = arith.constant 3 : i32
        %dma_wait3A_298 = arith.constant 0 : i32
        %dma_wait3A_299 = tpu.memref_slice %arg8[%dma_wait3A_298] : memref<256xf32, #tpu.memory_space<vmem>> -> memref<128xf32, #tpu.memory_space<vmem>>
        %dma_wait3A_300 = arith.constant 0 : i32
        %dma_wait3A_301 = tpu.memref_slice %arg7[%dma_wait3A_297, %dma_wait3A_300] : memref<22x128xi32, #tpu.memory_space<vmem>> -> memref<1x128xi32, #tpu.memory_space<vmem>>
        %dma_wait3A_302 = tpu.memref_squeeze %dma_wait3A_301 : memref<1x128xi32, #tpu.memory_space<vmem>> -> memref<128xi32, #tpu.memory_space<vmem>>
        %dma_wait3A_303 = arith.constant 0 : i32
        %dma_wait3A_304 = tpu.memref_slice %arg6[%dma_wait3A_303] : memref<51200xf32, #tpu.memory_space<vmem_shared>> -> memref<51200xf32, #tpu.memory_space<vmem_shared>>
        tpu.wait_indirect_dma semaphore(%arg11 : memref<!tpu.dma_semaphore, #tpu.memory_space<semaphore_mem>>) src(%dma_wait3A_299 : memref<128xf32, #tpu.memory_space<vmem>>) dst(%dma_wait3A_304 : memref<51200xf32, #tpu.memory_space<vmem_shared>>)
        %dma_wait3A_305 = arith.constant 4 : i32
        %dma_wait3A_306 = arith.constant 0 : i32
        %dma_wait3A_307 = tpu.memref_slice %arg8[%dma_wait3A_306] : memref<256xf32, #tpu.memory_space<vmem>> -> memref<128xf32, #tpu.memory_space<vmem>>
        %dma_wait3A_308 = arith.constant 0 : i32
        %dma_wait3A_309 = tpu.memref_slice %arg7[%dma_wait3A_305, %dma_wait3A_308] : memref<22x128xi32, #tpu.memory_space<vmem>> -> memref<1x128xi32, #tpu.memory_space<vmem>>
        %dma_wait3A_310 = tpu.memref_squeeze %dma_wait3A_309 : memref<1x128xi32, #tpu.memory_space<vmem>> -> memref<128xi32, #tpu.memory_space<vmem>>
        %dma_wait3A_311 = arith.constant 0 : i32
        %dma_wait3A_312 = tpu.memref_slice %arg6[%dma_wait3A_311] : memref<51200xf32, #tpu.memory_space<vmem_shared>> -> memref<51200xf32, #tpu.memory_space<vmem_shared>>
        tpu.wait_indirect_dma semaphore(%arg11 : memref<!tpu.dma_semaphore, #tpu.memory_space<semaphore_mem>>) src(%dma_wait3A_307 : memref<128xf32, #tpu.memory_space<vmem>>) dst(%dma_wait3A_312 : memref<51200xf32, #tpu.memory_space<vmem_shared>>)
        %dma_wait3A_313 = arith.constant 5 : i32
        %dma_wait3A_314 = arith.constant 0 : i32
        %dma_wait3A_315 = tpu.memref_slice %arg8[%dma_wait3A_314] : memref<256xf32, #tpu.memory_space<vmem>> -> memref<128xf32, #tpu.memory_space<vmem>>
        %dma_wait3A_316 = arith.constant 0 : i32
        %dma_wait3A_317 = tpu.memref_slice %arg7[%dma_wait3A_313, %dma_wait3A_316] : memref<22x128xi32, #tpu.memory_space<vmem>> -> memref<1x128xi32, #tpu.memory_space<vmem>>
        %dma_wait3A_318 = tpu.memref_squeeze %dma_wait3A_317 : memref<1x128xi32, #tpu.memory_space<vmem>> -> memref<128xi32, #tpu.memory_space<vmem>>
        %dma_wait3A_319 = arith.constant 0 : i32
        %dma_wait3A_320 = tpu.memref_slice %arg6[%dma_wait3A_319] : memref<51200xf32, #tpu.memory_space<vmem_shared>> -> memref<51200xf32, #tpu.memory_space<vmem_shared>>
        tpu.wait_indirect_dma semaphore(%arg11 : memref<!tpu.dma_semaphore, #tpu.memory_space<semaphore_mem>>) src(%dma_wait3A_315 : memref<128xf32, #tpu.memory_space<vmem>>) dst(%dma_wait3A_320 : memref<51200xf32, #tpu.memory_space<vmem_shared>>)
        %dma_wait3A_321 = arith.constant 6 : i32
        %dma_wait3A_322 = arith.constant 0 : i32
        %dma_wait3A_323 = tpu.memref_slice %arg8[%dma_wait3A_322] : memref<256xf32, #tpu.memory_space<vmem>> -> memref<128xf32, #tpu.memory_space<vmem>>
        %dma_wait3A_324 = arith.constant 0 : i32
        %dma_wait3A_325 = tpu.memref_slice %arg7[%dma_wait3A_321, %dma_wait3A_324] : memref<22x128xi32, #tpu.memory_space<vmem>> -> memref<1x128xi32, #tpu.memory_space<vmem>>
        %dma_wait3A_326 = tpu.memref_squeeze %dma_wait3A_325 : memref<1x128xi32, #tpu.memory_space<vmem>> -> memref<128xi32, #tpu.memory_space<vmem>>
        %dma_wait3A_327 = arith.constant 0 : i32
        %dma_wait3A_328 = tpu.memref_slice %arg6[%dma_wait3A_327] : memref<51200xf32, #tpu.memory_space<vmem_shared>> -> memref<51200xf32, #tpu.memory_space<vmem_shared>>
        tpu.wait_indirect_dma semaphore(%arg11 : memref<!tpu.dma_semaphore, #tpu.memory_space<semaphore_mem>>) src(%dma_wait3A_323 : memref<128xf32, #tpu.memory_space<vmem>>) dst(%dma_wait3A_328 : memref<51200xf32, #tpu.memory_space<vmem_shared>>)
        %dma_wait3A_329 = arith.constant 7 : i32
        %dma_wait3A_330 = arith.constant 0 : i32
        %dma_wait3A_331 = tpu.memref_slice %arg8[%dma_wait3A_330] : memref<256xf32, #tpu.memory_space<vmem>> -> memref<128xf32, #tpu.memory_space<vmem>>
        %dma_wait3A_332 = arith.constant 0 : i32
        %dma_wait3A_333 = tpu.memref_slice %arg7[%dma_wait3A_329, %dma_wait3A_332] : memref<22x128xi32, #tpu.memory_space<vmem>> -> memref<1x128xi32, #tpu.memory_space<vmem>>
        %dma_wait3A_334 = tpu.memref_squeeze %dma_wait3A_333 : memref<1x128xi32, #tpu.memory_space<vmem>> -> memref<128xi32, #tpu.memory_space<vmem>>
        %dma_wait3A_335 = arith.constant 0 : i32
        %dma_wait3A_336 = tpu.memref_slice %arg6[%dma_wait3A_335] : memref<51200xf32, #tpu.memory_space<vmem_shared>> -> memref<51200xf32, #tpu.memory_space<vmem_shared>>
        tpu.wait_indirect_dma semaphore(%arg11 : memref<!tpu.dma_semaphore, #tpu.memory_space<semaphore_mem>>) src(%dma_wait3A_331 : memref<128xf32, #tpu.memory_space<vmem>>) dst(%dma_wait3A_336 : memref<51200xf32, #tpu.memory_space<vmem_shared>>)
        %dma_wait3A_337 = arith.constant 8 : i32
        %dma_wait3A_338 = arith.constant 0 : i32
        %dma_wait3A_339 = tpu.memref_slice %arg8[%dma_wait3A_338] : memref<256xf32, #tpu.memory_space<vmem>> -> memref<128xf32, #tpu.memory_space<vmem>>
        %dma_wait3A_340 = arith.constant 0 : i32
        %dma_wait3A_341 = tpu.memref_slice %arg7[%dma_wait3A_337, %dma_wait3A_340] : memref<22x128xi32, #tpu.memory_space<vmem>> -> memref<1x128xi32, #tpu.memory_space<vmem>>
        %dma_wait3A_342 = tpu.memref_squeeze %dma_wait3A_341 : memref<1x128xi32, #tpu.memory_space<vmem>> -> memref<128xi32, #tpu.memory_space<vmem>>
        %dma_wait3A_343 = arith.constant 0 : i32
        %dma_wait3A_344 = tpu.memref_slice %arg6[%dma_wait3A_343] : memref<51200xf32, #tpu.memory_space<vmem_shared>> -> memref<51200xf32, #tpu.memory_space<vmem_shared>>
        tpu.wait_indirect_dma semaphore(%arg11 : memref<!tpu.dma_semaphore, #tpu.memory_space<semaphore_mem>>) src(%dma_wait3A_339 : memref<128xf32, #tpu.memory_space<vmem>>) dst(%dma_wait3A_344 : memref<51200xf32, #tpu.memory_space<vmem_shared>>)
        %dma_wait3A_345 = arith.constant 9 : i32
        %dma_wait3A_346 = arith.constant 0 : i32
        %dma_wait3A_347 = tpu.memref_slice %arg8[%dma_wait3A_346] : memref<256xf32, #tpu.memory_space<vmem>> -> memref<128xf32, #tpu.memory_space<vmem>>
        %dma_wait3A_348 = arith.constant 0 : i32
        %dma_wait3A_349 = tpu.memref_slice %arg7[%dma_wait3A_345, %dma_wait3A_348] : memref<22x128xi32, #tpu.memory_space<vmem>> -> memref<1x128xi32, #tpu.memory_space<vmem>>
        %dma_wait3A_350 = tpu.memref_squeeze %dma_wait3A_349 : memref<1x128xi32, #tpu.memory_space<vmem>> -> memref<128xi32, #tpu.memory_space<vmem>>
        %dma_wait3A_351 = arith.constant 0 : i32
        %dma_wait3A_352 = tpu.memref_slice %arg6[%dma_wait3A_351] : memref<51200xf32, #tpu.memory_space<vmem_shared>> -> memref<51200xf32, #tpu.memory_space<vmem_shared>>
        tpu.wait_indirect_dma semaphore(%arg11 : memref<!tpu.dma_semaphore, #tpu.memory_space<semaphore_mem>>) src(%dma_wait3A_347 : memref<128xf32, #tpu.memory_space<vmem>>) dst(%dma_wait3A_352 : memref<51200xf32, #tpu.memory_space<vmem_shared>>)
        %dma_wait3A_353 = arith.constant 10 : i32
        %dma_wait3A_354 = arith.constant 0 : i32
        %dma_wait3A_355 = tpu.memref_slice %arg8[%dma_wait3A_354] : memref<256xf32, #tpu.memory_space<vmem>> -> memref<128xf32, #tpu.memory_space<vmem>>
        %dma_wait3A_356 = arith.constant 0 : i32
        %dma_wait3A_357 = tpu.memref_slice %arg7[%dma_wait3A_353, %dma_wait3A_356] : memref<22x128xi32, #tpu.memory_space<vmem>> -> memref<1x128xi32, #tpu.memory_space<vmem>>
        %dma_wait3A_358 = tpu.memref_squeeze %dma_wait3A_357 : memref<1x128xi32, #tpu.memory_space<vmem>> -> memref<128xi32, #tpu.memory_space<vmem>>
        %dma_wait3A_359 = arith.constant 0 : i32
        %dma_wait3A_360 = tpu.memref_slice %arg6[%dma_wait3A_359] : memref<51200xf32, #tpu.memory_space<vmem_shared>> -> memref<51200xf32, #tpu.memory_space<vmem_shared>>
        tpu.wait_indirect_dma semaphore(%arg11 : memref<!tpu.dma_semaphore, #tpu.memory_space<semaphore_mem>>) src(%dma_wait3A_355 : memref<128xf32, #tpu.memory_space<vmem>>) dst(%dma_wait3A_360 : memref<51200xf32, #tpu.memory_space<vmem_shared>>)
        %dma_wait3A_361 = arith.constant 11 : i32
        %dma_wait3A_362 = arith.constant 0 : i32
        %dma_wait3A_363 = tpu.memref_slice %arg8[%dma_wait3A_362] : memref<256xf32, #tpu.memory_space<vmem>> -> memref<128xf32, #tpu.memory_space<vmem>>
        %dma_wait3A_364 = arith.constant 0 : i32
        %dma_wait3A_365 = tpu.memref_slice %arg7[%dma_wait3A_361, %dma_wait3A_364] : memref<22x128xi32, #tpu.memory_space<vmem>> -> memref<1x128xi32, #tpu.memory_space<vmem>>
        %dma_wait3A_366 = tpu.memref_squeeze %dma_wait3A_365 : memref<1x128xi32, #tpu.memory_space<vmem>> -> memref<128xi32, #tpu.memory_space<vmem>>
        %dma_wait3A_367 = arith.constant 0 : i32
        %dma_wait3A_368 = tpu.memref_slice %arg6[%dma_wait3A_367] : memref<51200xf32, #tpu.memory_space<vmem_shared>> -> memref<51200xf32, #tpu.memory_space<vmem_shared>>
        tpu.wait_indirect_dma semaphore(%arg11 : memref<!tpu.dma_semaphore, #tpu.memory_space<semaphore_mem>>) src(%dma_wait3A_363 : memref<128xf32, #tpu.memory_space<vmem>>) dst(%dma_wait3A_368 : memref<51200xf32, #tpu.memory_space<vmem_shared>>)
        %dma_wait3A_369 = arith.constant 12 : i32
        %dma_wait3A_370 = arith.constant 0 : i32
        %dma_wait3A_371 = tpu.memref_slice %arg8[%dma_wait3A_370] : memref<256xf32, #tpu.memory_space<vmem>> -> memref<128xf32, #tpu.memory_space<vmem>>
        %dma_wait3A_372 = arith.constant 0 : i32
        %dma_wait3A_373 = tpu.memref_slice %arg7[%dma_wait3A_369, %dma_wait3A_372] : memref<22x128xi32, #tpu.memory_space<vmem>> -> memref<1x128xi32, #tpu.memory_space<vmem>>
        %dma_wait3A_374 = tpu.memref_squeeze %dma_wait3A_373 : memref<1x128xi32, #tpu.memory_space<vmem>> -> memref<128xi32, #tpu.memory_space<vmem>>
        %dma_wait3A_375 = arith.constant 0 : i32
        %dma_wait3A_376 = tpu.memref_slice %arg6[%dma_wait3A_375] : memref<51200xf32, #tpu.memory_space<vmem_shared>> -> memref<51200xf32, #tpu.memory_space<vmem_shared>>
        tpu.wait_indirect_dma semaphore(%arg11 : memref<!tpu.dma_semaphore, #tpu.memory_space<semaphore_mem>>) src(%dma_wait3A_371 : memref<128xf32, #tpu.memory_space<vmem>>) dst(%dma_wait3A_376 : memref<51200xf32, #tpu.memory_space<vmem_shared>>)
        %dma_wait3A_377 = arith.constant 13 : i32
        %dma_wait3A_378 = arith.constant 0 : i32
        %dma_wait3A_379 = tpu.memref_slice %arg8[%dma_wait3A_378] : memref<256xf32, #tpu.memory_space<vmem>> -> memref<128xf32, #tpu.memory_space<vmem>>
        %dma_wait3A_380 = arith.constant 0 : i32
        %dma_wait3A_381 = tpu.memref_slice %arg7[%dma_wait3A_377, %dma_wait3A_380] : memref<22x128xi32, #tpu.memory_space<vmem>> -> memref<1x128xi32, #tpu.memory_space<vmem>>
        %dma_wait3A_382 = tpu.memref_squeeze %dma_wait3A_381 : memref<1x128xi32, #tpu.memory_space<vmem>> -> memref<128xi32, #tpu.memory_space<vmem>>
        %dma_wait3A_383 = arith.constant 0 : i32
        %dma_wait3A_384 = tpu.memref_slice %arg6[%dma_wait3A_383] : memref<51200xf32, #tpu.memory_space<vmem_shared>> -> memref<51200xf32, #tpu.memory_space<vmem_shared>>
        tpu.wait_indirect_dma semaphore(%arg11 : memref<!tpu.dma_semaphore, #tpu.memory_space<semaphore_mem>>) src(%dma_wait3A_379 : memref<128xf32, #tpu.memory_space<vmem>>) dst(%dma_wait3A_384 : memref<51200xf32, #tpu.memory_space<vmem_shared>>)
        %dma_wait3A_385 = arith.constant 14 : i32
        %dma_wait3A_386 = arith.constant 0 : i32
        %dma_wait3A_387 = tpu.memref_slice %arg8[%dma_wait3A_386] : memref<256xf32, #tpu.memory_space<vmem>> -> memref<128xf32, #tpu.memory_space<vmem>>
        %dma_wait3A_388 = arith.constant 0 : i32
        %dma_wait3A_389 = tpu.memref_slice %arg7[%dma_wait3A_385, %dma_wait3A_388] : memref<22x128xi32, #tpu.memory_space<vmem>> -> memref<1x128xi32, #tpu.memory_space<vmem>>
        %dma_wait3A_390 = tpu.memref_squeeze %dma_wait3A_389 : memref<1x128xi32, #tpu.memory_space<vmem>> -> memref<128xi32, #tpu.memory_space<vmem>>
        %dma_wait3A_391 = arith.constant 0 : i32
        %dma_wait3A_392 = tpu.memref_slice %arg6[%dma_wait3A_391] : memref<51200xf32, #tpu.memory_space<vmem_shared>> -> memref<51200xf32, #tpu.memory_space<vmem_shared>>
        tpu.wait_indirect_dma semaphore(%arg11 : memref<!tpu.dma_semaphore, #tpu.memory_space<semaphore_mem>>) src(%dma_wait3A_387 : memref<128xf32, #tpu.memory_space<vmem>>) dst(%dma_wait3A_392 : memref<51200xf32, #tpu.memory_space<vmem_shared>>)
        %dma_wait3A_393 = arith.constant 15 : i32
        %dma_wait3A_394 = arith.constant 0 : i32
        %dma_wait3A_395 = tpu.memref_slice %arg8[%dma_wait3A_394] : memref<256xf32, #tpu.memory_space<vmem>> -> memref<128xf32, #tpu.memory_space<vmem>>
        %dma_wait3A_396 = arith.constant 0 : i32
        %dma_wait3A_397 = tpu.memref_slice %arg7[%dma_wait3A_393, %dma_wait3A_396] : memref<22x128xi32, #tpu.memory_space<vmem>> -> memref<1x128xi32, #tpu.memory_space<vmem>>
        %dma_wait3A_398 = tpu.memref_squeeze %dma_wait3A_397 : memref<1x128xi32, #tpu.memory_space<vmem>> -> memref<128xi32, #tpu.memory_space<vmem>>
        %dma_wait3A_399 = arith.constant 0 : i32
        %dma_wait3A_400 = tpu.memref_slice %arg6[%dma_wait3A_399] : memref<51200xf32, #tpu.memory_space<vmem_shared>> -> memref<51200xf32, #tpu.memory_space<vmem_shared>>
        tpu.wait_indirect_dma semaphore(%arg11 : memref<!tpu.dma_semaphore, #tpu.memory_space<semaphore_mem>>) src(%dma_wait3A_395 : memref<128xf32, #tpu.memory_space<vmem>>) dst(%dma_wait3A_400 : memref<51200xf32, #tpu.memory_space<vmem_shared>>)
        %dma_wait3A_401 = arith.constant 16 : i32
        %dma_wait3A_402 = arith.constant 0 : i32
        %dma_wait3A_403 = tpu.memref_slice %arg8[%dma_wait3A_402] : memref<256xf32, #tpu.memory_space<vmem>> -> memref<128xf32, #tpu.memory_space<vmem>>
        %dma_wait3A_404 = arith.constant 0 : i32
        %dma_wait3A_405 = tpu.memref_slice %arg7[%dma_wait3A_401, %dma_wait3A_404] : memref<22x128xi32, #tpu.memory_space<vmem>> -> memref<1x128xi32, #tpu.memory_space<vmem>>
        %dma_wait3A_406 = tpu.memref_squeeze %dma_wait3A_405 : memref<1x128xi32, #tpu.memory_space<vmem>> -> memref<128xi32, #tpu.memory_space<vmem>>
        %dma_wait3A_407 = arith.constant 0 : i32
        %dma_wait3A_408 = tpu.memref_slice %arg6[%dma_wait3A_407] : memref<51200xf32, #tpu.memory_space<vmem_shared>> -> memref<51200xf32, #tpu.memory_space<vmem_shared>>
        tpu.wait_indirect_dma semaphore(%arg11 : memref<!tpu.dma_semaphore, #tpu.memory_space<semaphore_mem>>) src(%dma_wait3A_403 : memref<128xf32, #tpu.memory_space<vmem>>) dst(%dma_wait3A_408 : memref<51200xf32, #tpu.memory_space<vmem_shared>>)
        %dma_wait3A_409 = arith.constant 17 : i32
        %dma_wait3A_410 = arith.constant 0 : i32
        %dma_wait3A_411 = tpu.memref_slice %arg8[%dma_wait3A_410] : memref<256xf32, #tpu.memory_space<vmem>> -> memref<128xf32, #tpu.memory_space<vmem>>
        %dma_wait3A_412 = arith.constant 0 : i32
        %dma_wait3A_413 = tpu.memref_slice %arg7[%dma_wait3A_409, %dma_wait3A_412] : memref<22x128xi32, #tpu.memory_space<vmem>> -> memref<1x128xi32, #tpu.memory_space<vmem>>
        %dma_wait3A_414 = tpu.memref_squeeze %dma_wait3A_413 : memref<1x128xi32, #tpu.memory_space<vmem>> -> memref<128xi32, #tpu.memory_space<vmem>>
        %dma_wait3A_415 = arith.constant 0 : i32
        %dma_wait3A_416 = tpu.memref_slice %arg6[%dma_wait3A_415] : memref<51200xf32, #tpu.memory_space<vmem_shared>> -> memref<51200xf32, #tpu.memory_space<vmem_shared>>
        tpu.wait_indirect_dma semaphore(%arg11 : memref<!tpu.dma_semaphore, #tpu.memory_space<semaphore_mem>>) src(%dma_wait3A_411 : memref<128xf32, #tpu.memory_space<vmem>>) dst(%dma_wait3A_416 : memref<51200xf32, #tpu.memory_space<vmem_shared>>)
        %dma_wait3A_417 = arith.constant 18 : i32
        %dma_wait3A_418 = arith.constant 0 : i32
        %dma_wait3A_419 = tpu.memref_slice %arg8[%dma_wait3A_418] : memref<256xf32, #tpu.memory_space<vmem>> -> memref<128xf32, #tpu.memory_space<vmem>>
        %dma_wait3A_420 = arith.constant 0 : i32
        %dma_wait3A_421 = tpu.memref_slice %arg7[%dma_wait3A_417, %dma_wait3A_420] : memref<22x128xi32, #tpu.memory_space<vmem>> -> memref<1x128xi32, #tpu.memory_space<vmem>>
        %dma_wait3A_422 = tpu.memref_squeeze %dma_wait3A_421 : memref<1x128xi32, #tpu.memory_space<vmem>> -> memref<128xi32, #tpu.memory_space<vmem>>
        %dma_wait3A_423 = arith.constant 0 : i32
        %dma_wait3A_424 = tpu.memref_slice %arg6[%dma_wait3A_423] : memref<51200xf32, #tpu.memory_space<vmem_shared>> -> memref<51200xf32, #tpu.memory_space<vmem_shared>>
        tpu.wait_indirect_dma semaphore(%arg11 : memref<!tpu.dma_semaphore, #tpu.memory_space<semaphore_mem>>) src(%dma_wait3A_419 : memref<128xf32, #tpu.memory_space<vmem>>) dst(%dma_wait3A_424 : memref<51200xf32, #tpu.memory_space<vmem_shared>>)
        %dma_wait3A_425 = arith.constant 19 : i32
        %dma_wait3A_426 = arith.constant 0 : i32
        %dma_wait3A_427 = tpu.memref_slice %arg8[%dma_wait3A_426] : memref<256xf32, #tpu.memory_space<vmem>> -> memref<128xf32, #tpu.memory_space<vmem>>
        %dma_wait3A_428 = arith.constant 0 : i32
        %dma_wait3A_429 = tpu.memref_slice %arg7[%dma_wait3A_425, %dma_wait3A_428] : memref<22x128xi32, #tpu.memory_space<vmem>> -> memref<1x128xi32, #tpu.memory_space<vmem>>
        %dma_wait3A_430 = tpu.memref_squeeze %dma_wait3A_429 : memref<1x128xi32, #tpu.memory_space<vmem>> -> memref<128xi32, #tpu.memory_space<vmem>>
        %dma_wait3A_431 = arith.constant 0 : i32
        %dma_wait3A_432 = tpu.memref_slice %arg6[%dma_wait3A_431] : memref<51200xf32, #tpu.memory_space<vmem_shared>> -> memref<51200xf32, #tpu.memory_space<vmem_shared>>
        tpu.wait_indirect_dma semaphore(%arg11 : memref<!tpu.dma_semaphore, #tpu.memory_space<semaphore_mem>>) src(%dma_wait3A_427 : memref<128xf32, #tpu.memory_space<vmem>>) dst(%dma_wait3A_432 : memref<51200xf32, #tpu.memory_space<vmem_shared>>)
        %dma_wait3A_433 = arith.constant 20 : i32
        %dma_wait3A_434 = arith.constant 0 : i32
        %dma_wait3A_435 = tpu.memref_slice %arg8[%dma_wait3A_434] : memref<256xf32, #tpu.memory_space<vmem>> -> memref<128xf32, #tpu.memory_space<vmem>>
        %dma_wait3A_436 = arith.constant 0 : i32
        %dma_wait3A_437 = tpu.memref_slice %arg7[%dma_wait3A_433, %dma_wait3A_436] : memref<22x128xi32, #tpu.memory_space<vmem>> -> memref<1x128xi32, #tpu.memory_space<vmem>>
        %dma_wait3A_438 = tpu.memref_squeeze %dma_wait3A_437 : memref<1x128xi32, #tpu.memory_space<vmem>> -> memref<128xi32, #tpu.memory_space<vmem>>
        %dma_wait3A_439 = arith.constant 0 : i32
        %dma_wait3A_440 = tpu.memref_slice %arg6[%dma_wait3A_439] : memref<51200xf32, #tpu.memory_space<vmem_shared>> -> memref<51200xf32, #tpu.memory_space<vmem_shared>>
        tpu.wait_indirect_dma semaphore(%arg11 : memref<!tpu.dma_semaphore, #tpu.memory_space<semaphore_mem>>) src(%dma_wait3A_435 : memref<128xf32, #tpu.memory_space<vmem>>) dst(%dma_wait3A_440 : memref<51200xf32, #tpu.memory_space<vmem_shared>>)
        %dma_wait3A_441 = arith.constant 21 : i32
        %dma_wait3A_442 = arith.constant 0 : i32
        %dma_wait3A_443 = tpu.memref_slice %arg8[%dma_wait3A_442] : memref<256xf32, #tpu.memory_space<vmem>> -> memref<128xf32, #tpu.memory_space<vmem>>
        %dma_wait3A_444 = arith.constant 0 : i32
        %dma_wait3A_445 = tpu.memref_slice %arg7[%dma_wait3A_441, %dma_wait3A_444] : memref<22x128xi32, #tpu.memory_space<vmem>> -> memref<1x128xi32, #tpu.memory_space<vmem>>
        %dma_wait3A_446 = tpu.memref_squeeze %dma_wait3A_445 : memref<1x128xi32, #tpu.memory_space<vmem>> -> memref<128xi32, #tpu.memory_space<vmem>>
        %dma_wait3A_447 = arith.constant 0 : i32
        %dma_wait3A_448 = tpu.memref_slice %arg6[%dma_wait3A_447] : memref<51200xf32, #tpu.memory_space<vmem_shared>> -> memref<51200xf32, #tpu.memory_space<vmem_shared>>
        tpu.wait_indirect_dma semaphore(%arg11 : memref<!tpu.dma_semaphore, #tpu.memory_space<semaphore_mem>>) src(%dma_wait3A_443 : memref<128xf32, #tpu.memory_space<vmem>>) dst(%dma_wait3A_448 : memref<51200xf32, #tpu.memory_space<vmem_shared>>)
        %scan3A_449 = arith.constant 0 : i32
        scf.yield %scan3A_449 : i32
      }
      %scan3A_86 = arith.constant 18 : i32
      %barrier3A_87 = arith.constant 0 : index
      tpu.barrier barrier_id(%barrier3A_87)
      %scan3A_88 = arith.constant 0 : i32
      %scan3A_89 = arith.constant 0 : i32
      %scan3A_90 = arith.constant 25 : i32
      %scan3A_91 = arith.addi %scan3A_89, %scan3A_90 : i32
      %scan3A_92 = arith.constant 1 : i32
      %scan3A_93 = scf.for %scan3A_95 = %scan3A_89 to %scan3A_91 step %scan3A_92 iter_args(%scan3A_96 = %scan3A_88) -> (i32)  : i32 {
        %mul3A_97 = arith.constant 3200 : i32
        %mul3A_98 = arith.muli %arg1, %mul3A_97 : i32
        %mul3A_99 = arith.constant 128 : i32
        %mul3A_100 = arith.muli %scan3A_95, %mul3A_99 : i32
        %add3A = arith.addi %mul3A_98, %mul3A_100 : i32
        "tpu.region"() ({
          %run_scoped3A = tpu.sem_alloc : memref<!tpu.dma_semaphore, #tpu.memory_space<semaphore_mem>>
          %dma_start3A = tpu.memref_slice %arg6[%add3A] : memref<51200xf32, #tpu.memory_space<vmem_shared>> -> memref<128xf32, #tpu.memory_space<vmem_shared>>
          %dma_start3A_225 = tpu.memref_slice %arg6[%add3A] : memref<51200xf32, #tpu.memory_space<vmem_shared>> -> memref<128xf32, #tpu.memory_space<vmem_shared>>
          tpu.enqueue_dma source(%dma_start3A_225 : memref<128xf32, #tpu.memory_space<vmem_shared>>) target(%arg9 : memref<128xf32, #tpu.memory_space<vmem>>) target_semaphore(%run_scoped3A : memref<!tpu.dma_semaphore, #tpu.memory_space<semaphore_mem>>)
          %dma_wait3A = tpu.memref_slice %arg6[%add3A] : memref<51200xf32, #tpu.memory_space<vmem_shared>> -> memref<128xf32, #tpu.memory_space<vmem_shared>>
          %dma_wait3A_226 = tpu.memref_slice %arg6[%add3A] : memref<51200xf32, #tpu.memory_space<vmem_shared>> -> memref<128xf32, #tpu.memory_space<vmem_shared>>
          tpu.wait_dma2 semaphore(%run_scoped3A : memref<!tpu.dma_semaphore, #tpu.memory_space<semaphore_mem>>) src(%dma_wait3A_226 : memref<128xf32, #tpu.memory_space<vmem_shared>>) dst(%arg9 : memref<128xf32, #tpu.memory_space<vmem>>)
          tpu.yield
        }) : () -> ()
        %get3A = arith.constant 0 : index
        %get3A_101 = tpu.vector_load %arg9[%get3A] {strides = array<i32>} : memref<128xf32, #tpu.memory_space<vmem>>, vector<16xf32>,
        %get3A_102 = vector.shape_cast %get3A_101 : vector<16xf32> to vector<16xf32>
        %gt3A = arith.constant 0.000000e+00 : f32
        %gt3A_103 = vector.broadcast %gt3A : f32 to vector<16xf32>
        %gt3A_104 = arith.cmpf ogt, %get3A_102, %gt3A_103 : vector<16xf32>
        %div3A = arith.constant 1.000000e+00 : f32
        %div3A_105 = vector.broadcast %div3A : f32 to vector<16xf32>
        %div3A_106 = arith.divf %div3A_105, %get3A_102 : vector<16xf32>
        %jit3A = arith.constant 0.000000e+00 : f32
        %broadcast_in_dim3A_107 = vector.broadcast %jit3A : f32 to vector<16xf32>
        %select_n3A = arith.select %gt3A_104, %div3A_106, %broadcast_in_dim3A_107 : vector<16xi1>, vector<16xf32>
        %swap3A_108 = arith.constant 0 : index
        %swap3A_109 = tpu.vector_load %arg9[%swap3A_108] {strides = array<i32>} : memref<128xf32, #tpu.memory_space<vmem>>, vector<16xf32>,
        %swap3A_110 = vector.shape_cast %swap3A_109 : vector<16xf32> to vector<16xf32>
        %swap3A_111 = vector.shape_cast %select_n3A : vector<16xf32> to vector<16xf32>
        tpu.vector_store %arg9[%swap3A_108], %swap3A_111 {strides = array<i32>} : memref<128xf32, #tpu.memory_space<vmem>>, vector<16xf32>,
        %get3A_112 = arith.constant 16 : index
        %get3A_113 = tpu.vector_load %arg9[%get3A_112] {strides = array<i32>} : memref<128xf32, #tpu.memory_space<vmem>>, vector<16xf32>,
        %get3A_114 = vector.shape_cast %get3A_113 : vector<16xf32> to vector<16xf32>
        %gt3A_115 = arith.constant 0.000000e+00 : f32
        %gt3A_116 = vector.broadcast %gt3A_115 : f32 to vector<16xf32>
        %gt3A_117 = arith.cmpf ogt, %get3A_114, %gt3A_116 : vector<16xf32>
        %div3A_118 = arith.constant 1.000000e+00 : f32
        %div3A_119 = vector.broadcast %div3A_118 : f32 to vector<16xf32>
        %div3A_120 = arith.divf %div3A_119, %get3A_114 : vector<16xf32>
        %jit3A_121 = arith.constant 0.000000e+00 : f32
        %broadcast_in_dim3A_122 = vector.broadcast %jit3A_121 : f32 to vector<16xf32>
        %select_n3A_123 = arith.select %gt3A_117, %div3A_120, %broadcast_in_dim3A_122 : vector<16xi1>, vector<16xf32>
        %swap3A_124 = arith.constant 16 : index
        %swap3A_125 = tpu.vector_load %arg9[%swap3A_124] {strides = array<i32>} : memref<128xf32, #tpu.memory_space<vmem>>, vector<16xf32>,
        %swap3A_126 = vector.shape_cast %swap3A_125 : vector<16xf32> to vector<16xf32>
        %swap3A_127 = vector.shape_cast %select_n3A_123 : vector<16xf32> to vector<16xf32>
        tpu.vector_store %arg9[%swap3A_124], %swap3A_127 {strides = array<i32>} : memref<128xf32, #tpu.memory_space<vmem>>, vector<16xf32>,
        %get3A_128 = arith.constant 32 : index
        %get3A_129 = tpu.vector_load %arg9[%get3A_128] {strides = array<i32>} : memref<128xf32, #tpu.memory_space<vmem>>, vector<16xf32>,
        %get3A_130 = vector.shape_cast %get3A_129 : vector<16xf32> to vector<16xf32>
        %gt3A_131 = arith.constant 0.000000e+00 : f32
        %gt3A_132 = vector.broadcast %gt3A_131 : f32 to vector<16xf32>
        %gt3A_133 = arith.cmpf ogt, %get3A_130, %gt3A_132 : vector<16xf32>
        %div3A_134 = arith.constant 1.000000e+00 : f32
        %div3A_135 = vector.broadcast %div3A_134 : f32 to vector<16xf32>
        %div3A_136 = arith.divf %div3A_135, %get3A_130 : vector<16xf32>
        %jit3A_137 = arith.constant 0.000000e+00 : f32
        %broadcast_in_dim3A_138 = vector.broadcast %jit3A_137 : f32 to vector<16xf32>
        %select_n3A_139 = arith.select %gt3A_133, %div3A_136, %broadcast_in_dim3A_138 : vector<16xi1>, vector<16xf32>
        %swap3A_140 = arith.constant 32 : index
        %swap3A_141 = tpu.vector_load %arg9[%swap3A_140] {strides = array<i32>} : memref<128xf32, #tpu.memory_space<vmem>>, vector<16xf32>,
        %swap3A_142 = vector.shape_cast %swap3A_141 : vector<16xf32> to vector<16xf32>
        %swap3A_143 = vector.shape_cast %select_n3A_139 : vector<16xf32> to vector<16xf32>
        tpu.vector_store %arg9[%swap3A_140], %swap3A_143 {strides = array<i32>} : memref<128xf32, #tpu.memory_space<vmem>>, vector<16xf32>,
        %get3A_144 = arith.constant 48 : index
        %get3A_145 = tpu.vector_load %arg9[%get3A_144] {strides = array<i32>} : memref<128xf32, #tpu.memory_space<vmem>>, vector<16xf32>,
        %get3A_146 = vector.shape_cast %get3A_145 : vector<16xf32> to vector<16xf32>
        %gt3A_147 = arith.constant 0.000000e+00 : f32
        %gt3A_148 = vector.broadcast %gt3A_147 : f32 to vector<16xf32>
        %gt3A_149 = arith.cmpf ogt, %get3A_146, %gt3A_148 : vector<16xf32>
        %div3A_150 = arith.constant 1.000000e+00 : f32
        %div3A_151 = vector.broadcast %div3A_150 : f32 to vector<16xf32>
        %div3A_152 = arith.divf %div3A_151, %get3A_146 : vector<16xf32>
        %jit3A_153 = arith.constant 0.000000e+00 : f32
        %broadcast_in_dim3A_154 = vector.broadcast %jit3A_153 : f32 to vector<16xf32>
        %select_n3A_155 = arith.select %gt3A_149, %div3A_152, %broadcast_in_dim3A_154 : vector<16xi1>, vector<16xf32>
        %swap3A_156 = arith.constant 48 : index
        %swap3A_157 = tpu.vector_load %arg9[%swap3A_156] {strides = array<i32>} : memref<128xf32, #tpu.memory_space<vmem>>, vector<16xf32>,
        %swap3A_158 = vector.shape_cast %swap3A_157 : vector<16xf32> to vector<16xf32>
        %swap3A_159 = vector.shape_cast %select_n3A_155 : vector<16xf32> to vector<16xf32>
        tpu.vector_store %arg9[%swap3A_156], %swap3A_159 {strides = array<i32>} : memref<128xf32, #tpu.memory_space<vmem>>, vector<16xf32>,
        %get3A_160 = arith.constant 64 : index
        %get3A_161 = tpu.vector_load %arg9[%get3A_160] {strides = array<i32>} : memref<128xf32, #tpu.memory_space<vmem>>, vector<16xf32>,
        %get3A_162 = vector.shape_cast %get3A_161 : vector<16xf32> to vector<16xf32>
        %gt3A_163 = arith.constant 0.000000e+00 : f32
        %gt3A_164 = vector.broadcast %gt3A_163 : f32 to vector<16xf32>
        %gt3A_165 = arith.cmpf ogt, %get3A_162, %gt3A_164 : vector<16xf32>
        %div3A_166 = arith.constant 1.000000e+00 : f32
        %div3A_167 = vector.broadcast %div3A_166 : f32 to vector<16xf32>
        %div3A_168 = arith.divf %div3A_167, %get3A_162 : vector<16xf32>
        %jit3A_169 = arith.constant 0.000000e+00 : f32
        %broadcast_in_dim3A_170 = vector.broadcast %jit3A_169 : f32 to vector<16xf32>
        %select_n3A_171 = arith.select %gt3A_165, %div3A_168, %broadcast_in_dim3A_170 : vector<16xi1>, vector<16xf32>
        %swap3A_172 = arith.constant 64 : index
        %swap3A_173 = tpu.vector_load %arg9[%swap3A_172] {strides = array<i32>} : memref<128xf32, #tpu.memory_space<vmem>>, vector<16xf32>,
        %swap3A_174 = vector.shape_cast %swap3A_173 : vector<16xf32> to vector<16xf32>
        %swap3A_175 = vector.shape_cast %select_n3A_171 : vector<16xf32> to vector<16xf32>
        tpu.vector_store %arg9[%swap3A_172], %swap3A_175 {strides = array<i32>} : memref<128xf32, #tpu.memory_space<vmem>>, vector<16xf32>,
        %get3A_176 = arith.constant 80 : index
        %get3A_177 = tpu.vector_load %arg9[%get3A_176] {strides = array<i32>} : memref<128xf32, #tpu.memory_space<vmem>>, vector<16xf32>,
        %get3A_178 = vector.shape_cast %get3A_177 : vector<16xf32> to vector<16xf32>
        %gt3A_179 = arith.constant 0.000000e+00 : f32
        %gt3A_180 = vector.broadcast %gt3A_179 : f32 to vector<16xf32>
        %gt3A_181 = arith.cmpf ogt, %get3A_178, %gt3A_180 : vector<16xf32>
        %div3A_182 = arith.constant 1.000000e+00 : f32
        %div3A_183 = vector.broadcast %div3A_182 : f32 to vector<16xf32>
        %div3A_184 = arith.divf %div3A_183, %get3A_178 : vector<16xf32>
        %jit3A_185 = arith.constant 0.000000e+00 : f32
        %broadcast_in_dim3A_186 = vector.broadcast %jit3A_185 : f32 to vector<16xf32>
        %select_n3A_187 = arith.select %gt3A_181, %div3A_184, %broadcast_in_dim3A_186 : vector<16xi1>, vector<16xf32>
        %swap3A_188 = arith.constant 80 : index
        %swap3A_189 = tpu.vector_load %arg9[%swap3A_188] {strides = array<i32>} : memref<128xf32, #tpu.memory_space<vmem>>, vector<16xf32>,
        %swap3A_190 = vector.shape_cast %swap3A_189 : vector<16xf32> to vector<16xf32>
        %swap3A_191 = vector.shape_cast %select_n3A_187 : vector<16xf32> to vector<16xf32>
        tpu.vector_store %arg9[%swap3A_188], %swap3A_191 {strides = array<i32>} : memref<128xf32, #tpu.memory_space<vmem>>, vector<16xf32>,
        %get3A_192 = arith.constant 96 : index
        %get3A_193 = tpu.vector_load %arg9[%get3A_192] {strides = array<i32>} : memref<128xf32, #tpu.memory_space<vmem>>, vector<16xf32>,
        %get3A_194 = vector.shape_cast %get3A_193 : vector<16xf32> to vector<16xf32>
        %gt3A_195 = arith.constant 0.000000e+00 : f32
        %gt3A_196 = vector.broadcast %gt3A_195 : f32 to vector<16xf32>
        %gt3A_197 = arith.cmpf ogt, %get3A_194, %gt3A_196 : vector<16xf32>
        %div3A_198 = arith.constant 1.000000e+00 : f32
        %div3A_199 = vector.broadcast %div3A_198 : f32 to vector<16xf32>
        %div3A_200 = arith.divf %div3A_199, %get3A_194 : vector<16xf32>
        %jit3A_201 = arith.constant 0.000000e+00 : f32
        %broadcast_in_dim3A_202 = vector.broadcast %jit3A_201 : f32 to vector<16xf32>
        %select_n3A_203 = arith.select %gt3A_197, %div3A_200, %broadcast_in_dim3A_202 : vector<16xi1>, vector<16xf32>
        %swap3A_204 = arith.constant 96 : index
        %swap3A_205 = tpu.vector_load %arg9[%swap3A_204] {strides = array<i32>} : memref<128xf32, #tpu.memory_space<vmem>>, vector<16xf32>,
        %swap3A_206 = vector.shape_cast %swap3A_205 : vector<16xf32> to vector<16xf32>
        %swap3A_207 = vector.shape_cast %select_n3A_203 : vector<16xf32> to vector<16xf32>
        tpu.vector_store %arg9[%swap3A_204], %swap3A_207 {strides = array<i32>} : memref<128xf32, #tpu.memory_space<vmem>>, vector<16xf32>,
        %get3A_208 = arith.constant 112 : index
        %get3A_209 = tpu.vector_load %arg9[%get3A_208] {strides = array<i32>} : memref<128xf32, #tpu.memory_space<vmem>>, vector<16xf32>,
        %get3A_210 = vector.shape_cast %get3A_209 : vector<16xf32> to vector<16xf32>
        %gt3A_211 = arith.constant 0.000000e+00 : f32
        %gt3A_212 = vector.broadcast %gt3A_211 : f32 to vector<16xf32>
        %gt3A_213 = arith.cmpf ogt, %get3A_210, %gt3A_212 : vector<16xf32>
        %div3A_214 = arith.constant 1.000000e+00 : f32
        %div3A_215 = vector.broadcast %div3A_214 : f32 to vector<16xf32>
        %div3A_216 = arith.divf %div3A_215, %get3A_210 : vector<16xf32>
        %jit3A_217 = arith.constant 0.000000e+00 : f32
        %broadcast_in_dim3A_218 = vector.broadcast %jit3A_217 : f32 to vector<16xf32>
        %select_n3A_219 = arith.select %gt3A_213, %div3A_216, %broadcast_in_dim3A_218 : vector<16xi1>, vector<16xf32>
        %swap3A_220 = arith.constant 112 : index
        %swap3A_221 = tpu.vector_load %arg9[%swap3A_220] {strides = array<i32>} : memref<128xf32, #tpu.memory_space<vmem>>, vector<16xf32>,
        %swap3A_222 = vector.shape_cast %swap3A_221 : vector<16xf32> to vector<16xf32>
        %swap3A_223 = vector.shape_cast %select_n3A_219 : vector<16xf32> to vector<16xf32>
        tpu.vector_store %arg9[%swap3A_220], %swap3A_223 {strides = array<i32>} : memref<128xf32, #tpu.memory_space<vmem>>, vector<16xf32>,
        "tpu.region"() ({
          %run_scoped3A = tpu.sem_alloc : memref<!tpu.dma_semaphore, #tpu.memory_space<semaphore_mem>>
          %dma_start3A = tpu.memref_slice %arg5[%add3A] : memref<51200xf32, #tpu.memory_space<hbm>> -> memref<128xf32, #tpu.memory_space<hbm>>
          %dma_start3A_225 = tpu.memref_slice %arg5[%add3A] : memref<51200xf32, #tpu.memory_space<hbm>> -> memref<128xf32, #tpu.memory_space<hbm>>
          tpu.enqueue_dma source(%arg9 : memref<128xf32, #tpu.memory_space<vmem>>) target(%dma_start3A_225 : memref<128xf32, #tpu.memory_space<hbm>>) target_semaphore(%run_scoped3A : memref<!tpu.dma_semaphore, #tpu.memory_space<semaphore_mem>>)
          %dma_wait3A = tpu.memref_slice %arg5[%add3A] : memref<51200xf32, #tpu.memory_space<hbm>> -> memref<128xf32, #tpu.memory_space<hbm>>
          %dma_wait3A_226 = tpu.memref_slice %arg5[%add3A] : memref<51200xf32, #tpu.memory_space<hbm>> -> memref<128xf32, #tpu.memory_space<hbm>>
          tpu.wait_dma2 semaphore(%run_scoped3A : memref<!tpu.dma_semaphore, #tpu.memory_space<semaphore_mem>>) src(%arg9 : memref<128xf32, #tpu.memory_space<vmem>>) dst(%dma_wait3A_226 : memref<128xf32, #tpu.memory_space<hbm>>)
          tpu.yield
        }) : () -> ()
        %scan3A_224 = arith.constant 0 : i32
        scf.yield %scan3A_224 : i32
      }
      %scan3A_94 = arith.constant 25 : i32
    } else {
    }
    return
  }
}

</mosaic_0001>

<sc_bundles>
// kernel: _degrees.3.cloned.1.call-start
scs
__scs_entry_jumppad:
0x0: {  	(pc) =	sbr.rel $0x88, $3  }
0x1: {  	(tag) =	ssettag $0x0;
	lr =	simm.s32 $0x1  }
0x2: {  	[smem:$0x3F9F] =	sst lr;
	_ =	strace $0xD0000000  }
0x3: {  	_ = 	snop  }
0x4: {  	_ = 	snop  }
0x5: {  	_ = 	snop  }
0x6: {  	_ = 	snop  }
0x7: {  	_ = 	snop  }
__scs_overlays_trampoline_lowered:
0x8: {  	[smem:$0x3FAE] =	sst s0  }
0x9: {  	[smem:$0x3FAF] =	sst s1  }
0xa: {  	[smem:$0x3FB0] =	sst s2  }
0xb: {  	[smem:$0x3FB1] =	sst s3  }
0xc: {  	[smem:$0x3FB2] =	sst s4  }
0xd: {  	[smem:$0x3FB3] =	sst s5  }
0xe: {  	[smem:$0x3FB4] =	sst s6  }
0xf: {  	[smem:$0x3FB5] =	sst s7  }
0x10: {  	[smem:$0x3FB6] =	sst s8  }
0x11: {  	[smem:$0x3FB7] =	sst s9;
	s0 =	simm.s32 @!p0 $0x0  }
0x12: {  	s1 =	sld [smem:$0x3F9D];
	s0 =	simm.s32 @p0 $0x1  }
0x13: {  	[smem:$0x3FB8] =	sst s0;
	s0 =	simm.s32 @!p1 $0x0  }
0x14: {  	s2 =	sld [smem:$0x3F9C];
	s0 =	simm.s32 @p1 $0x1  }
0x15: {  	[smem:$0x3FB9] =	sst s0;
	s0 =	simm.s32 @!p2 $0x0  }
0x16: {  	s3 =	sld [smem:$0x3FDB];
	s0 =	simm.s32 @p2 $0x1  }
0x17: {  	s4 =	simm.s32 $0x1BF5;
	[smem:$0x3FBB] =	sst s0  }
0x18: {  	s0 =	sld [smem:$0x3F9E];
	_ =	swait.ge [sflag:s4], $0x0  }
0x19: {  	s7 =	sld [smem:$0x3F9F]  }
0x1a: {  	s8 =	sadd.s32 $0xFFFFE003, lr  }
0x1b: {  	s9 =	sadd.s32 $0xFFFFFEF7, lr;
	s5 =	simm.s32 $0xFFFFFFFF;
	p2 =	slt.u32 s8, $0xFFFFF086  }
0x1c: {  	p1 =	slt.u32 s9, $0xF7A;
	s5 =	simm.s32 @!p2 $0x0  }
0x1d: {  	s5 =	simm.s32 @p1 $0x1;
	p0 =	seq.s32 s7, s2  }
0x1e: {  	s7 =	smul.u32 @!p0 $0xF7A, s2;
	p2 =	seq.s32 @!p0 s5, $0x0  }
0x1f: {  	s9 =	smul.u32 $0xF7A, s1;
	s8 =	simm.s32 @!p0 $0x1BF5;
	p2 =	por !p2, p0  }
0x20: {  	[sflag:s8] =	ssyncset.s32 @!p0 $0xFFFFF086;
	s6 =	sadd.s32 @!p0 s3, s7;
	s7 =	simm.s32 @!p0 $0x108  }
0x21: {  	s3 =	sadd.s32 s3, s9;
	s6 =	sadd.s32 @!p0 $0x88, s6;
	s7 =	simm.s32 @p2 $0x1082  }
0x22: {  	[simem:s7], [sflag:s8] =	dma.local @!p0 [hbm:s6], $0xF7A  }
0x23: {  	s9 =	sor.u32 $0xD0000000, s2;
	s6 =	simm.s32 $0x108;
	_ =	swait.ge @!p0 [sflag:s8], $0x0  }
0x24: {  	s3 =	sadd.s32 $0x88, s3;
	s6 =	simm.s32 @!p1 $0x1082;
	[sflag:s4] =	ssyncset.s32 $0xFFFFF086  }
0x25: {  	[simem:s6], [sflag:s4] =	dma.local [hbm:s3], $0xF7A  }
0x26: {  	[smem:$0x3F9F] =	sst s1;
	(tag) =	ssettag s2;
	_ =	strace s9  }
0x27: {  	s1 =	sld [smem:$0x3FAF]  }
0x28: {  	s2 =	sld [smem:$0x3FB0]  }
0x29: {  	s4 =	sld [smem:$0x3FB2]  }
0x2a: {  	p0 =	seq.s32 s5, $0x0;
	s5 =	sld [smem:$0x3FB3]  }
0x2b: {  	s6 =	sld [smem:$0x3FB4]  }
0x2c: {  	s7 =	sld [smem:$0x3FB5]  }
0x2d: {  	s3 =	simm.s32 $0x108;
	s8 =	sld [smem:$0x3FB6]  }
0x2e: {  	s3 =	simm.s32 @!p0 $0x1082;
	s9 =	sld [smem:$0x3FB7]  }
0x2f: {  	lr =	sadd.s32 s0, s3;
	s0 =	sld [smem:$0x3FAE]  }
0x30: {  	s3 =	sld [smem:$0x3FB1]  }
0x31: {  	[smem:$0x3FBA] =	sst s10  }
0x32: {  	s10 =	sld [smem:$0x3FB8];
	_ =	sdelay $0x3  }
0x33: {  	p0 =	seq.s32 s10, $0x1;
	s10 =	sld [smem:$0x3FBA];
	_ =	sdelay $0x3  }
0x34: {  	[smem:$0x3FBA] =	sst s10  }
0x35: {  	s10 =	sld [smem:$0x3FB9];
	_ =	sdelay $0x3  }
0x36: {  	p1 =	seq.s32 s10, $0x1;
	s10 =	sld [smem:$0x3FBA];
	_ =	sdelay $0x3  }
0x37: {  	[smem:$0x3FBA] =	sst s10  }
0x38: {  	s10 =	sld [smem:$0x3FBB]  }
0x39: {  	_ = 	snop;
	(pc) =	sbr.ind lr, $3  }
0x3a: {  	_ = 	snop  }
0x3b: {  	_ = 	snop  }
0x3c: {  	p2 =	seq.s32 s10, $0x1;
	s10 =	sld [smem:$0x3FBA]  }
0x3d: {  	_ =	shalt  }
0x3e: {  	_ =	shalt  }
0x3f: {  	_ =	shalt  }
0x40: {  	_ =	shalt  }
0x41: {  	_ =	shalt  }
0x42: {  	_ =	shalt  }
0x43: {  	_ =	shalt  }
0x44: {  	_ =	shalt  }
0x45: {  	_ =	shalt  }
0x46: {  	_ =	shalt  }
0x47: {  	_ =	shalt  }
0x48: {  	_ =	shalt  }
0x49: {  	_ =	shalt  }
0x4a: {  	_ =	shalt  }
0x4b: {  	_ =	shalt  }
0x4c: {  	_ =	shalt  }
0x4d: {  	_ =	shalt  }
0x4e: {  	_ =	shalt  }
0x4f: {  	_ =	shalt  }
0x50: {  	_ =	shalt  }
0x51: {  	_ =	shalt  }
0x52: {  	_ =	shalt  }
0x53: {  	_ =	shalt  }
0x54: {  	_ =	shalt  }
0x55: {  	_ =	shalt  }
0x56: {  	_ =	shalt  }
0x57: {  	_ =	shalt  }
0x58: {  	_ =	shalt  }
0x59: {  	_ =	shalt  }
0x5a: {  	_ =	shalt  }
0x5b: {  	_ =	shalt  }
0x5c: {  	_ =	shalt  }
0x5d: {  	_ =	shalt  }
0x5e: {  	_ =	shalt  }
0x5f: {  	_ =	shalt  }
0x60: {  	_ =	shalt  }
0x61: {  	_ =	shalt  }
0x62: {  	_ =	shalt  }
0x63: {  	_ =	shalt  }
0x64: {  	_ =	shalt  }
0x65: {  	_ =	shalt  }
0x66: {  	_ =	shalt  }
0x67: {  	_ =	shalt  }
0x68: {  	_ =	shalt  }
0x69: {  	_ =	shalt  }
0x6a: {  	_ =	shalt  }
0x6b: {  	_ =	shalt  }
0x6c: {  	_ =	shalt  }
0x6d: {  	_ =	shalt  }
0x6e: {  	_ =	shalt  }
0x6f: {  	_ =	shalt  }
0x70: {  	_ =	shalt  }
0x71: {  	_ =	shalt  }
0x72: {  	_ =	shalt  }
0x73: {  	_ =	shalt  }
0x74: {  	_ =	shalt  }
0x75: {  	_ =	shalt  }
0x76: {  	_ =	shalt  }
0x77: {  	_ =	shalt  }
0x78: {  	_ =	shalt  }
0x79: {  	_ =	shalt  }
0x7a: {  	_ =	shalt  }
0x7b: {  	_ =	shalt  }
0x7c: {  	_ =	shalt  }
0x7d: {  	_ =	shalt  }
0x7e: {  	_ =	shalt  }
0x7f: {  	_ =	shalt  }
0x80: {  	_ =	shalt  }
0x81: {  	_ =	shalt  }
0x82: {  	_ =	shalt  }
0x83: {  	_ =	shalt  }
0x84: {  	_ =	shalt  }
0x85: {  	_ =	shalt  }
0x86: {  	_ =	shalt  }
0x87: {  	_ =	shalt  }
.Lfunc_end0:
.L_simem_size_0:
called_computation_lowered:
.L_overlay_start_0:
0x88: {  	s2 =	sld [smem:$0x3FD9]  }
0x89: {  	s3 =	sld [smem:$0x3FFE];
	_ =	sdelay $0x1  }
0x8a: {  	s1 =	srdreg.scid  }
0x8b: {  	s0 =	sand.u32 $0x1, s1  }
0x8c: {  	s15 =	sshll.u32 s0, $0xA;
	s2 =	sadd.s32 s3, s2  }
0x8d: {  	s2 =	sadd.s32 s2, s15  }
0x8e: {  	[smem:$0x3FC6] =	sst s2  }
0x8f: {  	_ = 	snop  }
0x90: {  	s2 =	sld [smem:$0x3FD0];
	_ =	sdelay $0x1  }
0x91: {  	s16 =	sld [smem:$0x3FC9]  }
0x92: {  	s5 =	simm.s32 $0xA;
	s6 =	simm.s32 $0x10;
	s4 =	sld [smem:$0x3FC8]  }
0x93: {  	[smem:s6], [sflag:s5] =	dma.local [hbm:s2], $0x1  }
0x94: {  	_ =	swait.eq [sflag:s5], $0x1  }
0x95: {  	[sflag:s5] =	ssyncset.done $0x0  }
0x96: {  	s17 =	sld [smem:$0x10];
	[sflag:s5] =	ssyncadd.s32 $0xFFFFFFFF  }
0x97: {  	s18 =	sld [smem:$0x11];
	(tm) =	ssettm $0x1  }
0x98: {  	s19 =	sld [smem:$0x3FFB];
	_ =	sdelay $0x3  }
0x99: {  	_ =	strace s19  }
0x9a: {  	s6 =	sld [smem:$0x3FFC];
	_ =	sdelay $0x3  }
0x9b: {  	_ =	strace s6  }
0x9c: {  	s6 =	sld [smem:$0x3FFD];
	_ =	sdelay $0x3  }
0x9d: {  	_ =	strace s6  }
0x9e: {  	_ =	strace $0x8FFFFFFF  }
0x9f: {  	s20 =	sld [smem:$0x3FDB];
	_ =	sdelay $0x1  }
0xa0: {  	s7 =	simm.s32 $_scs_section_size  }
0xa1: {  	s8 =	simm.s32 $_size__tile_overlayer_lowered;
	s9 =	simm.s32 $_tile_overlayer_lowered  }
0xa2: {  	s23 =	simm.s32 $0x1BFF;
	s22 =	sshll.u32 s9, $0x1;
	s6 =	sadd.s32 s7, s20  }
0xa3: {  	s10 =	simm.s32 $0x0;
	s21 =	sshll.u32 s8, $0x1;
	s8 =	sadd.s32 s22, s6  }
0xa4: {  	[timem:s10], [sflag:s23] =	dma.local [hbm:s8], s21  }
0xa5: {  	_ =	swait.ge [sflag:s23], s21  }
0xa6: {  	s7 =	ssub.s32 $0x0, s21;
	[sflag:s23] =	ssyncset.done $0x0  }
0xa7: {  	[sflag:s23] =	ssyncadd.s32 s7;
	_ =	sdelay $0x1  }
0xa8: {  	s24 =	simm.s32 $0x1B8B  }
0xa9: {  	_ =	swait.ge [sflag:s24], $0x1  }
0xaa: {  	[sflag:s24] =	ssyncset.done $0x0  }
0xab: {  	s25 =	simm.s32 $0x1B8E;
	[sflag:s24] =	ssyncadd.s32 $0xFFFFFFFF  }
0xac: {  	s26 =	simm.s32 $execute0_lowered;
	[smem:$0x3FD2] =	sst s25  }
0xad: {  	s7 =	sshll.u32 s26, $0x1;
	_ =	strace $0x80000046;
	[dreg:$0x1] =	wrdreg $0xFFFFFFFF  }
0xae: {  	s28 =	simm.s32 $_size_execute0_lowered;
	s6 =	sadd.s32 s6, s7;
	[dreg:$0x0] =	wrdreg $0x0  }
0xaf: {  	s7 =	sshll.u32 s28, $0x1;
	[dreg:$0x2] =	wrdreg s6  }
0xb0: {  	[dreg:$0x3] =	wrdreg s7  }
0xb1: {  	[dreg:$0x4] =	wrdreg $0xC0  }
0xb2: {  	_ =	task [dreg:s10], $0x5FFFF  }
0xb3: {  	[dreg:$0x1] =	wrdreg $0xFFFFFFFF  }
0xb4: {  	[dreg:$0x0] =	wrdreg $0x60  }
0xb5: {  	[dreg:$0x2] =	wrdreg s16  }
0xb6: {  	[dreg:$0x3] =	wrdreg s4  }
0xb7: {  	[dreg:$0x4] =	wrdreg s17  }
0xb8: {  	[dreg:$0x5] =	wrdreg s18  }
0xb9: {  	[dreg:$0x6] =	wrdreg $0x0  }
0xba: {  	[dreg:$0x7] =	wrdreg $0x9  }
0xbb: {  	_ =	task.clear_ibuf [dreg:s10], $0x8FFFF;
	_ =	strace $0x90000046  }
0xbc: {  	s29 =	simm.s32 $0x9;
	_ =	strace $0x80000048  }
0xbd: {  	_ =	swait.ge [sflag:s29], $0x1  }
0xbe: {  	[sflag:s29] =	ssyncadd.s32 $0xFFFFFFFF  }
0xbf: {  	_ =	strace $0x90000048  }
0xc0: {  	_ =	sfence  }
0xc1: {  	s30 =	sld [smem:$0x0];
	_ =	sdelay $0x2  }
0xc2: {  	s31 =	sshll.u32 s1, $0xD;
	s1 =	sshrl.u32 s1, $0x2  }
0xc3: {  	s3 =	sand.u32 $0x4000, s31;
	s1 =	sadd.s32 s1, s30  }
0xc4: {  	s0 =	sor.u32 s3, s0;
	s1 =	sshll.u32 s1, $0x11  }
0xc5: {  	s0 =	sor.u32 s1, s0  }
0xc6: {  	s0 =	sadd.s32 $0x8F2B, s0  }
0xc7: {  	[sflag:s0] =	ssyncadd.remote.s32 $0x1  }
0xc8: {  	_ =	sfence.sel $0xFFFF  }
0xc9: {  	[dreg:$0x0] =	wrdreg $0xFFFFFFFF;
	(pc) =	sbr.abs _section_cstart, $3  }
0xca: {  	[dreg:$0x1] =	wrdreg $0xFFFFFFFF  }
0xcb: {  	_ =	task.clear_ibuf [dreg:s10], $0x2FFFF;
	_ =	strace $0x9FFFFFFF  }
0xcc: {  	(tm) =	ssettm $0x7FFFFFFF  }
0xcd: {  	_ =	shalt  }
tec
execute0_lowered:
.L_overlay_start_1:
0x0: {  	(tag) =	ssettag $0x1  }
0x1: {  	s0 =	rddreg [dreg:$0x0]  }
0x2: {  	s1 =	rddreg [dreg:$0x1]  }
0x3: {  	s4 =	rddreg [dreg:$0x2]  }
0x4: {  	s5 =	rddreg [dreg:$0x3]  }
0x5: {  	s2 =	rddreg [dreg:$0x4]  }
0x6: {  	s3 =	srdreg.scid;
	s11 =	stileid.u32  }
0x7: {  	s13 =	simm.s32 $0x1800;
	s12 =	simm.s32 $0x1780;
	s16 =	simm.s32 $0xD00  }
0x8: {  	s17 =	simm.s32 $0xD80;
	s14 =	simm.s32 $0xE00;
	s8 =	smul.u32 $0x3200, s11  }
0x9: {  	s6 =	sand.u32 $0x1, s3;
	s3 =	simm.s32 $0x0;
	s10 =	smul.u32 $0x18C0, s11  }
0xa: {  	s29 =	smul.u32 $0x190, s11;
	s11 =	simm.s32 $0x80;
	s7 =	ssub.s32 $0x2, s6  }
0xb: {  	[smem:$0x7FF] =	sst s3;
	p0 =	seq.s32 s6, $0x1;
	s6 =	simm.s32 $0x1  }
0xc: {  	s9 =	sshrl.u32 s7, $0x1;
	_ =	strace $0x80000047;
	s28 =	sshrl.u32 s8, $0x2  }
.Ltmp0:
0xd: {  	s0 =	sadd.s32 s10, s0;
	s30 =	sadd.s32 s10, s1;
	(pc) =	sbr.rel .LBB2_1-.Ltmp0, $4  }
0xe: {  	s18 =	sadd.s32 s29, s4;
	s19 =	sadd.s32 s29, s5;
	s10 =	simm.s32 $0xC80  }
0xf: {  	s7 =	ssub.s32 s7, s9;
	s15 =	sadd.s32 s28, s2;
	[dreg:$0x6] =	wrdreg s0  }
0x10: {  	[dreg:$0x7] =	wrdreg s30;
	s9 =	simm.s32 $0x2;
	s31 =	smax.u32 s7, $0x1  }
0x11: {  	v0 =	vimm.f32 $1.000000000e+00;
	v1 =	vimm.f32 $0.0e+00;
	s0 =	simm.s32 $0x0;
	s7 =	simm.s32 $0x1880;
	[dreg:$0x8] =	wrdreg s31  }
.LBB2_15:
0x12: {  	[tilespmem:s7], [sflag:$0x2] =	stream.linear.gather [spmem:s4], $0x80, $0x38;
	[tilespmem:$0x1900] =	vst v63  }
0x13: {  	_ =	swait.ge [sflag:s9], $0x80  }
0x14: {  	[sflag:s9] =	ssyncset.done $0x0  }
0x15: {  	[sflag:s9] =	ssyncadd.s32 $0xFFFFFF80  }
0x16: {  	v2 =	vld [tilespmem:$0x18E0]  }
0x17: {  	v3 =	vld [tilespmem:$0x18F0]  }
0x18: {  	v4 =	vld [tilespmem:$0x18B0];
	_ =	sdelay $0x2  }
0x19: {  	v5 =	vld [tilespmem:$0x1880];
	(erf) = vrcp.f32 v2  }
0x1a: {  	v6 =	vld [tilespmem:$0x1890];
	(erf) = vrcp.f32 v3  }
0x1b: {  	v7 =	vld [tilespmem:$0x18D0];
	(erf) = vrcp.f32 v4;
	_ =	sdelay $0x2  }
0x1c: {  	v8 =	vld [tilespmem:$0x18A0];
	(erf) = vrcp.f32 v5  }
0x1d: {  	v9 =	vld [tilespmem:$0x18C0];
	(erf) = vrcp.f32 v6  }
0x1e: {  	(erf) = vrcp.f32 v7;
	_ =	sdelay $0x1  }
0x1f: {  	vm0 =	vgt.f32 v2, $0.0e+00;
	v2 =	vpop (erf)  }
0x20: {  	vm10 =	vgt.f32 v3, $0.0e+00;
	(erf) = vrcp.f32 v8;
	v2 =	vnsel vm0, $0x0, v2;
	v3 =	vpop (erf)  }
0x21: {  	vm1 =	vgt.f32 v4, $0.0e+00;
	(erf) = vrcp.f32 v9;
	[tilespmem:$0x18E0] =	vst v2;
	v2 =	vnsel vm10, $0x0, v3;
	v3 =	vpop (erf)  }
0x22: {  	v3 =	vnsel vm1, $0x0, v3;
	_ =	sdelay $0x1  }
0x23: {  	vm11 =	vgt.f32 v5, $0.0e+00;
	[tilespmem:$0x18F0] =	vst v2;
	v2 =	vpop (erf)  }
0x24: {  	vm12 =	vgt.f32 v6, $0.0e+00;
	[tilespmem:$0x18B0] =	vst v3;
	v2 =	vnsel vm11, $0x0, v2;
	v3 =	vpop (erf)  }
0x25: {  	vm13 =	vgt.f32 v7, $0.0e+00;
	[tilespmem:$0x1880] =	vst v2;
	v2 =	vnsel vm12, $0x0, v3;
	v3 =	vpop (erf)  }
0x26: {  	[tilespmem:$0x1890] =	vst v2;
	v2 =	vnsel vm13, $0x0, v3;
	_ =	sdelay $0x1  }
0x27: {  	vm14 =	vgt.f32 v8, $0.0e+00;
	v3 =	vpop (erf)  }
0x28: {  	vm15 =	vgt.f32 v9, $0.0e+00;
	v3 =	vnsel vm14, $0x0, v3;
	[tilespmem:$0x18D0] =	vst v2;
	v2 =	vpop (erf)  }
0x29: {  	[tilespmem:$0x18A0] =	vst v3;
	v2 =	vnsel vm15, $0x0, v2  }
0x2a: {  	s31 =	sadd.s32 s8, s19;
	[tilespmem:$0x18C0] =	vst v2  }
0x2b: {  	[hbm4b:s31+s3] =	stream.linear.scatter [tilespmem:s7], [sflag:$0x2], $0x80, $0x38;
	[tilespmem:$0x1900] =	vst v63  }
0x2c: {  	_ =	swait.ge [sflag:s9], $0x80  }
0x2d: {  	[sflag:s9] =	ssyncset.done $0x0  }
0x2e: {  	s0 =	rddreg [dreg:$0x9];
	[sflag:s9] =	ssyncadd.s32 $0xFFFFFF80  }
.LBB2_16:
0x2f: {  	s0 =	sadd.s32 $0x1, s0;
	s4 =	rddreg [dreg:$0x8]  }
0x30: {  	p1 =	sne.s32 s0, s4  }
.Ltmp1:
0x31: {  	_ = 	snop;
	(pc) =	sbr.rel @!p1 .LBB2_17-.Ltmp1, $3  }
0x32: {  	_ =	sdelay $0x1  }
0x33: {  	s13 =	simm.s32 $0x1800  }
0x34: {  	s16 =	simm.s32 $0xD00;
	s17 =	simm.s32 $0xD80;
	s14 =	simm.s32 $0xE00  }
.LBB2_1:
0x35: {  	[tilespmem:$0x1780] =	vst v0  }
0x36: {  	[tilespmem:$0x1800] =	vst v1  }
0x37: {  	[tilespmem:$0x1790] =	vst v0  }
0x38: {  	[tilespmem:$0x1810] =	vst v1  }
0x39: {  	[tilespmem:$0x17A0] =	vst v0  }
0x3a: {  	[tilespmem:$0x1820] =	vst v1  }
0x3b: {  	[tilespmem:$0x17B0] =	vst v0  }
0x3c: {  	[tilespmem:$0x1830] =	vst v1  }
0x3d: {  	[tilespmem:$0x17C0] =	vst v0  }
0x3e: {  	[tilespmem:$0x1840] =	vst v1  }
0x3f: {  	[tilespmem:$0x17D0] =	vst v0  }
.Ltmp2:
0x40: {  	[tilespmem:$0x1850] =	vst v1;
	(pc) =	sbr.rel @!p0 .LBB2_2-.Ltmp2, $4  }
0x41: {  	[tilespmem:$0x17E0] =	vst v0  }
0x42: {  	[tilespmem:$0x1860] =	vst v1  }
0x43: {  	[tilespmem:$0x17F0] =	vst v0;
	s4 =	sshra.s32 s3, $0x2  }
0x44: {  	[tilespmem:$0x1870] =	vst v1;
	[dreg:$0x9] =	wrdreg s0;
	s4 =	sadd.s32 s4, s15  }
0x45: {  	[spmem:s4] =	stream.linear.scatter [tilespmem:s13], [sflag:$0x2], $0x80, $0x38;
	[tilespmem:$0x1900] =	vst v63  }
0x46: {  	s4 =	sadd.s32 $0x200, s3;
	_ =	swait.ge [sflag:s9], $0x80  }
.LBB2_10:
0x47: {  	s8 =	sshra.s32 s4, $0x2;
	[sflag:s9] =	ssyncset.done $0x0;
	p1 =	sne.s32 s4, $0x3000  }
.Ltmp3:
0x48: {  	s8 =	sadd.s32 s8, s15;
	[sflag:s9] =	ssyncadd.s32 $0xFFFFFF80;
	(pc) =	sbr.rel @p1 .LBB2_10-.Ltmp3, $3  }
0x49: {  	[spmem:s8] =	stream.linear.scatter [tilespmem:s13], [sflag:$0x2], $0x80, $0x38;
	[tilespmem:$0x1900] =	vst v63  }
0x4a: {  	s4 =	sadd.s32 $0x200, s4;
	_ =	sdelay $0x1  }
0x4b: {  	_ =	swait.ge [sflag:s9], $0x80  }
0x4c: {  	[sflag:s9] =	ssyncset.done $0x0  }
0x4d: {  	[sflag:s9] =	ssyncadd.s32 $0xFFFFFF80  }
0x4e: {  	[bflag:$0x0] =	sbarrier.arrive $0xFFFF  }
0x4f: {  	s4 =	rddreg [dreg:$0x7]  }
0x50: {  	s4 =	sadd.s32 $0x0, s4  }
0x51: {  	[tilespmem:s10], [sflag:$0x2] =	stream.linear.gather [hbm4b:s4+s3], $0xB00, $0x38;
	[tilespmem:$0x1900] =	vst v63  }
0x52: {  	_ =	swait.ge [sflag:s9], $0xB00  }
0x53: {  	[sflag:s9] =	ssyncset.done $0x0  }
0x54: {  	[sflag:s9] =	ssyncadd.s32 $0xFFFFF500  }
0x55: {  	[spmem:s2] =	stream.indirect.scatter.add.f32 [tilespmem:s12], [sflag:$0x1], $0x1, s10, s11, $0xb8;
	[tilespmem:$0x1900] =	vst v63  }
0x56: {  	_ = 	snop  }
0x57: {  	[spmem:s2] =	stream.indirect.scatter.add.f32 [tilespmem:s12], [sflag:$0x1], $0x1, s16, s11, $0xb8;
	[tilespmem:$0x1900] =	vst v63  }
0x58: {  	_ = 	snop  }
0x59: {  	[spmem:s2] =	stream.indirect.scatter.add.f32 [tilespmem:s12], [sflag:$0x1], $0x1, s17, s11, $0xb8;
	[tilespmem:$0x1900] =	vst v63  }
0x5a: {  	_ = 	snop  }
0x5b: {  	[spmem:s2] =	stream.indirect.scatter.add.f32 [tilespmem:s12], [sflag:$0x1], $0x1, s14, s11, $0xb8;
	[tilespmem:$0x1900] =	vst v63  }
0x5c: {  	s20 =	simm.s32 $0xE80  }
0x5d: {  	[spmem:s2] =	stream.indirect.scatter.add.f32 [tilespmem:s12], [sflag:$0x1], $0x1, s20, s11, $0xb8;
	[tilespmem:$0x1900] =	vst v63  }
0x5e: {  	s21 =	simm.s32 $0xF00  }
0x5f: {  	[spmem:s2] =	stream.indirect.scatter.add.f32 [tilespmem:s12], [sflag:$0x1], $0x1, s21, s11, $0xb8;
	[tilespmem:$0x1900] =	vst v63  }
0x60: {  	s22 =	simm.s32 $0xF80  }
0x61: {  	[spmem:s2] =	stream.indirect.scatter.add.f32 [tilespmem:s12], [sflag:$0x1], $0x1, s22, s11, $0xb8;
	[tilespmem:$0x1900] =	vst v63  }
0x62: {  	s23 =	simm.s32 $0x1000  }
0x63: {  	[spmem:s2] =	stream.indirect.scatter.add.f32 [tilespmem:s12], [sflag:$0x1], $0x1, s23, s11, $0xb8;
	[tilespmem:$0x1900] =	vst v63  }
0x64: {  	s24 =	simm.s32 $0x1080  }
0x65: {  	[spmem:s2] =	stream.indirect.scatter.add.f32 [tilespmem:s12], [sflag:$0x1], $0x1, s24, s11, $0xb8;
	[tilespmem:$0x1900] =	vst v63  }
0x66: {  	s25 =	simm.s32 $0x1100  }
0x67: {  	[spmem:s2] =	stream.indirect.scatter.add.f32 [tilespmem:s12], [sflag:$0x1], $0x1, s25, s11, $0xb8;
	[tilespmem:$0x1900] =	vst v63  }
0x68: {  	s26 =	simm.s32 $0x1180  }
0x69: {  	[spmem:s2] =	stream.indirect.scatter.add.f32 [tilespmem:s12], [sflag:$0x1], $0x1, s26, s11, $0xb8;
	[tilespmem:$0x1900] =	vst v63  }
0x6a: {  	s28 =	simm.s32 $0x1200  }
0x6b: {  	[spmem:s2] =	stream.indirect.scatter.add.f32 [tilespmem:s12], [sflag:$0x1], $0x1, s28, s11, $0xb8;
	[tilespmem:$0x1900] =	vst v63  }
0x6c: {  	s29 =	simm.s32 $0x1280  }
0x6d: {  	[spmem:s2] =	stream.indirect.scatter.add.f32 [tilespmem:s12], [sflag:$0x1], $0x1, s29, s11, $0xb8;
	[tilespmem:$0x1900] =	vst v63  }
0x6e: {  	s30 =	simm.s32 $0x1300  }
0x6f: {  	[spmem:s2] =	stream.indirect.scatter.add.f32 [tilespmem:s12], [sflag:$0x1], $0x1, s30, s11, $0xb8;
	[tilespmem:$0x1900] =	vst v63  }
0x70: {  	s31 =	simm.s32 $0x1380  }
0x71: {  	[spmem:s2] =	stream.indirect.scatter.add.f32 [tilespmem:s12], [sflag:$0x1], $0x1, s31, s11, $0xb8;
	[tilespmem:$0x1900] =	vst v63  }
0x72: {  	s0 =	simm.s32 $0x1400  }
0x73: {  	[spmem:s2] =	stream.indirect.scatter.add.f32 [tilespmem:s12], [sflag:$0x1], $0x1, s0, s11, $0xb8;
	[tilespmem:$0x1900] =	vst v63  }
0x74: {  	s1 =	simm.s32 $0x1480  }
0x75: {  	[spmem:s2] =	stream.indirect.scatter.add.f32 [tilespmem:s12], [sflag:$0x1], $0x1, s1, s11, $0xb8;
	[tilespmem:$0x1900] =	vst v63  }
0x76: {  	s5 =	simm.s32 $0x1500  }
0x77: {  	[spmem:s2] =	stream.indirect.scatter.add.f32 [tilespmem:s12], [sflag:$0x1], $0x1, s5, s11, $0xb8;
	[tilespmem:$0x1900] =	vst v63  }
0x78: {  	s14 =	simm.s32 $0x1580  }
0x79: {  	[spmem:s2] =	stream.indirect.scatter.add.f32 [tilespmem:s12], [sflag:$0x1], $0x1, s14, s11, $0xb8;
	[tilespmem:$0x1900] =	vst v63  }
0x7a: {  	s8 =	simm.s32 $0x1600  }
0x7b: {  	[spmem:s2] =	stream.indirect.scatter.add.f32 [tilespmem:s12], [sflag:$0x1], $0x1, s8, s11, $0xb8;
	[tilespmem:$0x1900] =	vst v63  }
0x7c: {  	s13 =	simm.s32 $0x1680  }
0x7d: {  	[spmem:s2] =	stream.indirect.scatter.add.f32 [tilespmem:s12], [sflag:$0x1], $0x1, s13, s11, $0xb8;
	[tilespmem:$0x1900] =	vst v63  }
0x7e: {  	s14 =	simm.s32 $0x1700  }
0x7f: {  	[spmem:s2] =	stream.indirect.scatter.add.f32 [tilespmem:s12], [sflag:$0x1], $0x1, s14, s11, $0xb8;
	[tilespmem:$0x1900] =	vst v63  }
0x80: {  	_ =	swait.ge [sflag:s6], $0x80  }
0x81: {  	[sflag:s6] =	ssyncset.done $0x0  }
0x82: {  	[sflag:s6] =	ssyncadd.s32 $0xFFFFFF80  }
0x83: {  	_ =	swait.ge [sflag:s6], $0x80  }
0x84: {  	[sflag:s6] =	ssyncset.done $0x0  }
0x85: {  	[sflag:s6] =	ssyncadd.s32 $0xFFFFFF80  }
0x86: {  	_ =	swait.ge [sflag:s6], $0x80  }
0x87: {  	[sflag:s6] =	ssyncset.done $0x0  }
0x88: {  	[sflag:s6] =	ssyncadd.s32 $0xFFFFFF80  }
0x89: {  	_ =	swait.ge [sflag:s6], $0x80  }
0x8a: {  	[sflag:s6] =	ssyncset.done $0x0  }
0x8b: {  	[sflag:s6] =	ssyncadd.s32 $0xFFFFFF80  }
0x8c: {  	_ =	swait.ge [sflag:s6], $0x80  }
0x8d: {  	[sflag:s6] =	ssyncset.done $0x0  }
0x8e: {  	[sflag:s6] =	ssyncadd.s32 $0xFFFFFF80  }
0x8f: {  	_ =	swait.ge [sflag:s6], $0x80  }
0x90: {  	[sflag:s6] =	ssyncset.done $0x0  }
0x91: {  	[sflag:s6] =	ssyncadd.s32 $0xFFFFFF80  }
0x92: {  	_ =	swait.ge [sflag:s6], $0x80  }
0x93: {  	[sflag:s6] =	ssyncset.done $0x0  }
0x94: {  	[sflag:s6] =	ssyncadd.s32 $0xFFFFFF80  }
0x95: {  	_ =	swait.ge [sflag:s6], $0x80  }
0x96: {  	[sflag:s6] =	ssyncset.done $0x0  }
0x97: {  	[sflag:s6] =	ssyncadd.s32 $0xFFFFFF80  }
0x98: {  	_ =	swait.ge [sflag:s6], $0x80  }
0x99: {  	[sflag:s6] =	ssyncset.done $0x0  }
0x9a: {  	[sflag:s6] =	ssyncadd.s32 $0xFFFFFF80  }
0x9b: {  	_ =	swait.ge [sflag:s6], $0x80  }
0x9c: {  	[sflag:s6] =	ssyncset.done $0x0  }
0x9d: {  	[sflag:s6] =	ssyncadd.s32 $0xFFFFFF80  }
0x9e: {  	_ =	swait.ge [sflag:s6], $0x80  }
0x9f: {  	[sflag:s6] =	ssyncset.done $0x0  }
0xa0: {  	[sflag:s6] =	ssyncadd.s32 $0xFFFFFF80  }
0xa1: {  	_ =	swait.ge [sflag:s6], $0x80  }
0xa2: {  	[sflag:s6] =	ssyncset.done $0x0  }
0xa3: {  	[sflag:s6] =	ssyncadd.s32 $0xFFFFFF80  }
0xa4: {  	_ =	swait.ge [sflag:s6], $0x80  }
0xa5: {  	[sflag:s6] =	ssyncset.done $0x0  }
0xa6: {  	[sflag:s6] =	ssyncadd.s32 $0xFFFFFF80  }
0xa7: {  	_ =	swait.ge [sflag:s6], $0x80  }
0xa8: {  	[sflag:s6] =	ssyncset.done $0x0  }
0xa9: {  	[sflag:s6] =	ssyncadd.s32 $0xFFFFFF80  }
0xaa: {  	_ =	swait.ge [sflag:s6], $0x80  }
0xab: {  	[sflag:s6] =	ssyncset.done $0x0  }
0xac: {  	[sflag:s6] =	ssyncadd.s32 $0xFFFFFF80  }
0xad: {  	_ =	swait.ge [sflag:s6], $0x80  }
0xae: {  	[sflag:s6] =	ssyncset.done $0x0  }
0xaf: {  	[sflag:s6] =	ssyncadd.s32 $0xFFFFFF80  }
0xb0: {  	_ =	swait.ge [sflag:s6], $0x80  }
0xb1: {  	[sflag:s6] =	ssyncset.done $0x0  }
0xb2: {  	[sflag:s6] =	ssyncadd.s32 $0xFFFFFF80  }
0xb3: {  	_ =	swait.ge [sflag:s6], $0x80  }
0xb4: {  	[sflag:s6] =	ssyncset.done $0x0  }
0xb5: {  	[sflag:s6] =	ssyncadd.s32 $0xFFFFFF80  }
0xb6: {  	_ =	swait.ge [sflag:s6], $0x80  }
0xb7: {  	[sflag:s6] =	ssyncset.done $0x0  }
0xb8: {  	[sflag:s6] =	ssyncadd.s32 $0xFFFFFF80  }
0xb9: {  	_ =	swait.ge [sflag:s6], $0x80  }
0xba: {  	[sflag:s6] =	ssyncset.done $0x0  }
0xbb: {  	[sflag:s6] =	ssyncadd.s32 $0xFFFFFF80  }
0xbc: {  	_ =	swait.ge [sflag:s6], $0x80  }
0xbd: {  	[sflag:s6] =	ssyncset.done $0x0  }
0xbe: {  	[sflag:s6] =	ssyncadd.s32 $0xFFFFFF80  }
0xbf: {  	s8 =	simm.s32 $0x160;
	_ =	swait.ge [sflag:s6], $0x80  }
0xc0: {  	s13 =	simm.s32 $0x2C0;
	s4 =	rddreg [dreg:$0x7];
	[sflag:s6] =	ssyncset.done $0x0  }
.LBB2_12:
0xc1: {  	[sflag:s6] =	ssyncadd.s32 $0xFFFFFF80;
	s4 =	sadd.s32 s8, s4  }
0xc2: {  	[tilespmem:s10], [sflag:$0x2] =	stream.linear.gather [hbm4b:s4+s3], $0xB00, $0x38;
	[tilespmem:$0x1900] =	vst v63  }
0xc3: {  	_ =	swait.ge [sflag:s9], $0xB00  }
0xc4: {  	[sflag:s9] =	ssyncset.done $0x0  }
0xc5: {  	[sflag:s9] =	ssyncadd.s32 $0xFFFFF500  }
0xc6: {  	[spmem:s2] =	stream.indirect.scatter.add.f32 [tilespmem:s12], [sflag:$0x1], $0x1, s10, s11, $0xb8;
	[tilespmem:$0x1900] =	vst v63  }
0xc7: {  	_ = 	snop  }
0xc8: {  	[spmem:s2] =	stream.indirect.scatter.add.f32 [tilespmem:s12], [sflag:$0x1], $0x1, s16, s11, $0xb8;
	[tilespmem:$0x1900] =	vst v63  }
0xc9: {  	s14 =	smov.u32 s13  }
0xca: {  	[spmem:s2] =	stream.indirect.scatter.add.f32 [tilespmem:s12], [sflag:$0x1], $0x1, s17, s11, $0xb8;
	[tilespmem:$0x1900] =	vst v63  }
0xcb: {  	s8 =	smov.u32 s14;
	s14 =	simm.s32 $0xE00  }
0xcc: {  	[spmem:s2] =	stream.indirect.scatter.add.f32 [tilespmem:s12], [sflag:$0x1], $0x1, s14, s11, $0xb8;
	[tilespmem:$0x1900] =	vst v63  }
0xcd: {  	_ = 	snop  }
0xce: {  	[spmem:s2] =	stream.indirect.scatter.add.f32 [tilespmem:s12], [sflag:$0x1], $0x1, s20, s11, $0xb8;
	[tilespmem:$0x1900] =	vst v63  }
0xcf: {  	_ = 	snop  }
0xd0: {  	[spmem:s2] =	stream.indirect.scatter.add.f32 [tilespmem:s12], [sflag:$0x1], $0x1, s21, s11, $0xb8;
	[tilespmem:$0x1900] =	vst v63  }
0xd1: {  	_ = 	snop  }
0xd2: {  	[spmem:s2] =	stream.indirect.scatter.add.f32 [tilespmem:s12], [sflag:$0x1], $0x1, s22, s11, $0xb8;
	[tilespmem:$0x1900] =	vst v63  }
0xd3: {  	_ = 	snop  }
0xd4: {  	[spmem:s2] =	stream.indirect.scatter.add.f32 [tilespmem:s12], [sflag:$0x1], $0x1, s23, s11, $0xb8;
	[tilespmem:$0x1900] =	vst v63  }
0xd5: {  	_ = 	snop  }
0xd6: {  	[spmem:s2] =	stream.indirect.scatter.add.f32 [tilespmem:s12], [sflag:$0x1], $0x1, s24, s11, $0xb8;
	[tilespmem:$0x1900] =	vst v63  }
0xd7: {  	_ = 	snop  }
0xd8: {  	[spmem:s2] =	stream.indirect.scatter.add.f32 [tilespmem:s12], [sflag:$0x1], $0x1, s25, s11, $0xb8;
	[tilespmem:$0x1900] =	vst v63  }
0xd9: {  	_ = 	snop  }
0xda: {  	[spmem:s2] =	stream.indirect.scatter.add.f32 [tilespmem:s12], [sflag:$0x1], $0x1, s26, s11, $0xb8;
	[tilespmem:$0x1900] =	vst v63  }
0xdb: {  	_ = 	snop  }
0xdc: {  	[spmem:s2] =	stream.indirect.scatter.add.f32 [tilespmem:s12], [sflag:$0x1], $0x1, s28, s11, $0xb8;
	[tilespmem:$0x1900] =	vst v63  }
0xdd: {  	_ = 	snop  }
0xde: {  	[spmem:s2] =	stream.indirect.scatter.add.f32 [tilespmem:s12], [sflag:$0x1], $0x1, s29, s11, $0xb8;
	[tilespmem:$0x1900] =	vst v63  }
0xdf: {  	_ = 	snop  }
0xe0: {  	[spmem:s2] =	stream.indirect.scatter.add.f32 [tilespmem:s12], [sflag:$0x1], $0x1, s30, s11, $0xb8;
	[tilespmem:$0x1900] =	vst v63  }
0xe1: {  	_ = 	snop  }
0xe2: {  	[spmem:s2] =	stream.indirect.scatter.add.f32 [tilespmem:s12], [sflag:$0x1], $0x1, s31, s11, $0xb8;
	[tilespmem:$0x1900] =	vst v63  }
0xe3: {  	_ = 	snop  }
0xe4: {  	[spmem:s2] =	stream.indirect.scatter.add.f32 [tilespmem:s12], [sflag:$0x1], $0x1, s0, s11, $0xb8;
	[tilespmem:$0x1900] =	vst v63  }
0xe5: {  	_ = 	snop  }
0xe6: {  	[spmem:s2] =	stream.indirect.scatter.add.f32 [tilespmem:s12], [sflag:$0x1], $0x1, s1, s11, $0xb8;
	[tilespmem:$0x1900] =	vst v63  }
0xe7: {  	_ = 	snop  }
0xe8: {  	[spmem:s2] =	stream.indirect.scatter.add.f32 [tilespmem:s12], [sflag:$0x1], $0x1, s5, s11, $0xb8;
	[tilespmem:$0x1900] =	vst v63  }
0xe9: {  	s4 =	simm.s32 $0x1580  }
0xea: {  	[spmem:s2] =	stream.indirect.scatter.add.f32 [tilespmem:s12], [sflag:$0x1], $0x1, s4, s11, $0xb8;
	[tilespmem:$0x1900] =	vst v63  }
0xeb: {  	s4 =	simm.s32 $0x1600  }
0xec: {  	[spmem:s2] =	stream.indirect.scatter.add.f32 [tilespmem:s12], [sflag:$0x1], $0x1, s4, s11, $0xb8;
	[tilespmem:$0x1900] =	vst v63  }
0xed: {  	s4 =	simm.s32 $0x1680  }
0xee: {  	[spmem:s2] =	stream.indirect.scatter.add.f32 [tilespmem:s12], [sflag:$0x1], $0x1, s4, s11, $0xb8;
	[tilespmem:$0x1900] =	vst v63  }
0xef: {  	s4 =	simm.s32 $0x1700  }
0xf0: {  	[spmem:s2] =	stream.indirect.scatter.add.f32 [tilespmem:s12], [sflag:$0x1], $0x1, s4, s11, $0xb8;
	[tilespmem:$0x1900] =	vst v63  }
0xf1: {  	_ =	swait.ge [sflag:s6], $0x80  }
0xf2: {  	[sflag:s6] =	ssyncset.done $0x0  }
0xf3: {  	[sflag:s6] =	ssyncadd.s32 $0xFFFFFF80  }
0xf4: {  	_ =	swait.ge [sflag:s6], $0x80  }
0xf5: {  	[sflag:s6] =	ssyncset.done $0x0  }
0xf6: {  	[sflag:s6] =	ssyncadd.s32 $0xFFFFFF80  }
0xf7: {  	_ =	swait.ge [sflag:s6], $0x80  }
0xf8: {  	[sflag:s6] =	ssyncset.done $0x0  }
0xf9: {  	[sflag:s6] =	ssyncadd.s32 $0xFFFFFF80  }
0xfa: {  	_ =	swait.ge [sflag:s6], $0x80  }
0xfb: {  	[sflag:s6] =	ssyncset.done $0x0  }
0xfc: {  	[sflag:s6] =	ssyncadd.s32 $0xFFFFFF80  }
0xfd: {  	_ =	swait.ge [sflag:s6], $0x80  }
0xfe: {  	[sflag:s6] =	ssyncset.done $0x0  }
0xff: {  	[sflag:s6] =	ssyncadd.s32 $0xFFFFFF80  }
0x100: {  	_ =	swait.ge [sflag:s6], $0x80  }
0x101: {  	[sflag:s6] =	ssyncset.done $0x0  }
0x102: {  	[sflag:s6] =	ssyncadd.s32 $0xFFFFFF80  }
0x103: {  	_ =	swait.ge [sflag:s6], $0x80  }
0x104: {  	[sflag:s6] =	ssyncset.done $0x0  }
0x105: {  	[sflag:s6] =	ssyncadd.s32 $0xFFFFFF80  }
0x106: {  	_ =	swait.ge [sflag:s6], $0x80  }
0x107: {  	[sflag:s6] =	ssyncset.done $0x0  }
0x108: {  	[sflag:s6] =	ssyncadd.s32 $0xFFFFFF80  }
0x109: {  	_ =	swait.ge [sflag:s6], $0x80  }
0x10a: {  	[sflag:s6] =	ssyncset.done $0x0  }
0x10b: {  	[sflag:s6] =	ssyncadd.s32 $0xFFFFFF80  }
0x10c: {  	_ =	swait.ge [sflag:s6], $0x80  }
0x10d: {  	[sflag:s6] =	ssyncset.done $0x0  }
0x10e: {  	[sflag:s6] =	ssyncadd.s32 $0xFFFFFF80  }
0x10f: {  	_ =	swait.ge [sflag:s6], $0x80  }
0x110: {  	[sflag:s6] =	ssyncset.done $0x0  }
0x111: {  	[sflag:s6] =	ssyncadd.s32 $0xFFFFFF80  }
0x112: {  	_ =	swait.ge [sflag:s6], $0x80  }
0x113: {  	[sflag:s6] =	ssyncset.done $0x0  }
0x114: {  	[sflag:s6] =	ssyncadd.s32 $0xFFFFFF80  }
0x115: {  	_ =	swait.ge [sflag:s6], $0x80  }
0x116: {  	[sflag:s6] =	ssyncset.done $0x0  }
0x117: {  	[sflag:s6] =	ssyncadd.s32 $0xFFFFFF80  }
0x118: {  	_ =	swait.ge [sflag:s6], $0x80  }
0x119: {  	[sflag:s6] =	ssyncset.done $0x0  }
0x11a: {  	[sflag:s6] =	ssyncadd.s32 $0xFFFFFF80  }
0x11b: {  	_ =	swait.ge [sflag:s6], $0x80  }
0x11c: {  	[sflag:s6] =	ssyncset.done $0x0  }
0x11d: {  	[sflag:s6] =	ssyncadd.s32 $0xFFFFFF80  }
0x11e: {  	_ =	swait.ge [sflag:s6], $0x80  }
0x11f: {  	[sflag:s6] =	ssyncset.done $0x0  }
0x120: {  	[sflag:s6] =	ssyncadd.s32 $0xFFFFFF80  }
0x121: {  	_ =	swait.ge [sflag:s6], $0x80  }
0x122: {  	[sflag:s6] =	ssyncset.done $0x0  }
0x123: {  	[sflag:s6] =	ssyncadd.s32 $0xFFFFFF80  }
0x124: {  	_ =	swait.ge [sflag:s6], $0x80  }
0x125: {  	[sflag:s6] =	ssyncset.done $0x0  }
0x126: {  	[sflag:s6] =	ssyncadd.s32 $0xFFFFFF80  }
0x127: {  	_ =	swait.ge [sflag:s6], $0x80  }
0x128: {  	[sflag:s6] =	ssyncset.done $0x0  }
0x129: {  	[sflag:s6] =	ssyncadd.s32 $0xFFFFFF80  }
0x12a: {  	_ =	swait.ge [sflag:s6], $0x80  }
0x12b: {  	[sflag:s6] =	ssyncset.done $0x0  }
0x12c: {  	p1 =	sne.s32 s13, $0x1760;
	[sflag:s6] =	ssyncadd.s32 $0xFFFFFF80  }
.Ltmp4:
0x12d: {  	_ =	swait.ge [sflag:s6], $0x80;
	(pc) =	sbr.rel @p1 .LBB2_12-.Ltmp4, $4  }
0x12e: {  	[sflag:s6] =	ssyncset.done $0x0  }
0x12f: {  	[sflag:s6] =	ssyncadd.s32 $0xFFFFFF80  }
0x130: {  	_ =	swait.ge [sflag:s6], $0x80  }
0x131: {  	s13 =	sadd.s32 $0x160, s13;
	s4 =	rddreg [dreg:$0x7];
	[sflag:s6] =	ssyncset.done $0x0  }
0x132: {  	[sflag:s6] =	ssyncadd.s32 $0xFFFFFF80;
	s4 =	sadd.s32 s8, s4  }
0x133: {  	[tilespmem:s10], [sflag:$0x2] =	stream.linear.gather [hbm4b:s4+s3], $0xB00, $0x38;
	[tilespmem:$0x1900] =	vst v63  }
0x134: {  	_ =	swait.ge [sflag:s9], $0xB00  }
0x135: {  	[sflag:s9] =	ssyncset.done $0x0  }
0x136: {  	[sflag:s9] =	ssyncadd.s32 $0xFFFFF500  }
0x137: {  	[spmem:s2] =	stream.indirect.scatter.add.f32 [tilespmem:s12], [sflag:$0x1], $0x1, s10, s11, $0xb8;
	[tilespmem:$0x1900] =	vst v63  }
0x138: {  	_ = 	snop  }
0x139: {  	[spmem:s2] =	stream.indirect.scatter.add.f32 [tilespmem:s12], [sflag:$0x1], $0x1, s16, s11, $0xb8;
	[tilespmem:$0x1900] =	vst v63  }
0x13a: {  	_ = 	snop  }
0x13b: {  	[spmem:s2] =	stream.indirect.scatter.add.f32 [tilespmem:s12], [sflag:$0x1], $0x1, s17, s11, $0xb8;
	[tilespmem:$0x1900] =	vst v63  }
0x13c: {  	_ = 	snop  }
0x13d: {  	[spmem:s2] =	stream.indirect.scatter.add.f32 [tilespmem:s12], [sflag:$0x1], $0x1, s14, s11, $0xb8;
	[tilespmem:$0x1900] =	vst v63  }
0x13e: {  	_ = 	snop  }
0x13f: {  	[spmem:s2] =	stream.indirect.scatter.add.f32 [tilespmem:s12], [sflag:$0x1], $0x1, s20, s11, $0xb8;
	[tilespmem:$0x1900] =	vst v63  }
0x140: {  	_ = 	snop  }
0x141: {  	[spmem:s2] =	stream.indirect.scatter.add.f32 [tilespmem:s12], [sflag:$0x1], $0x1, s21, s11, $0xb8;
	[tilespmem:$0x1900] =	vst v63  }
0x142: {  	_ = 	snop  }
0x143: {  	[spmem:s2] =	stream.indirect.scatter.add.f32 [tilespmem:s12], [sflag:$0x1], $0x1, s22, s11, $0xb8;
	[tilespmem:$0x1900] =	vst v63  }
0x144: {  	_ = 	snop  }
0x145: {  	[spmem:s2] =	stream.indirect.scatter.add.f32 [tilespmem:s12], [sflag:$0x1], $0x1, s23, s11, $0xb8;
	[tilespmem:$0x1900] =	vst v63  }
0x146: {  	_ = 	snop  }
0x147: {  	[spmem:s2] =	stream.indirect.scatter.add.f32 [tilespmem:s12], [sflag:$0x1], $0x1, s24, s11, $0xb8;
	[tilespmem:$0x1900] =	vst v63  }
0x148: {  	_ = 	snop  }
0x149: {  	[spmem:s2] =	stream.indirect.scatter.add.f32 [tilespmem:s12], [sflag:$0x1], $0x1, s25, s11, $0xb8;
	[tilespmem:$0x1900] =	vst v63  }
0x14a: {  	_ = 	snop  }
0x14b: {  	[spmem:s2] =	stream.indirect.scatter.add.f32 [tilespmem:s12], [sflag:$0x1], $0x1, s26, s11, $0xb8;
	[tilespmem:$0x1900] =	vst v63  }
0x14c: {  	_ = 	snop  }
0x14d: {  	[spmem:s2] =	stream.indirect.scatter.add.f32 [tilespmem:s12], [sflag:$0x1], $0x1, s28, s11, $0xb8;
	[tilespmem:$0x1900] =	vst v63  }
0x14e: {  	_ = 	snop  }
0x14f: {  	[spmem:s2] =	stream.indirect.scatter.add.f32 [tilespmem:s12], [sflag:$0x1], $0x1, s29, s11, $0xb8;
	[tilespmem:$0x1900] =	vst v63  }
0x150: {  	_ = 	snop  }
0x151: {  	[spmem:s2] =	stream.indirect.scatter.add.f32 [tilespmem:s12], [sflag:$0x1], $0x1, s30, s11, $0xb8;
	[tilespmem:$0x1900] =	vst v63  }
0x152: {  	_ = 	snop  }
0x153: {  	[spmem:s2] =	stream.indirect.scatter.add.f32 [tilespmem:s12], [sflag:$0x1], $0x1, s31, s11, $0xb8;
	[tilespmem:$0x1900] =	vst v63  }
0x154: {  	_ = 	snop  }
0x155: {  	[spmem:s2] =	stream.indirect.scatter.add.f32 [tilespmem:s12], [sflag:$0x1], $0x1, s0, s11, $0xb8;
	[tilespmem:$0x1900] =	vst v63  }
0x156: {  	_ = 	snop  }
0x157: {  	[spmem:s2] =	stream.indirect.scatter.add.f32 [tilespmem:s12], [sflag:$0x1], $0x1, s1, s11, $0xb8;
	[tilespmem:$0x1900] =	vst v63  }
0x158: {  	_ = 	snop  }
0x159: {  	[spmem:s2] =	stream.indirect.scatter.add.f32 [tilespmem:s12], [sflag:$0x1], $0x1, s5, s11, $0xb8;
	[tilespmem:$0x1900] =	vst v63  }
0x15a: {  	s28 =	simm.s32 $0x1580  }
0x15b: {  	[spmem:s2] =	stream.indirect.scatter.add.f32 [tilespmem:s12], [sflag:$0x1], $0x1, s28, s11, $0xb8;
	[tilespmem:$0x1900] =	vst v63  }
0x15c: {  	s29 =	simm.s32 $0x1600  }
0x15d: {  	[spmem:s2] =	stream.indirect.scatter.add.f32 [tilespmem:s12], [sflag:$0x1], $0x1, s29, s11, $0xb8;
	[tilespmem:$0x1900] =	vst v63  }
0x15e: {  	s30 =	simm.s32 $0x1680  }
0x15f: {  	[spmem:s2] =	stream.indirect.scatter.add.f32 [tilespmem:s12], [sflag:$0x1], $0x1, s30, s11, $0xb8;
	[tilespmem:$0x1900] =	vst v63  }
0x160: {  	s31 =	simm.s32 $0x1700  }
0x161: {  	[spmem:s2] =	stream.indirect.scatter.add.f32 [tilespmem:s12], [sflag:$0x1], $0x1, s31, s11, $0xb8;
	[tilespmem:$0x1900] =	vst v63  }
0x162: {  	_ =	swait.ge [sflag:s6], $0x80  }
0x163: {  	[sflag:s6] =	ssyncset.done $0x0  }
0x164: {  	[sflag:s6] =	ssyncadd.s32 $0xFFFFFF80  }
0x165: {  	_ =	swait.ge [sflag:s6], $0x80  }
0x166: {  	[sflag:s6] =	ssyncset.done $0x0  }
0x167: {  	[sflag:s6] =	ssyncadd.s32 $0xFFFFFF80  }
0x168: {  	_ =	swait.ge [sflag:s6], $0x80  }
0x169: {  	[sflag:s6] =	ssyncset.done $0x0  }
0x16a: {  	[sflag:s6] =	ssyncadd.s32 $0xFFFFFF80  }
0x16b: {  	_ =	swait.ge [sflag:s6], $0x80  }
0x16c: {  	[sflag:s6] =	ssyncset.done $0x0  }
0x16d: {  	[sflag:s6] =	ssyncadd.s32 $0xFFFFFF80  }
0x16e: {  	_ =	swait.ge [sflag:s6], $0x80  }
0x16f: {  	[sflag:s6] =	ssyncset.done $0x0  }
0x170: {  	[sflag:s6] =	ssyncadd.s32 $0xFFFFFF80  }
0x171: {  	_ =	swait.ge [sflag:s6], $0x80  }
0x172: {  	[sflag:s6] =	ssyncset.done $0x0  }
0x173: {  	[sflag:s6] =	ssyncadd.s32 $0xFFFFFF80  }
0x174: {  	_ =	swait.ge [sflag:s6], $0x80  }
0x175: {  	[sflag:s6] =	ssyncset.done $0x0  }
0x176: {  	[sflag:s6] =	ssyncadd.s32 $0xFFFFFF80  }
0x177: {  	_ =	swait.ge [sflag:s6], $0x80  }
0x178: {  	[sflag:s6] =	ssyncset.done $0x0  }
0x179: {  	[sflag:s6] =	ssyncadd.s32 $0xFFFFFF80  }
0x17a: {  	_ =	swait.ge [sflag:s6], $0x80  }
0x17b: {  	[sflag:s6] =	ssyncset.done $0x0  }
0x17c: {  	[sflag:s6] =	ssyncadd.s32 $0xFFFFFF80  }
0x17d: {  	_ =	swait.ge [sflag:s6], $0x80  }
0x17e: {  	[sflag:s6] =	ssyncset.done $0x0  }
0x17f: {  	[sflag:s6] =	ssyncadd.s32 $0xFFFFFF80  }
0x180: {  	_ =	swait.ge [sflag:s6], $0x80  }
0x181: {  	[sflag:s6] =	ssyncset.done $0x0  }
0x182: {  	[sflag:s6] =	ssyncadd.s32 $0xFFFFFF80  }
0x183: {  	_ =	swait.ge [sflag:s6], $0x80  }
0x184: {  	[sflag:s6] =	ssyncset.done $0x0  }
0x185: {  	[sflag:s6] =	ssyncadd.s32 $0xFFFFFF80  }
0x186: {  	_ =	swait.ge [sflag:s6], $0x80  }
0x187: {  	[sflag:s6] =	ssyncset.done $0x0  }
0x188: {  	[sflag:s6] =	ssyncadd.s32 $0xFFFFFF80  }
0x189: {  	_ =	swait.ge [sflag:s6], $0x80  }
0x18a: {  	[sflag:s6] =	ssyncset.done $0x0  }
0x18b: {  	[sflag:s6] =	ssyncadd.s32 $0xFFFFFF80  }
0x18c: {  	_ =	swait.ge [sflag:s6], $0x80  }
0x18d: {  	[sflag:s6] =	ssyncset.done $0x0  }
0x18e: {  	[sflag:s6] =	ssyncadd.s32 $0xFFFFFF80  }
0x18f: {  	_ =	swait.ge [sflag:s6], $0x80  }
0x190: {  	[sflag:s6] =	ssyncset.done $0x0  }
0x191: {  	[sflag:s6] =	ssyncadd.s32 $0xFFFFFF80  }
0x192: {  	_ =	swait.ge [sflag:s6], $0x80  }
0x193: {  	[sflag:s6] =	ssyncset.done $0x0  }
0x194: {  	[sflag:s6] =	ssyncadd.s32 $0xFFFFFF80  }
0x195: {  	_ =	swait.ge [sflag:s6], $0x80  }
0x196: {  	[sflag:s6] =	ssyncset.done $0x0  }
0x197: {  	[sflag:s6] =	ssyncadd.s32 $0xFFFFFF80  }
0x198: {  	_ =	swait.ge [sflag:s6], $0x80  }
0x199: {  	[sflag:s6] =	ssyncset.done $0x0  }
0x19a: {  	[sflag:s6] =	ssyncadd.s32 $0xFFFFFF80  }
0x19b: {  	_ =	swait.ge [sflag:s6], $0x80  }
0x19c: {  	[sflag:s6] =	ssyncset.done $0x0  }
0x19d: {  	[sflag:s6] =	ssyncadd.s32 $0xFFFFFF80  }
0x19e: {  	_ =	swait.ge [sflag:s6], $0x80  }
0x19f: {  	[sflag:s6] =	ssyncset.done $0x0  }
0x1a0: {  	[sflag:s6] =	ssyncadd.s32 $0xFFFFFF80  }
0x1a1: {  	_ =	swait.ge [sflag:s6], $0x80  }
0x1a2: {  	[sflag:s6] =	ssyncset.done $0x0  }
0x1a3: {  	s8 =	simm.s32 $0x0;
	s13 =	simm.s32 $0x10;
	[sflag:s6] =	ssyncadd.s32 $0xFFFFFF80  }
0x1a4: {  	s4 =	smov.u32 s15;
	s14 =	sadd.s32 $0x80, s15;
	[bflag:$0x0] =	sbarrier.arrive $0xFFFF  }
.LBB2_14:
0x1a5: {  	[tilespmem:s7], [sflag:$0x2] =	stream.linear.gather [spmem:s4], $0x80, $0x38;
	[tilespmem:$0x1900] =	vst v63  }
0x1a6: {  	s16 =	smov.u32 s13;
	s4 =	smov.u32 s14  }
0x1a7: {  	p1 =	sne.s32 s13, $0x180;
	s13 =	sadd.s32 $0x10, s13;
	_ =	swait.ge [sflag:s9], $0x80  }
0x1a8: {  	[sflag:s9] =	ssyncset.done $0x0  }
0x1a9: {  	[sflag:s9] =	ssyncadd.s32 $0xFFFFFF80  }
0x1aa: {  	v2 =	vld [tilespmem:$0x18E0]  }
0x1ab: {  	v3 =	vld [tilespmem:$0x18F0]  }
0x1ac: {  	v4 =	vld [tilespmem:$0x18B0]  }
0x1ad: {  	v5 =	vld [tilespmem:$0x1880]  }
0x1ae: {  	v6 =	vld [tilespmem:$0x1890]  }
0x1af: {  	v7 =	vld [tilespmem:$0x18D0];
	(erf) = vrcp.f32 v2  }
0x1b0: {  	v8 =	vld [tilespmem:$0x18A0];
	(erf) = vrcp.f32 v3  }
0x1b1: {  	v9 =	vld [tilespmem:$0x18C0];
	(erf) = vrcp.f32 v4  }
0x1b2: {  	(erf) = vrcp.f32 v5  }
0x1b3: {  	(erf) = vrcp.f32 v6  }
0x1b4: {  	(erf) = vrcp.f32 v7  }
0x1b5: {  	(erf) = vrcp.f32 v8  }
0x1b6: {  	(erf) = vrcp.f32 v9;
	_ =	sdelay $0x1  }
0x1b7: {  	vm0 =	vgt.f32 v2, $0.0e+00;
	v2 =	vpop (erf)  }
0x1b8: {  	v10 =	vnsel vm0, $0x0, v2;
	vm0 =	vgt.f32 v3, $0.0e+00;
	v3 =	vpop (erf)  }
0x1b9: {  	vm1 =	vgt.f32 v4, $0.0e+00;
	[tilespmem:$0x18E0] =	vst v10;
	v4 =	vnsel vm0, $0x0, v3;
	v3 =	vpop (erf)  }
0x1ba: {  	vm0 =	vgt.f32 v5, $0.0e+00;
	v5 =	vnsel vm1, $0x0, v3;
	[tilespmem:$0x18F0] =	vst v4;
	v2 =	vpop (erf)  }
0x1bb: {  	v2 =	vnsel vm0, $0x0, v2;
	vm0 =	vgt.f32 v6, $0.0e+00;
	[tilespmem:$0x18B0] =	vst v5;
	v3 =	vpop (erf)  }
0x1bc: {  	[tilespmem:$0x1880] =	vst v2;
	v5 =	vnsel vm0, $0x0, v3;
	vm0 =	vgt.f32 v7, $0.0e+00;
	v3 =	vpop (erf)  }
0x1bd: {  	vm1 =	vgt.f32 v8, $0.0e+00;
	[tilespmem:$0x1890] =	vst v5;
	v4 =	vnsel vm0, $0x0, v3;
	v3 =	vpop (erf)  }
0x1be: {  	vm0 =	vgt.f32 v9, $0.0e+00;
	v3 =	vnsel vm1, $0x0, v3;
	[tilespmem:$0x18D0] =	vst v4;
	v2 =	vpop (erf)  }
0x1bf: {  	[tilespmem:$0x18A0] =	vst v3;
	v2 =	vnsel vm0, $0x0, v2  }
.Ltmp5:
0x1c0: {  	s17 =	sadd.s32 s8, s19;
	s8 =	smov.u32 s16;
	[tilespmem:$0x18C0] =	vst v2;
	(pc) =	sbr.rel @p1 .LBB2_14-.Ltmp5, $4  }
0x1c1: {  	[hbm4b:s17+s3] =	stream.linear.scatter [tilespmem:s7], [sflag:$0x2], $0x80, $0x38;
	[tilespmem:$0x1900] =	vst v63  }
0x1c2: {  	_ =	swait.ge [sflag:s9], $0x80  }
0x1c3: {  	[sflag:s9] =	ssyncset.done $0x0  }
0x1c4: {  	s14 =	sadd.s32 $0x80, s14;
	[sflag:s9] =	ssyncadd.s32 $0xFFFFFF80  }
.Ltmp6:
0x1c5: {  	_ = 	snop;
	(pc) =	sbr.rel .LBB2_15-.Ltmp6, $1  }
0x1c6: {  	_ =	sdelay $0x3  }
.LBB2_2:
0x1c7: {  	[spmem:s4] =	stream.linear.scatter [tilespmem:s13], [sflag:$0x2], $0x80, $0x38;
	[tilespmem:$0x1900] =	vst v63  }
0x1c8: {  	s4 =	sadd.s32 $0x200, s3;
	_ =	swait.ge [sflag:s9], $0x80  }
.LBB2_3:
0x1c9: {  	s8 =	sshra.s32 s4, $0x2;
	[sflag:s9] =	ssyncset.done $0x0;
	p1 =	sne.s32 s4, $0x3000  }
.Ltmp7:
0x1ca: {  	s8 =	sadd.s32 s8, s15;
	[sflag:s9] =	ssyncadd.s32 $0xFFFFFF80;
	(pc) =	sbr.rel @p1 .LBB2_3-.Ltmp7, $3  }
0x1cb: {  	[spmem:s8] =	stream.linear.scatter [tilespmem:s13], [sflag:$0x2], $0x80, $0x38;
	[tilespmem:$0x1900] =	vst v63  }
0x1cc: {  	s4 =	sadd.s32 $0x200, s4;
	_ =	sdelay $0x1  }
0x1cd: {  	_ =	swait.ge [sflag:s9], $0x80  }
0x1ce: {  	[sflag:s9] =	ssyncset.done $0x0  }
0x1cf: {  	[sflag:s9] =	ssyncadd.s32 $0xFFFFFF80  }
0x1d0: {  	[bflag:$0x0] =	sbarrier.arrive $0xFFFF  }
0x1d1: {  	s4 =	rddreg [dreg:$0x6]  }
0x1d2: {  	s4 =	sadd.s32 $0x0, s4  }
0x1d3: {  	[tilespmem:s10], [sflag:$0x2] =	stream.linear.gather [hbm4b:s4+s3], $0xB00, $0x38;
	[tilespmem:$0x1900] =	vst v63  }
0x1d4: {  	_ =	swait.ge [sflag:s9], $0xB00  }
0x1d5: {  	[sflag:s9] =	ssyncset.done $0x0  }
0x1d6: {  	[sflag:s9] =	ssyncadd.s32 $0xFFFFF500  }
0x1d7: {  	[spmem:s2] =	stream.indirect.scatter.add.f32 [tilespmem:s12], [sflag:$0x1], $0x1, s10, s11, $0xb8;
	[tilespmem:$0x1900] =	vst v63  }
0x1d8: {  	_ = 	snop  }
0x1d9: {  	[spmem:s2] =	stream.indirect.scatter.add.f32 [tilespmem:s12], [sflag:$0x1], $0x1, s16, s11, $0xb8;
	[tilespmem:$0x1900] =	vst v63  }
0x1da: {  	_ = 	snop  }
0x1db: {  	[spmem:s2] =	stream.indirect.scatter.add.f32 [tilespmem:s12], [sflag:$0x1], $0x1, s17, s11, $0xb8;
	[tilespmem:$0x1900] =	vst v63  }
0x1dc: {  	_ = 	snop  }
0x1dd: {  	[spmem:s2] =	stream.indirect.scatter.add.f32 [tilespmem:s12], [sflag:$0x1], $0x1, s14, s11, $0xb8;
	[tilespmem:$0x1900] =	vst v63  }
0x1de: {  	s20 =	simm.s32 $0xE80  }
0x1df: {  	[spmem:s2] =	stream.indirect.scatter.add.f32 [tilespmem:s12], [sflag:$0x1], $0x1, s20, s11, $0xb8;
	[tilespmem:$0x1900] =	vst v63  }
0x1e0: {  	s21 =	simm.s32 $0xF00  }
0x1e1: {  	[spmem:s2] =	stream.indirect.scatter.add.f32 [tilespmem:s12], [sflag:$0x1], $0x1, s21, s11, $0xb8;
	[tilespmem:$0x1900] =	vst v63  }
0x1e2: {  	s22 =	simm.s32 $0xF80  }
0x1e3: {  	[spmem:s2] =	stream.indirect.scatter.add.f32 [tilespmem:s12], [sflag:$0x1], $0x1, s22, s11, $0xb8;
	[tilespmem:$0x1900] =	vst v63  }
0x1e4: {  	s23 =	simm.s32 $0x1000  }
0x1e5: {  	[spmem:s2] =	stream.indirect.scatter.add.f32 [tilespmem:s12], [sflag:$0x1], $0x1, s23, s11, $0xb8;
	[tilespmem:$0x1900] =	vst v63  }
0x1e6: {  	s24 =	simm.s32 $0x1080  }
0x1e7: {  	[spmem:s2] =	stream.indirect.scatter.add.f32 [tilespmem:s12], [sflag:$0x1], $0x1, s24, s11, $0xb8;
	[tilespmem:$0x1900] =	vst v63  }
0x1e8: {  	s25 =	simm.s32 $0x1100  }
0x1e9: {  	[spmem:s2] =	stream.indirect.scatter.add.f32 [tilespmem:s12], [sflag:$0x1], $0x1, s25, s11, $0xb8;
	[tilespmem:$0x1900] =	vst v63  }
0x1ea: {  	s26 =	simm.s32 $0x1180  }
0x1eb: {  	[spmem:s2] =	stream.indirect.scatter.add.f32 [tilespmem:s12], [sflag:$0x1], $0x1, s26, s11, $0xb8;
	[tilespmem:$0x1900] =	vst v63  }
0x1ec: {  	s28 =	simm.s32 $0x1200  }
0x1ed: {  	[spmem:s2] =	stream.indirect.scatter.add.f32 [tilespmem:s12], [sflag:$0x1], $0x1, s28, s11, $0xb8;
	[tilespmem:$0x1900] =	vst v63  }
0x1ee: {  	s29 =	simm.s32 $0x1280  }
0x1ef: {  	[spmem:s2] =	stream.indirect.scatter.add.f32 [tilespmem:s12], [sflag:$0x1], $0x1, s29, s11, $0xb8;
	[tilespmem:$0x1900] =	vst v63  }
0x1f0: {  	s30 =	simm.s32 $0x1300  }
0x1f1: {  	[spmem:s2] =	stream.indirect.scatter.add.f32 [tilespmem:s12], [sflag:$0x1], $0x1, s30, s11, $0xb8;
	[tilespmem:$0x1900] =	vst v63  }
0x1f2: {  	s31 =	simm.s32 $0x1380  }
0x1f3: {  	[spmem:s2] =	stream.indirect.scatter.add.f32 [tilespmem:s12], [sflag:$0x1], $0x1, s31, s11, $0xb8;
	[tilespmem:$0x1900] =	vst v63  }
0x1f4: {  	s0 =	simm.s32 $0x1400  }
0x1f5: {  	[spmem:s2] =	stream.indirect.scatter.add.f32 [tilespmem:s12], [sflag:$0x1], $0x1, s0, s11, $0xb8;
	[tilespmem:$0x1900] =	vst v63  }
0x1f6: {  	s1 =	simm.s32 $0x1480  }
0x1f7: {  	[spmem:s2] =	stream.indirect.scatter.add.f32 [tilespmem:s12], [sflag:$0x1], $0x1, s1, s11, $0xb8;
	[tilespmem:$0x1900] =	vst v63  }
0x1f8: {  	s5 =	simm.s32 $0x1500  }
0x1f9: {  	[spmem:s2] =	stream.indirect.scatter.add.f32 [tilespmem:s12], [sflag:$0x1], $0x1, s5, s11, $0xb8;
	[tilespmem:$0x1900] =	vst v63  }
0x1fa: {  	s14 =	simm.s32 $0x1580  }
0x1fb: {  	[spmem:s2] =	stream.indirect.scatter.add.f32 [tilespmem:s12], [sflag:$0x1], $0x1, s14, s11, $0xb8;
	[tilespmem:$0x1900] =	vst v63  }
0x1fc: {  	s8 =	simm.s32 $0x1600  }
0x1fd: {  	[spmem:s2] =	stream.indirect.scatter.add.f32 [tilespmem:s12], [sflag:$0x1], $0x1, s8, s11, $0xb8;
	[tilespmem:$0x1900] =	vst v63  }
0x1fe: {  	s13 =	simm.s32 $0x1680  }
0x1ff: {  	[spmem:s2] =	stream.indirect.scatter.add.f32 [tilespmem:s12], [sflag:$0x1], $0x1, s13, s11, $0xb8;
	[tilespmem:$0x1900] =	vst v63  }
0x200: {  	s14 =	simm.s32 $0x1700  }
0x201: {  	[spmem:s2] =	stream.indirect.scatter.add.f32 [tilespmem:s12], [sflag:$0x1], $0x1, s14, s11, $0xb8;
	[tilespmem:$0x1900] =	vst v63  }
0x202: {  	_ =	swait.ge [sflag:s6], $0x80  }
0x203: {  	[sflag:s6] =	ssyncset.done $0x0  }
0x204: {  	[sflag:s6] =	ssyncadd.s32 $0xFFFFFF80  }
0x205: {  	_ =	swait.ge [sflag:s6], $0x80  }
0x206: {  	[sflag:s6] =	ssyncset.done $0x0  }
0x207: {  	[sflag:s6] =	ssyncadd.s32 $0xFFFFFF80  }
0x208: {  	_ =	swait.ge [sflag:s6], $0x80  }
0x209: {  	[sflag:s6] =	ssyncset.done $0x0  }
0x20a: {  	[sflag:s6] =	ssyncadd.s32 $0xFFFFFF80  }
0x20b: {  	_ =	swait.ge [sflag:s6], $0x80  }
0x20c: {  	[sflag:s6] =	ssyncset.done $0x0  }
0x20d: {  	[sflag:s6] =	ssyncadd.s32 $0xFFFFFF80  }
0x20e: {  	_ =	swait.ge [sflag:s6], $0x80  }
0x20f: {  	[sflag:s6] =	ssyncset.done $0x0  }
0x210: {  	[sflag:s6] =	ssyncadd.s32 $0xFFFFFF80  }
0x211: {  	_ =	swait.ge [sflag:s6], $0x80  }
0x212: {  	[sflag:s6] =	ssyncset.done $0x0  }
0x213: {  	[sflag:s6] =	ssyncadd.s32 $0xFFFFFF80  }
0x214: {  	_ =	swait.ge [sflag:s6], $0x80  }
0x215: {  	[sflag:s6] =	ssyncset.done $0x0  }
0x216: {  	[sflag:s6] =	ssyncadd.s32 $0xFFFFFF80  }
0x217: {  	_ =	swait.ge [sflag:s6], $0x80  }
0x218: {  	[sflag:s6] =	ssyncset.done $0x0  }
0x219: {  	[sflag:s6] =	ssyncadd.s32 $0xFFFFFF80  }
0x21a: {  	_ =	swait.ge [sflag:s6], $0x80  }
0x21b: {  	[sflag:s6] =	ssyncset.done $0x0  }
0x21c: {  	[sflag:s6] =	ssyncadd.s32 $0xFFFFFF80  }
0x21d: {  	_ =	swait.ge [sflag:s6], $0x80  }
0x21e: {  	[sflag:s6] =	ssyncset.done $0x0  }
0x21f: {  	[sflag:s6] =	ssyncadd.s32 $0xFFFFFF80  }
0x220: {  	_ =	swait.ge [sflag:s6], $0x80  }
0x221: {  	[sflag:s6] =	ssyncset.done $0x0  }
0x222: {  	[sflag:s6] =	ssyncadd.s32 $0xFFFFFF80  }
0x223: {  	_ =	swait.ge [sflag:s6], $0x80  }
0x224: {  	[sflag:s6] =	ssyncset.done $0x0  }
0x225: {  	[sflag:s6] =	ssyncadd.s32 $0xFFFFFF80  }
0x226: {  	_ =	swait.ge [sflag:s6], $0x80  }
0x227: {  	[sflag:s6] =	ssyncset.done $0x0  }
0x228: {  	[sflag:s6] =	ssyncadd.s32 $0xFFFFFF80  }
0x229: {  	_ =	swait.ge [sflag:s6], $0x80  }
0x22a: {  	[sflag:s6] =	ssyncset.done $0x0  }
0x22b: {  	[sflag:s6] =	ssyncadd.s32 $0xFFFFFF80  }
0x22c: {  	_ =	swait.ge [sflag:s6], $0x80  }
0x22d: {  	[sflag:s6] =	ssyncset.done $0x0  }
0x22e: {  	[sflag:s6] =	ssyncadd.s32 $0xFFFFFF80  }
0x22f: {  	_ =	swait.ge [sflag:s6], $0x80  }
0x230: {  	[sflag:s6] =	ssyncset.done $0x0  }
0x231: {  	[sflag:s6] =	ssyncadd.s32 $0xFFFFFF80  }
0x232: {  	_ =	swait.ge [sflag:s6], $0x80  }
0x233: {  	[sflag:s6] =	ssyncset.done $0x0  }
0x234: {  	[sflag:s6] =	ssyncadd.s32 $0xFFFFFF80  }
0x235: {  	_ =	swait.ge [sflag:s6], $0x80  }
0x236: {  	[sflag:s6] =	ssyncset.done $0x0  }
0x237: {  	[sflag:s6] =	ssyncadd.s32 $0xFFFFFF80  }
0x238: {  	_ =	swait.ge [sflag:s6], $0x80  }
0x239: {  	[sflag:s6] =	ssyncset.done $0x0  }
0x23a: {  	[sflag:s6] =	ssyncadd.s32 $0xFFFFFF80  }
0x23b: {  	_ =	swait.ge [sflag:s6], $0x80  }
0x23c: {  	[sflag:s6] =	ssyncset.done $0x0  }
0x23d: {  	[sflag:s6] =	ssyncadd.s32 $0xFFFFFF80  }
0x23e: {  	_ =	swait.ge [sflag:s6], $0x80  }
0x23f: {  	[sflag:s6] =	ssyncset.done $0x0  }
0x240: {  	[sflag:s6] =	ssyncadd.s32 $0xFFFFFF80  }
0x241: {  	s8 =	simm.s32 $0x160;
	_ =	swait.ge [sflag:s6], $0x80  }
0x242: {  	s13 =	simm.s32 $0x2C0;
	s4 =	rddreg [dreg:$0x6];
	[sflag:s6] =	ssyncset.done $0x0  }
.LBB2_5:
0x243: {  	[sflag:s6] =	ssyncadd.s32 $0xFFFFFF80;
	s4 =	sadd.s32 s8, s4  }
0x244: {  	[tilespmem:s10], [sflag:$0x2] =	stream.linear.gather [hbm4b:s4+s3], $0xB00, $0x38;
	[tilespmem:$0x1900] =	vst v63  }
0x245: {  	_ =	swait.ge [sflag:s9], $0xB00  }
0x246: {  	[sflag:s9] =	ssyncset.done $0x0  }
0x247: {  	[sflag:s9] =	ssyncadd.s32 $0xFFFFF500  }
0x248: {  	[spmem:s2] =	stream.indirect.scatter.add.f32 [tilespmem:s12], [sflag:$0x1], $0x1, s10, s11, $0xb8;
	[tilespmem:$0x1900] =	vst v63  }
0x249: {  	_ = 	snop  }
0x24a: {  	[spmem:s2] =	stream.indirect.scatter.add.f32 [tilespmem:s12], [sflag:$0x1], $0x1, s16, s11, $0xb8;
	[tilespmem:$0x1900] =	vst v63  }
0x24b: {  	s14 =	smov.u32 s13  }
0x24c: {  	[spmem:s2] =	stream.indirect.scatter.add.f32 [tilespmem:s12], [sflag:$0x1], $0x1, s17, s11, $0xb8;
	[tilespmem:$0x1900] =	vst v63  }
0x24d: {  	s8 =	smov.u32 s14;
	s14 =	simm.s32 $0xE00  }
0x24e: {  	[spmem:s2] =	stream.indirect.scatter.add.f32 [tilespmem:s12], [sflag:$0x1], $0x1, s14, s11, $0xb8;
	[tilespmem:$0x1900] =	vst v63  }
0x24f: {  	_ = 	snop  }
0x250: {  	[spmem:s2] =	stream.indirect.scatter.add.f32 [tilespmem:s12], [sflag:$0x1], $0x1, s20, s11, $0xb8;
	[tilespmem:$0x1900] =	vst v63  }
0x251: {  	_ = 	snop  }
0x252: {  	[spmem:s2] =	stream.indirect.scatter.add.f32 [tilespmem:s12], [sflag:$0x1], $0x1, s21, s11, $0xb8;
	[tilespmem:$0x1900] =	vst v63  }
0x253: {  	_ = 	snop  }
0x254: {  	[spmem:s2] =	stream.indirect.scatter.add.f32 [tilespmem:s12], [sflag:$0x1], $0x1, s22, s11, $0xb8;
	[tilespmem:$0x1900] =	vst v63  }
0x255: {  	_ = 	snop  }
0x256: {  	[spmem:s2] =	stream.indirect.scatter.add.f32 [tilespmem:s12], [sflag:$0x1], $0x1, s23, s11, $0xb8;
	[tilespmem:$0x1900] =	vst v63  }
0x257: {  	_ = 	snop  }
0x258: {  	[spmem:s2] =	stream.indirect.scatter.add.f32 [tilespmem:s12], [sflag:$0x1], $0x1, s24, s11, $0xb8;
	[tilespmem:$0x1900] =	vst v63  }
0x259: {  	_ = 	snop  }
0x25a: {  	[spmem:s2] =	stream.indirect.scatter.add.f32 [tilespmem:s12], [sflag:$0x1], $0x1, s25, s11, $0xb8;
	[tilespmem:$0x1900] =	vst v63  }
0x25b: {  	_ = 	snop  }
0x25c: {  	[spmem:s2] =	stream.indirect.scatter.add.f32 [tilespmem:s12], [sflag:$0x1], $0x1, s26, s11, $0xb8;
	[tilespmem:$0x1900] =	vst v63  }
0x25d: {  	_ = 	snop  }
0x25e: {  	[spmem:s2] =	stream.indirect.scatter.add.f32 [tilespmem:s12], [sflag:$0x1], $0x1, s28, s11, $0xb8;
	[tilespmem:$0x1900] =	vst v63  }
0x25f: {  	_ = 	snop  }
0x260: {  	[spmem:s2] =	stream.indirect.scatter.add.f32 [tilespmem:s12], [sflag:$0x1], $0x1, s29, s11, $0xb8;
	[tilespmem:$0x1900] =	vst v63  }
0x261: {  	_ = 	snop  }
0x262: {  	[spmem:s2] =	stream.indirect.scatter.add.f32 [tilespmem:s12], [sflag:$0x1], $0x1, s30, s11, $0xb8;
	[tilespmem:$0x1900] =	vst v63  }
0x263: {  	_ = 	snop  }
0x264: {  	[spmem:s2] =	stream.indirect.scatter.add.f32 [tilespmem:s12], [sflag:$0x1], $0x1, s31, s11, $0xb8;
	[tilespmem:$0x1900] =	vst v63  }
0x265: {  	_ = 	snop  }
0x266: {  	[spmem:s2] =	stream.indirect.scatter.add.f32 [tilespmem:s12], [sflag:$0x1], $0x1, s0, s11, $0xb8;
	[tilespmem:$0x1900] =	vst v63  }
0x267: {  	_ = 	snop  }
0x268: {  	[spmem:s2] =	stream.indirect.scatter.add.f32 [tilespmem:s12], [sflag:$0x1], $0x1, s1, s11, $0xb8;
	[tilespmem:$0x1900] =	vst v63  }
0x269: {  	_ = 	snop  }
0x26a: {  	[spmem:s2] =	stream.indirect.scatter.add.f32 [tilespmem:s12], [sflag:$0x1], $0x1, s5, s11, $0xb8;
	[tilespmem:$0x1900] =	vst v63  }
0x26b: {  	s4 =	simm.s32 $0x1580  }
0x26c: {  	[spmem:s2] =	stream.indirect.scatter.add.f32 [tilespmem:s12], [sflag:$0x1], $0x1, s4, s11, $0xb8;
	[tilespmem:$0x1900] =	vst v63  }
0x26d: {  	s4 =	simm.s32 $0x1600  }
0x26e: {  	[spmem:s2] =	stream.indirect.scatter.add.f32 [tilespmem:s12], [sflag:$0x1], $0x1, s4, s11, $0xb8;
	[tilespmem:$0x1900] =	vst v63  }
0x26f: {  	s4 =	simm.s32 $0x1680  }
0x270: {  	[spmem:s2] =	stream.indirect.scatter.add.f32 [tilespmem:s12], [sflag:$0x1], $0x1, s4, s11, $0xb8;
	[tilespmem:$0x1900] =	vst v63  }
0x271: {  	s4 =	simm.s32 $0x1700  }
0x272: {  	[spmem:s2] =	stream.indirect.scatter.add.f32 [tilespmem:s12], [sflag:$0x1], $0x1, s4, s11, $0xb8;
	[tilespmem:$0x1900] =	vst v63  }
0x273: {  	_ =	swait.ge [sflag:s6], $0x80  }
0x274: {  	[sflag:s6] =	ssyncset.done $0x0  }
0x275: {  	[sflag:s6] =	ssyncadd.s32 $0xFFFFFF80  }
0x276: {  	_ =	swait.ge [sflag:s6], $0x80  }
0x277: {  	[sflag:s6] =	ssyncset.done $0x0  }
0x278: {  	[sflag:s6] =	ssyncadd.s32 $0xFFFFFF80  }
0x279: {  	_ =	swait.ge [sflag:s6], $0x80  }
0x27a: {  	[sflag:s6] =	ssyncset.done $0x0  }
0x27b: {  	[sflag:s6] =	ssyncadd.s32 $0xFFFFFF80  }
0x27c: {  	_ =	swait.ge [sflag:s6], $0x80  }
0x27d: {  	[sflag:s6] =	ssyncset.done $0x0  }
0x27e: {  	[sflag:s6] =	ssyncadd.s32 $0xFFFFFF80  }
0x27f: {  	_ =	swait.ge [sflag:s6], $0x80  }
0x280: {  	[sflag:s6] =	ssyncset.done $0x0  }
0x281: {  	[sflag:s6] =	ssyncadd.s32 $0xFFFFFF80  }
0x282: {  	_ =	swait.ge [sflag:s6], $0x80  }
0x283: {  	[sflag:s6] =	ssyncset.done $0x0  }
0x284: {  	[sflag:s6] =	ssyncadd.s32 $0xFFFFFF80  }
0x285: {  	_ =	swait.ge [sflag:s6], $0x80  }
0x286: {  	[sflag:s6] =	ssyncset.done $0x0  }
0x287: {  	[sflag:s6] =	ssyncadd.s32 $0xFFFFFF80  }
0x288: {  	_ =	swait.ge [sflag:s6], $0x80  }
0x289: {  	[sflag:s6] =	ssyncset.done $0x0  }
0x28a: {  	[sflag:s6] =	ssyncadd.s32 $0xFFFFFF80  }
0x28b: {  	_ =	swait.ge [sflag:s6], $0x80  }
0x28c: {  	[sflag:s6] =	ssyncset.done $0x0  }
0x28d: {  	[sflag:s6] =	ssyncadd.s32 $0xFFFFFF80  }
0x28e: {  	_ =	swait.ge [sflag:s6], $0x80  }
0x28f: {  	[sflag:s6] =	ssyncset.done $0x0  }
0x290: {  	[sflag:s6] =	ssyncadd.s32 $0xFFFFFF80  }
0x291: {  	_ =	swait.ge [sflag:s6], $0x80  }
0x292: {  	[sflag:s6] =	ssyncset.done $0x0  }
0x293: {  	[sflag:s6] =	ssyncadd.s32 $0xFFFFFF80  }
0x294: {  	_ =	swait.ge [sflag:s6], $0x80  }
0x295: {  	[sflag:s6] =	ssyncset.done $0x0  }
0x296: {  	[sflag:s6] =	ssyncadd.s32 $0xFFFFFF80  }
0x297: {  	_ =	swait.ge [sflag:s6], $0x80  }
0x298: {  	[sflag:s6] =	ssyncset.done $0x0  }
0x299: {  	[sflag:s6] =	ssyncadd.s32 $0xFFFFFF80  }
0x29a: {  	_ =	swait.ge [sflag:s6], $0x80  }
0x29b: {  	[sflag:s6] =	ssyncset.done $0x0  }
0x29c: {  	[sflag:s6] =	ssyncadd.s32 $0xFFFFFF80  }
0x29d: {  	_ =	swait.ge [sflag:s6], $0x80  }
0x29e: {  	[sflag:s6] =	ssyncset.done $0x0  }
0x29f: {  	[sflag:s6] =	ssyncadd.s32 $0xFFFFFF80  }
0x2a0: {  	_ =	swait.ge [sflag:s6], $0x80  }
0x2a1: {  	[sflag:s6] =	ssyncset.done $0x0  }
0x2a2: {  	[sflag:s6] =	ssyncadd.s32 $0xFFFFFF80  }
0x2a3: {  	_ =	swait.ge [sflag:s6], $0x80  }
0x2a4: {  	[sflag:s6] =	ssyncset.done $0x0  }
0x2a5: {  	[sflag:s6] =	ssyncadd.s32 $0xFFFFFF80  }
0x2a6: {  	_ =	swait.ge [sflag:s6], $0x80  }
0x2a7: {  	[sflag:s6] =	ssyncset.done $0x0  }
0x2a8: {  	[sflag:s6] =	ssyncadd.s32 $0xFFFFFF80  }
0x2a9: {  	_ =	swait.ge [sflag:s6], $0x80  }
0x2aa: {  	[sflag:s6] =	ssyncset.done $0x0  }
0x2ab: {  	[sflag:s6] =	ssyncadd.s32 $0xFFFFFF80  }
0x2ac: {  	_ =	swait.ge [sflag:s6], $0x80  }
0x2ad: {  	[sflag:s6] =	ssyncset.done $0x0  }
0x2ae: {  	p1 =	sne.s32 s13, $0x1760;
	[sflag:s6] =	ssyncadd.s32 $0xFFFFFF80  }
.Ltmp8:
0x2af: {  	_ =	swait.ge [sflag:s6], $0x80;
	(pc) =	sbr.rel @p1 .LBB2_5-.Ltmp8, $4  }
0x2b0: {  	[sflag:s6] =	ssyncset.done $0x0  }
0x2b1: {  	[sflag:s6] =	ssyncadd.s32 $0xFFFFFF80  }
0x2b2: {  	_ =	swait.ge [sflag:s6], $0x80  }
0x2b3: {  	s13 =	sadd.s32 $0x160, s13;
	s4 =	rddreg [dreg:$0x6];
	[sflag:s6] =	ssyncset.done $0x0  }
0x2b4: {  	[sflag:s6] =	ssyncadd.s32 $0xFFFFFF80;
	s4 =	sadd.s32 s8, s4  }
0x2b5: {  	[tilespmem:s10], [sflag:$0x2] =	stream.linear.gather [hbm4b:s4+s3], $0xB00, $0x38;
	[tilespmem:$0x1900] =	vst v63  }
0x2b6: {  	_ =	swait.ge [sflag:s9], $0xB00  }
0x2b7: {  	[sflag:s9] =	ssyncset.done $0x0  }
0x2b8: {  	[sflag:s9] =	ssyncadd.s32 $0xFFFFF500  }
0x2b9: {  	[spmem:s2] =	stream.indirect.scatter.add.f32 [tilespmem:s12], [sflag:$0x1], $0x1, s10, s11, $0xb8;
	[tilespmem:$0x1900] =	vst v63  }
0x2ba: {  	_ = 	snop  }
0x2bb: {  	[spmem:s2] =	stream.indirect.scatter.add.f32 [tilespmem:s12], [sflag:$0x1], $0x1, s16, s11, $0xb8;
	[tilespmem:$0x1900] =	vst v63  }
0x2bc: {  	_ = 	snop  }
0x2bd: {  	[spmem:s2] =	stream.indirect.scatter.add.f32 [tilespmem:s12], [sflag:$0x1], $0x1, s17, s11, $0xb8;
	[tilespmem:$0x1900] =	vst v63  }
0x2be: {  	_ = 	snop  }
0x2bf: {  	[spmem:s2] =	stream.indirect.scatter.add.f32 [tilespmem:s12], [sflag:$0x1], $0x1, s14, s11, $0xb8;
	[tilespmem:$0x1900] =	vst v63  }
0x2c0: {  	_ = 	snop  }
0x2c1: {  	[spmem:s2] =	stream.indirect.scatter.add.f32 [tilespmem:s12], [sflag:$0x1], $0x1, s20, s11, $0xb8;
	[tilespmem:$0x1900] =	vst v63  }
0x2c2: {  	_ = 	snop  }
0x2c3: {  	[spmem:s2] =	stream.indirect.scatter.add.f32 [tilespmem:s12], [sflag:$0x1], $0x1, s21, s11, $0xb8;
	[tilespmem:$0x1900] =	vst v63  }
0x2c4: {  	_ = 	snop  }
0x2c5: {  	[spmem:s2] =	stream.indirect.scatter.add.f32 [tilespmem:s12], [sflag:$0x1], $0x1, s22, s11, $0xb8;
	[tilespmem:$0x1900] =	vst v63  }
0x2c6: {  	_ = 	snop  }
0x2c7: {  	[spmem:s2] =	stream.indirect.scatter.add.f32 [tilespmem:s12], [sflag:$0x1], $0x1, s23, s11, $0xb8;
	[tilespmem:$0x1900] =	vst v63  }
0x2c8: {  	_ = 	snop  }
0x2c9: {  	[spmem:s2] =	stream.indirect.scatter.add.f32 [tilespmem:s12], [sflag:$0x1], $0x1, s24, s11, $0xb8;
	[tilespmem:$0x1900] =	vst v63  }
0x2ca: {  	_ = 	snop  }
0x2cb: {  	[spmem:s2] =	stream.indirect.scatter.add.f32 [tilespmem:s12], [sflag:$0x1], $0x1, s25, s11, $0xb8;
	[tilespmem:$0x1900] =	vst v63  }
0x2cc: {  	_ = 	snop  }
0x2cd: {  	[spmem:s2] =	stream.indirect.scatter.add.f32 [tilespmem:s12], [sflag:$0x1], $0x1, s26, s11, $0xb8;
	[tilespmem:$0x1900] =	vst v63  }
0x2ce: {  	_ = 	snop  }
0x2cf: {  	[spmem:s2] =	stream.indirect.scatter.add.f32 [tilespmem:s12], [sflag:$0x1], $0x1, s28, s11, $0xb8;
	[tilespmem:$0x1900] =	vst v63  }
0x2d0: {  	_ = 	snop  }
0x2d1: {  	[spmem:s2] =	stream.indirect.scatter.add.f32 [tilespmem:s12], [sflag:$0x1], $0x1, s29, s11, $0xb8;
	[tilespmem:$0x1900] =	vst v63  }
0x2d2: {  	_ = 	snop  }
0x2d3: {  	[spmem:s2] =	stream.indirect.scatter.add.f32 [tilespmem:s12], [sflag:$0x1], $0x1, s30, s11, $0xb8;
	[tilespmem:$0x1900] =	vst v63  }
0x2d4: {  	_ = 	snop  }
0x2d5: {  	[spmem:s2] =	stream.indirect.scatter.add.f32 [tilespmem:s12], [sflag:$0x1], $0x1, s31, s11, $0xb8;
	[tilespmem:$0x1900] =	vst v63  }
0x2d6: {  	_ = 	snop  }
0x2d7: {  	[spmem:s2] =	stream.indirect.scatter.add.f32 [tilespmem:s12], [sflag:$0x1], $0x1, s0, s11, $0xb8;
	[tilespmem:$0x1900] =	vst v63  }
0x2d8: {  	_ = 	snop  }
0x2d9: {  	[spmem:s2] =	stream.indirect.scatter.add.f32 [tilespmem:s12], [sflag:$0x1], $0x1, s1, s11, $0xb8;
	[tilespmem:$0x1900] =	vst v63  }
0x2da: {  	_ = 	snop  }
0x2db: {  	[spmem:s2] =	stream.indirect.scatter.add.f32 [tilespmem:s12], [sflag:$0x1], $0x1, s5, s11, $0xb8;
	[tilespmem:$0x1900] =	vst v63  }
0x2dc: {  	s28 =	simm.s32 $0x1580  }
0x2dd: {  	[spmem:s2] =	stream.indirect.scatter.add.f32 [tilespmem:s12], [sflag:$0x1], $0x1, s28, s11, $0xb8;
	[tilespmem:$0x1900] =	vst v63  }
0x2de: {  	s29 =	simm.s32 $0x1600  }
0x2df: {  	[spmem:s2] =	stream.indirect.scatter.add.f32 [tilespmem:s12], [sflag:$0x1], $0x1, s29, s11, $0xb8;
	[tilespmem:$0x1900] =	vst v63  }
0x2e0: {  	s30 =	simm.s32 $0x1680  }
0x2e1: {  	[spmem:s2] =	stream.indirect.scatter.add.f32 [tilespmem:s12], [sflag:$0x1], $0x1, s30, s11, $0xb8;
	[tilespmem:$0x1900] =	vst v63  }
0x2e2: {  	s31 =	simm.s32 $0x1700  }
0x2e3: {  	[spmem:s2] =	stream.indirect.scatter.add.f32 [tilespmem:s12], [sflag:$0x1], $0x1, s31, s11, $0xb8;
	[tilespmem:$0x1900] =	vst v63  }
0x2e4: {  	_ =	swait.ge [sflag:s6], $0x80  }
0x2e5: {  	[sflag:s6] =	ssyncset.done $0x0  }
0x2e6: {  	[sflag:s6] =	ssyncadd.s32 $0xFFFFFF80  }
0x2e7: {  	_ =	swait.ge [sflag:s6], $0x80  }
0x2e8: {  	[sflag:s6] =	ssyncset.done $0x0  }
0x2e9: {  	[sflag:s6] =	ssyncadd.s32 $0xFFFFFF80  }
0x2ea: {  	_ =	swait.ge [sflag:s6], $0x80  }
0x2eb: {  	[sflag:s6] =	ssyncset.done $0x0  }
0x2ec: {  	[sflag:s6] =	ssyncadd.s32 $0xFFFFFF80  }
0x2ed: {  	_ =	swait.ge [sflag:s6], $0x80  }
0x2ee: {  	[sflag:s6] =	ssyncset.done $0x0  }
0x2ef: {  	[sflag:s6] =	ssyncadd.s32 $0xFFFFFF80  }
0x2f0: {  	_ =	swait.ge [sflag:s6], $0x80  }
0x2f1: {  	[sflag:s6] =	ssyncset.done $0x0  }
0x2f2: {  	[sflag:s6] =	ssyncadd.s32 $0xFFFFFF80  }
0x2f3: {  	_ =	swait.ge [sflag:s6], $0x80  }
0x2f4: {  	[sflag:s6] =	ssyncset.done $0x0  }
0x2f5: {  	[sflag:s6] =	ssyncadd.s32 $0xFFFFFF80  }
0x2f6: {  	_ =	swait.ge [sflag:s6], $0x80  }
0x2f7: {  	[sflag:s6] =	ssyncset.done $0x0  }
0x2f8: {  	[sflag:s6] =	ssyncadd.s32 $0xFFFFFF80  }
0x2f9: {  	_ =	swait.ge [sflag:s6], $0x80  }
0x2fa: {  	[sflag:s6] =	ssyncset.done $0x0  }
0x2fb: {  	[sflag:s6] =	ssyncadd.s32 $0xFFFFFF80  }
0x2fc: {  	_ =	swait.ge [sflag:s6], $0x80  }
0x2fd: {  	[sflag:s6] =	ssyncset.done $0x0  }
0x2fe: {  	[sflag:s6] =	ssyncadd.s32 $0xFFFFFF80  }
0x2ff: {  	_ =	swait.ge [sflag:s6], $0x80  }
0x300: {  	[sflag:s6] =	ssyncset.done $0x0  }
0x301: {  	[sflag:s6] =	ssyncadd.s32 $0xFFFFFF80  }
0x302: {  	_ =	swait.ge [sflag:s6], $0x80  }
0x303: {  	[sflag:s6] =	ssyncset.done $0x0  }
0x304: {  	[sflag:s6] =	ssyncadd.s32 $0xFFFFFF80  }
0x305: {  	_ =	swait.ge [sflag:s6], $0x80  }
0x306: {  	[sflag:s6] =	ssyncset.done $0x0  }
0x307: {  	[sflag:s6] =	ssyncadd.s32 $0xFFFFFF80  }
0x308: {  	_ =	swait.ge [sflag:s6], $0x80  }
0x309: {  	[sflag:s6] =	ssyncset.done $0x0  }
0x30a: {  	[sflag:s6] =	ssyncadd.s32 $0xFFFFFF80  }
0x30b: {  	_ =	swait.ge [sflag:s6], $0x80  }
0x30c: {  	[sflag:s6] =	ssyncset.done $0x0  }
0x30d: {  	[sflag:s6] =	ssyncadd.s32 $0xFFFFFF80  }
0x30e: {  	_ =	swait.ge [sflag:s6], $0x80  }
0x30f: {  	[sflag:s6] =	ssyncset.done $0x0  }
0x310: {  	[sflag:s6] =	ssyncadd.s32 $0xFFFFFF80  }
0x311: {  	_ =	swait.ge [sflag:s6], $0x80  }
0x312: {  	[sflag:s6] =	ssyncset.done $0x0  }
0x313: {  	[sflag:s6] =	ssyncadd.s32 $0xFFFFFF80  }
0x314: {  	_ =	swait.ge [sflag:s6], $0x80  }
0x315: {  	[sflag:s6] =	ssyncset.done $0x0  }
0x316: {  	[sflag:s6] =	ssyncadd.s32 $0xFFFFFF80  }
0x317: {  	_ =	swait.ge [sflag:s6], $0x80  }
0x318: {  	[sflag:s6] =	ssyncset.done $0x0  }
0x319: {  	[sflag:s6] =	ssyncadd.s32 $0xFFFFFF80  }
0x31a: {  	_ =	swait.ge [sflag:s6], $0x80  }
0x31b: {  	[sflag:s6] =	ssyncset.done $0x0  }
0x31c: {  	[sflag:s6] =	ssyncadd.s32 $0xFFFFFF80  }
0x31d: {  	_ =	swait.ge [sflag:s6], $0x80  }
0x31e: {  	[sflag:s6] =	ssyncset.done $0x0  }
0x31f: {  	[sflag:s6] =	ssyncadd.s32 $0xFFFFFF80  }
0x320: {  	_ =	swait.ge [sflag:s6], $0x80  }
0x321: {  	[sflag:s6] =	ssyncset.done $0x0  }
0x322: {  	[sflag:s6] =	ssyncadd.s32 $0xFFFFFF80  }
0x323: {  	_ =	swait.ge [sflag:s6], $0x80  }
0x324: {  	[sflag:s6] =	ssyncset.done $0x0  }
0x325: {  	s8 =	simm.s32 $0x0;
	s13 =	simm.s32 $0x10;
	[sflag:s6] =	ssyncadd.s32 $0xFFFFFF80  }
0x326: {  	s4 =	smov.u32 s15;
	s14 =	sadd.s32 $0x80, s15;
	[bflag:$0x0] =	sbarrier.arrive $0xFFFF  }
.LBB2_7:
0x327: {  	[tilespmem:s7], [sflag:$0x2] =	stream.linear.gather [spmem:s4], $0x80, $0x38;
	[tilespmem:$0x1900] =	vst v63  }
0x328: {  	s16 =	smov.u32 s13;
	s4 =	smov.u32 s14  }
0x329: {  	p1 =	seq.s32 s13, $0x180;
	s13 =	sadd.s32 $0x10, s13;
	_ =	swait.ge [sflag:s9], $0x80  }
0x32a: {  	[sflag:s9] =	ssyncset.done $0x0  }
0x32b: {  	[sflag:s9] =	ssyncadd.s32 $0xFFFFFF80  }
0x32c: {  	v2 =	vld [tilespmem:$0x18E0]  }
0x32d: {  	v3 =	vld [tilespmem:$0x18F0]  }
0x32e: {  	v4 =	vld [tilespmem:$0x18B0]  }
0x32f: {  	v5 =	vld [tilespmem:$0x1880]  }
0x330: {  	v6 =	vld [tilespmem:$0x1890]  }
0x331: {  	v7 =	vld [tilespmem:$0x18D0];
	(erf) = vrcp.f32 v2  }
0x332: {  	v8 =	vld [tilespmem:$0x18A0];
	(erf) = vrcp.f32 v3  }
0x333: {  	v9 =	vld [tilespmem:$0x18C0];
	(erf) = vrcp.f32 v4  }
0x334: {  	(erf) = vrcp.f32 v5  }
0x335: {  	(erf) = vrcp.f32 v6  }
0x336: {  	(erf) = vrcp.f32 v7  }
0x337: {  	(erf) = vrcp.f32 v8  }
0x338: {  	(erf) = vrcp.f32 v9;
	_ =	sdelay $0x1  }
0x339: {  	vm0 =	vgt.f32 v2, $0.0e+00;
	v2 =	vpop (erf)  }
0x33a: {  	v10 =	vnsel vm0, $0x0, v2;
	vm0 =	vgt.f32 v3, $0.0e+00;
	v3 =	vpop (erf)  }
0x33b: {  	vm1 =	vgt.f32 v4, $0.0e+00;
	[tilespmem:$0x18E0] =	vst v10;
	v4 =	vnsel vm0, $0x0, v3;
	v3 =	vpop (erf)  }
0x33c: {  	vm0 =	vgt.f32 v5, $0.0e+00;
	v5 =	vnsel vm1, $0x0, v3;
	[tilespmem:$0x18F0] =	vst v4;
	v2 =	vpop (erf)  }
0x33d: {  	v2 =	vnsel vm0, $0x0, v2;
	vm0 =	vgt.f32 v6, $0.0e+00;
	[tilespmem:$0x18B0] =	vst v5;
	v3 =	vpop (erf)  }
0x33e: {  	[tilespmem:$0x1880] =	vst v2;
	v5 =	vnsel vm0, $0x0, v3;
	vm0 =	vgt.f32 v7, $0.0e+00;
	v3 =	vpop (erf)  }
0x33f: {  	vm1 =	vgt.f32 v8, $0.0e+00;
	[tilespmem:$0x1890] =	vst v5;
	v4 =	vnsel vm0, $0x0, v3;
	v3 =	vpop (erf)  }
0x340: {  	vm0 =	vgt.f32 v9, $0.0e+00;
	v3 =	vnsel vm1, $0x0, v3;
	[tilespmem:$0x18D0] =	vst v4;
	v2 =	vpop (erf)  }
0x341: {  	[tilespmem:$0x18A0] =	vst v3;
	v2 =	vnsel vm0, $0x0, v2  }
.Ltmp9:
0x342: {  	s17 =	sadd.s32 s8, s18;
	s8 =	smov.u32 s16;
	[tilespmem:$0x18C0] =	vst v2;
	(pc) =	sbr.rel @!p1 .LBB2_7-.Ltmp9, $4  }
0x343: {  	[hbm4b:s17+s3] =	stream.linear.scatter [tilespmem:s7], [sflag:$0x2], $0x80, $0x38;
	[tilespmem:$0x1900] =	vst v63  }
0x344: {  	_ =	swait.ge [sflag:s9], $0x80  }
0x345: {  	[sflag:s9] =	ssyncset.done $0x0  }
0x346: {  	s14 =	sadd.s32 $0x80, s14;
	[sflag:s9] =	ssyncadd.s32 $0xFFFFFF80  }
0x347: {  	[tilespmem:s7], [sflag:$0x2] =	stream.linear.gather [spmem:s4], $0x80, $0x38;
	[tilespmem:$0x1900] =	vst v63  }
0x348: {  	_ =	swait.ge [sflag:s9], $0x80  }
0x349: {  	[sflag:s9] =	ssyncset.done $0x0  }
0x34a: {  	[sflag:s9] =	ssyncadd.s32 $0xFFFFFF80  }
0x34b: {  	v2 =	vld [tilespmem:$0x18E0]  }
0x34c: {  	v3 =	vld [tilespmem:$0x18F0]  }
0x34d: {  	v4 =	vld [tilespmem:$0x18B0];
	_ =	sdelay $0x2  }
0x34e: {  	v5 =	vld [tilespmem:$0x1880];
	(erf) = vrcp.f32 v2  }
0x34f: {  	v6 =	vld [tilespmem:$0x1890];
	(erf) = vrcp.f32 v3  }
0x350: {  	v7 =	vld [tilespmem:$0x18D0];
	(erf) = vrcp.f32 v4;
	_ =	sdelay $0x2  }
0x351: {  	v8 =	vld [tilespmem:$0x18A0];
	(erf) = vrcp.f32 v5  }
0x352: {  	v9 =	vld [tilespmem:$0x18C0];
	(erf) = vrcp.f32 v6  }
0x353: {  	(erf) = vrcp.f32 v7;
	_ =	sdelay $0x1  }
0x354: {  	vm0 =	vgt.f32 v2, $0.0e+00;
	v2 =	vpop (erf)  }
0x355: {  	vm10 =	vgt.f32 v3, $0.0e+00;
	(erf) = vrcp.f32 v8;
	v2 =	vnsel vm0, $0x0, v2;
	v3 =	vpop (erf)  }
0x356: {  	vm1 =	vgt.f32 v4, $0.0e+00;
	(erf) = vrcp.f32 v9;
	[tilespmem:$0x18E0] =	vst v2;
	v2 =	vnsel vm10, $0x0, v3;
	v3 =	vpop (erf)  }
0x357: {  	v3 =	vnsel vm1, $0x0, v3;
	_ =	sdelay $0x1  }
0x358: {  	vm11 =	vgt.f32 v5, $0.0e+00;
	[tilespmem:$0x18F0] =	vst v2;
	v2 =	vpop (erf)  }
0x359: {  	vm12 =	vgt.f32 v6, $0.0e+00;
	[tilespmem:$0x18B0] =	vst v3;
	v2 =	vnsel vm11, $0x0, v2;
	v3 =	vpop (erf)  }
0x35a: {  	vm13 =	vgt.f32 v7, $0.0e+00;
	[tilespmem:$0x1880] =	vst v2;
	v2 =	vnsel vm12, $0x0, v3;
	v3 =	vpop (erf)  }
0x35b: {  	[tilespmem:$0x1890] =	vst v2;
	v2 =	vnsel vm13, $0x0, v3;
	_ =	sdelay $0x1  }
0x35c: {  	vm14 =	vgt.f32 v8, $0.0e+00;
	v3 =	vpop (erf)  }
0x35d: {  	vm15 =	vgt.f32 v9, $0.0e+00;
	v3 =	vnsel vm14, $0x0, v3;
	[tilespmem:$0x18D0] =	vst v2;
	v2 =	vpop (erf)  }
0x35e: {  	[tilespmem:$0x18A0] =	vst v3;
	v2 =	vnsel vm15, $0x0, v2  }
.Ltmp10:
0x35f: {  	s31 =	sadd.s32 s8, s18;
	[tilespmem:$0x18C0] =	vst v2;
	(pc) =	sbr.rel .LBB2_16-.Ltmp10, $4  }
0x360: {  	[hbm4b:s31+s3] =	stream.linear.scatter [tilespmem:s7], [sflag:$0x2], $0x80, $0x38;
	[tilespmem:$0x1900] =	vst v63  }
0x361: {  	_ =	swait.ge [sflag:s9], $0x80  }
0x362: {  	[sflag:s9] =	ssyncset.done $0x0  }
0x363: {  	s0 =	rddreg [dreg:$0x9];
	[sflag:s9] =	ssyncadd.s32 $0xFFFFFF80  }
.LBB2_17:
0x364: {  	_ =	sfence.sel $0x180000  }
0x365: {  	[bflag:$0x0] =	sbarrier.arrive $0xFFFF  }
0x366: {  	_ =	strace $0x90000047  }
0x367: {  	s0 =	stileid.u32;
	[bflag:$0x2] =	sbarrier.arrive $0xFFFF  }
0x368: {  	p0 =	sne.s32 s0, $0x0;
	s0 =	rddreg [dreg:$0x5]  }
0x369: {  	s0 =	sadd.s32 @!p0 $0x100000, s0  }
0x36a: {  	[sflag:s0] =	ssyncadd.tile.s32 @!p0 $0x1;
	_ =	shalt  }
.Lfunc_end2:
_tile_overlayer_lowered:
.L_overlay_start_2:
0x36b: {  	(tag) =	ssettag $0x2  }
0x36c: {  	s0 =	rddreg [dreg:$0x0];
	s2 =	stileid.u32  }
0x36d: {  	s1 =	rddreg [dreg:$0x1];
	p0 =	sne.s32 s2, $0x0  }
0x36e: {  	s3 =	rddreg [dreg:$0x2];
	[bflag:$0x3] =	sbarrier.arrive $0xFFFF;
	s2 =	simm.s32 @!p0 $0x1C02  }
0x36f: {  	[timem:s3], [sflag:s2] =	dma.local @!p0 [hbm:s0], s1  }
0x370: {  	s0 =	simm.s32 @!p0 $0x2  }
0x371: {  	_ =	swait.ge @!p0 [sflag:s0], s1  }
0x372: {  	s1 =	ssub.s32 @!p0 $0x0, s1;
	[sflag:s0] =	ssyncset.done @!p0 $0x0  }
0x373: {  	[sflag:s0] =	ssyncadd.s32 @!p0 s1  }
0x374: {  	[bflag:$0x3] =	sbarrier.arrive $0xFFFF  }
0x375: {  	_ =	shalt  }

</sc_bundles>
